<compile_context>
chip_gen: v7x
topology: tpu7x:2x2x1
jax: 0.10.2.dev20260603
libtpu: 0.0.44.dev20260713+nightly
codegen_flags: <defaults>
</compile_context>

<pallas_src>
import functools

import jax
import jax.numpy as jnp
from jax import lax
from jax.experimental import pallas as pl
from jax.experimental.pallas import tpu as pltpu
from jax.experimental.pallas import tpu_sc as plsc

_N = 10000
_E = 320000
_H = 8
_C = 16
_HC = 128
_HW = _HC + 16
_G = 64

_NPAD = 10112
_NC = 2
_NS = 16
_NW = _NC * _NS
_EPW = 10240
_BB = 64
_NBLK = _EPW // _BB
_GB = 8
_RPS = _NPAD // _NS

_RB = 128
_NRB = _NPAD // _RB

f32 = jnp.float32
i32 = jnp.int32



def _dense_body(x_ref, waug_ref, wd_ref, hs_ref, d_ref):
    x = x_ref[...]
    hs_ref[...] = jnp.dot(x, waug_ref[...], preferred_element_type=f32)
    d_ref[...] = jnp.dot(x, wd_ref[...], preferred_element_type=f32)


_dense_call = pl.pallas_call(
    _dense_body,
    grid=(_NRB,),
    in_specs=[
        pl.BlockSpec((_RB, _HC), lambda i: (i, 0)),
        pl.BlockSpec((_HC, _HW), lambda i: (0, 0)),
        pl.BlockSpec((_HC, 16), lambda i: (0, 0)),
    ],
    out_specs=[
        pl.BlockSpec((_RB, _HW), lambda i: (i, 0)),
        pl.BlockSpec((_RB, 16), lambda i: (i, 0)),
    ],
    out_shape=[
        jax.ShapeDtypeStruct((_NPAD, _HW), f32),
        jax.ShapeDtypeStruct((_NPAD, 16), f32),
    ],
)


def _mid_body(pa_ref, bias_ref, exp_ref, waug_ref, wd_ref,
              hs_ref, d_ref):
    acc = pa_ref[0, :, :_HC] + pa_ref[1, :, :_HC]
    den16 = pa_ref[0, :, _HC:] + pa_ref[1, :, _HC:]
    den = jnp.dot(den16, exp_ref[...], preferred_element_type=f32)
    x_in = acc / (den + 1e-16) + bias_ref[...]
    x_in = jnp.maximum(x_in, 0.0)
    hs_ref[...] = jnp.dot(x_in, waug_ref[...], preferred_element_type=f32)
    d_ref[...] = jnp.dot(x_in, wd_ref[...], preferred_element_type=f32)


_mid_call = pl.pallas_call(
    _mid_body,
    grid=(_NRB,),
    in_specs=[
        pl.BlockSpec((_NC, _RB, _HW), lambda i: (0, i, 0)),
        pl.BlockSpec((1, _HC), lambda i: (0, 0)),
        pl.BlockSpec((16, _HC), lambda i: (0, 0)),
        pl.BlockSpec((_HC, _HW), lambda i: (0, 0)),
        pl.BlockSpec((_HC, 16), lambda i: (0, 0)),
    ],
    out_specs=[
        pl.BlockSpec((_RB, _HW), lambda i: (i, 0)),
        pl.BlockSpec((_RB, 16), lambda i: (i, 0)),
    ],
    out_shape=[
        jax.ShapeDtypeStruct((_NPAD, _HW), f32),
        jax.ShapeDtypeStruct((_NPAD, 16), f32),
    ],
)


def _pool_body(pa_ref, bias_ref, exp_ref, batch_ref, fcw_ref, fcb_ref,
               out_ref, sums_ref, cnt_ref):
    i = pl.program_id(0)

    @pl.when(i == 0)
    def _():
        sums_ref[...] = jnp.zeros_like(sums_ref)
        cnt_ref[...] = jnp.zeros_like(cnt_ref)

    acc = pa_ref[0, :, :_HC] + pa_ref[1, :, :_HC]
    den16 = pa_ref[0, :, _HC:] + pa_ref[1, :, _HC:]
    den = jnp.dot(den16, exp_ref[...], preferred_element_type=f32)
    node = acc / (den + 1e-16) + bias_ref[...]
    b_ids = batch_ref[0]
    gids = lax.broadcasted_iota(i32, (_G, _RB), 0)
    mask = (b_ids == gids).astype(f32)
    sums_ref[...] += jnp.dot(mask, node, preferred_element_type=f32)
    cnt_ref[...] += jnp.sum(mask, axis=1, keepdims=True)

    @pl.when(i == _NRB - 1)
    def _():
        pooled = sums_ref[...] / jnp.maximum(cnt_ref[...], 1.0)
        out_ref[...] = (jnp.sum(pooled * fcw_ref[...], axis=1, keepdims=True)
                        + fcb_ref[0, 0])


_pool_call = pl.pallas_call(
    _pool_body,
    grid=(_NRB,),
    in_specs=[
        pl.BlockSpec((_NC, _RB, _HW), lambda i: (0, i, 0)),
        pl.BlockSpec((1, _HC), lambda i: (0, 0)),
        pl.BlockSpec((16, _HC), lambda i: (0, 0)),
        pl.BlockSpec((1, 1, _RB), lambda i: (i, 0, 0)),
        pl.BlockSpec((1, _HC), lambda i: (0, 0)),
        pl.BlockSpec((1, 1), lambda i: (0, 0)),
    ],
    out_specs=pl.BlockSpec((_G, 1), lambda i: (0, 0)),
    out_shape=jax.ShapeDtypeStruct((_G, 1), f32),
    scratch_shapes=[
        pltpu.VMEM((_G, _HC), f32),
        pltpu.VMEM((_G, 1), f32),
    ],
)



@functools.lru_cache(maxsize=None)
def _make_edge_pass():
  mesh = plsc.VectorSubcoreMesh(core_axis_name="c", subcore_axis_name="s",
                                num_cores=_NC, num_subcores=_NS)

  ring_buf = [
      pltpu.VMEM((_BB,), i32),
      pltpu.VMEM((_BB,), i32),
      pltpu.VMEM((_BB, _HW), f32),
      pltpu.VMEM((_BB, 16), f32),
      pltpu.SemaphoreType.DMA,
      pltpu.SemaphoreType.DMA,
      pltpu.SemaphoreType.DMA,
  ]

  @functools.partial(
    pl.kernel,
    out_type=jax.ShapeDtypeStruct((_NC, _NPAD, _HW), f32),
    mesh=mesh,
    compiler_params=pltpu.CompilerParams(use_tc_tiling_on_sc=False),
    scratch_types=[
        pltpu.VMEM((_GB, 2 * _BB), i32),
        pltpu.VMEM_SHARED((_NPAD, _HW), f32),
    ] + ring_buf * 3,
  )
  def _edge_pass(edges_h, hs_h, d_h, acc_o, edgeg, accs, *ring):
    bufs = [ring[7 * k:7 * (k + 1)] for k in range(3)]
    cid = lax.axis_index("c")
    sid = lax.axis_index("s")
    wid = sid * _NC + cid

    hr0 = bufs[0][2]
    zv = jnp.zeros((16,), f32)

    def zi(k, _):
        for j in range(_HW // 16):
            hr0[k, pl.ds(16 * j, 16)] = zv
        return 0

    lax.fori_loop(0, _BB, zi, 0)
    r0 = sid * _RPS
    for t in range(_RPS // _BB):
        pltpu.sync_copy(hr0, accs.at[pl.ds(r0 + t * _BB, _BB)])
    rem = _RPS - (_RPS // _BB) * _BB
    pltpu.sync_copy(hr0.at[pl.ds(0, rem)],
                    accs.at[pl.ds(r0 + _RPS - rem, rem)])
    plsc.subcore_barrier()

    base_blk = wid * _NBLK
    nblk = jnp.minimum(_NBLK, jnp.maximum(0, (_E - wid * _EPW) // _BB))

    def load_group(first_blk):
        g = pl.multiple_of(base_blk + first_blk, _GB)
        pltpu.sync_copy(edges_h.at[pl.ds(g, _GB)], edgeg)

    def stage(j, k):
        sv, dv = bufs[k][0], bufs[k][1]
        row = lax.rem(j, _GB)
        for m in range(_BB // 16):
            sv[pl.ds(16 * m, 16)] = edgeg[row, pl.ds(16 * m, 16)]
            dv[pl.ds(16 * m, 16)] = edgeg[row, pl.ds(_BB + 16 * m, 16)]
        hr, dr = bufs[k][2], bufs[k][3]
        g_d, g_h = bufs[k][4], bufs[k][5]
        pltpu.async_copy(d_h.at[dv], dr, g_d)
        pltpu.async_copy(hs_h.at[sv], hr, g_h)

    def wait_gathers(k):
        sv, dv, hr, dr = bufs[k][0], bufs[k][1], bufs[k][2], bufs[k][3]
        g_d, g_h = bufs[k][4], bufs[k][5]
        pltpu.make_async_copy(d_h.at[dv], dr, g_d).wait()
        pltpu.make_async_copy(hs_h.at[sv], hr, g_h).wait()

    def issue_scatter(k):
        dv, hr, g_sc = bufs[k][1], bufs[k][2], bufs[k][6]
        pltpu.async_copy(hr, accs.at[dv], g_sc, add=True)

    def wait_scatter(k):
        dv, hr, g_sc = bufs[k][1], bufs[k][2], bufs[k][6]
        pltpu.make_async_copy(hr, accs.at[dv], g_sc).wait()

    def compute(k):
        hr, dr = bufs[k][2], bufs[k][3]

        def edge_w(b, _):
            e = hr[b, pl.ds(_HC, 16)] + dr[b, :]
            e = jnp.where(e > 0, e, f32(0.2) * e)
            hr[b, pl.ds(_HC, 16)] = jnp.exp(e)
            return 0

        lax.fori_loop(0, _BB, edge_w, 0)

        def edge_m(b, _):
            w = hr[b, pl.ds(_HC, 16)]
            for j in range(_H):
                hr[b, pl.ds(16 * j, 16)] = hr[b, pl.ds(16 * j, 16)] * w[j]
            return 0

        lax.fori_loop(0, _BB, edge_m, 0)

    load_group(0)
    stage(0, 0)
    stage(1, 1)

    def step(i3, _):
        for k in range(3):
            j = 3 * i3 + k

            @pl.when(j < nblk)
            def _():
                k2 = (k + 2) % 3
                wait_gathers(k)
                compute(k)

                @pl.when(j + 2 < nblk)
                def _():
                    @pl.when(j >= 1)
                    def _():
                        wait_scatter(k2)

                    @pl.when(lax.rem(j + 2, _GB) == 0)
                    def _():
                        load_group(j + 2)

                    stage(j + 2, k2)

                issue_scatter(k)

        return 0

    lax.fori_loop(0, (nblk + 2) // 3, step, 0)
    for k in range(3):
        wait_scatter(k)
    plsc.subcore_barrier()
    pltpu.sync_copy(accs.at[pl.ds(r0, _RPS)], acc_o.at[cid, pl.ds(r0, _RPS)])

  return _edge_pass



def _attn_mats(a_src, a_dst):
    eye = jnp.eye(_H, dtype=f32)
    a_s = a_src.reshape(_H, _C)
    a_d = a_dst.reshape(_H, _C)
    As8 = (a_s[:, :, None] * eye[:, None, :]).reshape(_HC, _H)
    Ad8 = (a_d[:, :, None] * eye[:, None, :]).reshape(_HC, _H)
    return (jnp.concatenate([As8, As8], axis=1),
            jnp.concatenate([Ad8, Ad8], axis=1))


def _expand_mat():
    e8 = jnp.kron(jnp.eye(_H, dtype=f32), jnp.ones((1, _C), f32)) * 0.5
    return jnp.concatenate([e8, e8], axis=0)


def kernel(x, edge_index, batch, W1, a_src1, a_dst1, b1, W2, a_src2, a_dst2,
           b2, W3, a_src3, a_dst3, b3, fc_w, fc_b):
    edges2d = jnp.concatenate(
        [edge_index[0].reshape(_E // _BB, _BB),
         edge_index[1].reshape(_E // _BB, _BB)], axis=1)
    xp = jnp.pad(x, ((0, _NPAD - _N), (0, 0)))
    expand = _expand_mat()
    batch3d = jnp.pad(batch, (0, _NPAD - _N), constant_values=_G).reshape(
        _NRB, 1, _RB)

    As1, Ad1 = _attn_mats(a_src1, a_dst1)
    As2, Ad2 = _attn_mats(a_src2, a_dst2)
    As3, Ad3 = _attn_mats(a_src3, a_dst3)
    edge_pass = _make_edge_pass()

    def aug(W, As):
        return jnp.concatenate([W, jnp.dot(W, As)], axis=1)

    Waugs = jnp.stack([aug(W1, As1), aug(W2, As2), aug(W3, As3)])
    Wds = jnp.stack([jnp.dot(W1, Ad1), jnp.dot(W2, Ad2), jnp.dot(W3, Ad3)])
    bs = jnp.stack([jnp.zeros_like(b1), b1, b2]).reshape(3, 1, _HC)

    def body(pa, xs):
        Waugl, Wdl, bl, first = xs
        hs, d = lax.cond(
            first,
            lambda: _dense_call(xp, Waugl, Wdl),
            lambda: _mid_call(pa, bl, expand, Waugl, Wdl),
        )
        pa2 = edge_pass(edges2d, hs, d)
        return pa2, None

    pa0 = jnp.zeros((_NC, _NPAD, _HW), f32)
    pa, _ = lax.scan(
        body, pa0, (Waugs, Wds, bs, jnp.array([True, False, False])))
    out = _pool_call(pa, b3.reshape(1, _HC), expand, batch3d,
                     fc_w.reshape(1, _HC), fc_b.reshape(1, 1))
    return out

# --- scband reference (transcript-rebuilt; emitter-appended) ---
"""Pipeline reference for scband-gatmodel-49959059587121 (READ-ONLY COPY).

The authoritative reference and input builder live on the scoring server;
editing this copy changes nothing except your own understanding.
"""

import jax, jax.numpy as jnp
import numpy as np

N = 10000
E = 320000
F_IN = 128
H = 8
C = 16
HC = H * C  # 128
G = 64


def setup_inputs(seed: int = 0) -> dict:
    key = jax.random.key(seed)
    ks = jax.random.split(key, 20)
    x = jax.random.normal(ks[0], (N, F_IN), dtype=jnp.float32)
    edge_index = jax.random.randint(ks[1], (2, E), 0, N, dtype=jnp.int32)
    batch = jnp.sort(jax.random.randint(ks[2], (N,), 0, G, dtype=jnp.int32))
    s = 0.1
    W1 = jax.random.normal(ks[3], (F_IN, HC), dtype=jnp.float32) * s
    a_src1 = jax.random.normal(ks[4], (1, H, C), dtype=jnp.float32) * s
    a_dst1 = jax.random.normal(ks[5], (1, H, C), dtype=jnp.float32) * s
    b1 = jnp.zeros((HC,), dtype=jnp.float32)
    W2 = jax.random.normal(ks[6], (HC, HC), dtype=jnp.float32) * s
    a_src2 = jax.random.normal(ks[7], (1, H, C), dtype=jnp.float32) * s
    a_dst2 = jax.random.normal(ks[8], (1, H, C), dtype=jnp.float32) * s
    b2 = jnp.zeros((HC,), dtype=jnp.float32)
    W3 = jax.random.normal(ks[9], (HC, HC), dtype=jnp.float32) * s
    a_src3 = jax.random.normal(ks[10], (1, H, C), dtype=jnp.float32) * s
    a_dst3 = jax.random.normal(ks[11], (1, H, C), dtype=jnp.float32) * s
    b3 = jnp.zeros((HC,), dtype=jnp.float32)
    fc_w = jax.random.normal(ks[12], (HC, 1), dtype=jnp.float32) * s
    fc_b = jnp.zeros((1,), dtype=jnp.float32)
    return {"x": x, "edge_index": edge_index, "batch": batch,
            "W1": W1, "a_src1": a_src1, "a_dst1": a_dst1, "b1": b1,
            "W2": W2, "a_src2": a_src2, "a_dst2": a_dst2, "b2": b2,
            "W3": W3, "a_src3": a_src3, "a_dst3": a_dst3, "b3": b3,
            "fc_w": fc_w, "fc_b": fc_b}


def gat_conv(x, edge_index, W, a_src, a_dst, b):
    src = edge_index[0]
    dst = edge_index[1]
    n = x.shape[0]
    h = (x @ W).reshape(n, H, C)
    alpha_s = (h * a_src).sum(-1)  # [N, H]
    alpha_d = (h * a_dst).sum(-1)  # [N, H]
    e = alpha_s[src] + alpha_d[dst]  # [E, H]
    e = jnp.where(e > 0, e, 0.2 * e)  # leaky_relu(0.2)
    emax = jax.ops.segment_max(e, dst, num_segments=n)
    emax = jnp.where(jnp.isfinite(emax), emax, 0.0)
    ex = jnp.exp(e - emax[dst])
    den = jax.ops.segment_sum(ex, dst, num_segments=n)
    alpha = ex / (den[dst] + 1e-16)  # softmax over incoming edges per dst
    msg = h[src] * alpha[:, :, None]
    out = jax.ops.segment_sum(msg, dst, num_segments=n)
    return out.reshape(n, HC) + b


def reference(x, edge_index, batch, W1, a_src1, a_dst1, b1, W2, a_src2, a_dst2, b2,
              W3, a_src3, a_dst3, b3, fc_w, fc_b):
    h = jax.nn.relu(gat_conv(x, edge_index, W1, a_src1, a_dst1, b1))
    # dropout is identity in eval mode
    h = jax.nn.relu(gat_conv(h, edge_index, W2, a_src2, a_dst2, b2))
    h = gat_conv(h, edge_index, W3, a_src3, a_dst3, b3)
    sums = jax.ops.segment_sum(h, batch, num_segments=G)
    cnts = jax.ops.segment_sum(jnp.ones((h.shape[0], 1), dtype=h.dtype), batch, num_segments=G)
    pooled = sums / jnp.maximum(cnts, 1.0)  # global_mean_pool
    return pooled @ fc_w + fc_b

if __name__ == "__main__":
    import jax
    _d = setup_inputs()
    print(jax.jit(kernel)(*tuple(_d.values())))

</pallas_src>

<mosaic_0001>
#map = affine_map<(d0, d1) -> (0, 0)>
#map1 = affine_map<(d0, d1) -> (0, 0, 0)>
module attributes {stable_mosaic.version = 14 : i64} {
  func.func @_edge_pass(%arg0: i32, %arg1: i32, %arg2: memref<5000x128xi32, #tpu.memory_space<hbm>>, %arg3: memref<10112x144xf32, #tpu.memory_space<hbm>>, %arg4: memref<10112x16xf32, #tpu.memory_space<hbm>>, %arg5: memref<2x10112x144xf32, #tpu.memory_space<hbm>>, %arg6: memref<8x128xi32, #tpu.memory_space<vmem>>, %arg7: memref<10112x144xf32, #tpu.memory_space<vmem_shared>>, %arg8: memref<64xi32, #tpu.memory_space<vmem>>, %arg9: memref<64xi32, #tpu.memory_space<vmem>>, %arg10: memref<64x144xf32, #tpu.memory_space<vmem>>, %arg11: memref<64x16xf32, #tpu.memory_space<vmem>>, %arg12: memref<!tpu.dma_semaphore, #tpu.memory_space<semaphore_mem>>, %arg13: memref<!tpu.dma_semaphore, #tpu.memory_space<semaphore_mem>>, %arg14: memref<!tpu.dma_semaphore, #tpu.memory_space<semaphore_mem>>, %arg15: memref<64xi32, #tpu.memory_space<vmem>>, %arg16: memref<64xi32, #tpu.memory_space<vmem>>, %arg17: memref<64x144xf32, #tpu.memory_space<vmem>>, %arg18: memref<64x16xf32, #tpu.memory_space<vmem>>, %arg19: memref<!tpu.dma_semaphore, #tpu.memory_space<semaphore_mem>>, %arg20: memref<!tpu.dma_semaphore, #tpu.memory_space<semaphore_mem>>, %arg21: memref<!tpu.dma_semaphore, #tpu.memory_space<semaphore_mem>>, %arg22: memref<64xi32, #tpu.memory_space<vmem>>, %arg23: memref<64xi32, #tpu.memory_space<vmem>>, %arg24: memref<64x144xf32, #tpu.memory_space<vmem>>, %arg25: memref<64x16xf32, #tpu.memory_space<vmem>>, %arg26: memref<!tpu.dma_semaphore, #tpu.memory_space<semaphore_mem>>, %arg27: memref<!tpu.dma_semaphore, #tpu.memory_space<semaphore_mem>>, %arg28: memref<!tpu.dma_semaphore, #tpu.memory_space<semaphore_mem>>) attributes {dimension_semantics = [#tpu.dimension_semantics<core_parallel>, #tpu.dimension_semantics<subcore_parallel>], iteration_bounds = array<i64: 2, 16>, scalar_prefetch = 0 : i64, scratch_operands = 23 : i64, tpu.core_type = #tpu.core_type<sc_vector_subcore>, window_params = [{transform_indices = #map}, {transform_indices = #map}, {transform_indices = #map}, {transform_indices = #map1}]} {
    %mul3A = arith.constant 2 : i32
    %mul3A_0 = arith.muli %arg1, %mul3A : i32
    %add3A = arith.addi %mul3A_0, %arg0 : i32
    %broadcast_in_dim3A = arith.constant 0.000000e+00 : f32
    %broadcast_in_dim3A_1 = vector.broadcast %broadcast_in_dim3A : f32 to vector<16xf32>
    %scan3A = arith.constant 0 : i32
    %scan3A_2 = arith.constant 0 : i32
    %scan3A_3 = arith.constant 64 : i32
    %scan3A_4 = arith.addi %scan3A_2, %scan3A_3 : i32
    %scan3A_5 = arith.constant 1 : i32
    %scan3A_6 = scf.for %scan3A_247 = %scan3A_2 to %scan3A_4 step %scan3A_5 iter_args(%scan3A_248 = %scan3A) -> (i32)  : i32 {
      %swap3A_249 = arith.index_cast %scan3A_247 : i32 to index
      %swap3A_250 = arith.constant 0 : index
      %swap3A_251 = tpu.vector_load %arg10[%swap3A_249, %swap3A_250] {strides = array<i32>} : memref<64x144xf32, #tpu.memory_space<vmem>>, vector<1x16xf32>,
      %swap3A_252 = vector.shape_cast %swap3A_251 : vector<1x16xf32> to vector<16xf32>
      %swap3A_253 = vector.shape_cast %broadcast_in_dim3A_1 : vector<16xf32> to vector<1x16xf32>
      tpu.vector_store %arg10[%swap3A_249, %swap3A_250], %swap3A_253 {strides = array<i32>} : memref<64x144xf32, #tpu.memory_space<vmem>>, vector<1x16xf32>,
      %swap3A_254 = arith.index_cast %scan3A_247 : i32 to index
      %swap3A_255 = arith.constant 16 : index
      %swap3A_256 = tpu.vector_load %arg10[%swap3A_254, %swap3A_255] {strides = array<i32>} : memref<64x144xf32, #tpu.memory_space<vmem>>, vector<1x16xf32>,
      %swap3A_257 = vector.shape_cast %swap3A_256 : vector<1x16xf32> to vector<16xf32>
      %swap3A_258 = vector.shape_cast %broadcast_in_dim3A_1 : vector<16xf32> to vector<1x16xf32>
      tpu.vector_store %arg10[%swap3A_254, %swap3A_255], %swap3A_258 {strides = array<i32>} : memref<64x144xf32, #tpu.memory_space<vmem>>, vector<1x16xf32>,
      %swap3A_259 = arith.index_cast %scan3A_247 : i32 to index
      %swap3A_260 = arith.constant 32 : index
      %swap3A_261 = tpu.vector_load %arg10[%swap3A_259, %swap3A_260] {strides = array<i32>} : memref<64x144xf32, #tpu.memory_space<vmem>>, vector<1x16xf32>,
      %swap3A_262 = vector.shape_cast %swap3A_261 : vector<1x16xf32> to vector<16xf32>
      %swap3A_263 = vector.shape_cast %broadcast_in_dim3A_1 : vector<16xf32> to vector<1x16xf32>
      tpu.vector_store %arg10[%swap3A_259, %swap3A_260], %swap3A_263 {strides = array<i32>} : memref<64x144xf32, #tpu.memory_space<vmem>>, vector<1x16xf32>,
      %swap3A_264 = arith.index_cast %scan3A_247 : i32 to index
      %swap3A_265 = arith.constant 48 : index
      %swap3A_266 = tpu.vector_load %arg10[%swap3A_264, %swap3A_265] {strides = array<i32>} : memref<64x144xf32, #tpu.memory_space<vmem>>, vector<1x16xf32>,
      %swap3A_267 = vector.shape_cast %swap3A_266 : vector<1x16xf32> to vector<16xf32>
      %swap3A_268 = vector.shape_cast %broadcast_in_dim3A_1 : vector<16xf32> to vector<1x16xf32>
      tpu.vector_store %arg10[%swap3A_264, %swap3A_265], %swap3A_268 {strides = array<i32>} : memref<64x144xf32, #tpu.memory_space<vmem>>, vector<1x16xf32>,
      %swap3A_269 = arith.index_cast %scan3A_247 : i32 to index
      %swap3A_270 = arith.constant 64 : index
      %swap3A_271 = tpu.vector_load %arg10[%swap3A_269, %swap3A_270] {strides = array<i32>} : memref<64x144xf32, #tpu.memory_space<vmem>>, vector<1x16xf32>,
      %swap3A_272 = vector.shape_cast %swap3A_271 : vector<1x16xf32> to vector<16xf32>
      %swap3A_273 = vector.shape_cast %broadcast_in_dim3A_1 : vector<16xf32> to vector<1x16xf32>
      tpu.vector_store %arg10[%swap3A_269, %swap3A_270], %swap3A_273 {strides = array<i32>} : memref<64x144xf32, #tpu.memory_space<vmem>>, vector<1x16xf32>,
      %swap3A_274 = arith.index_cast %scan3A_247 : i32 to index
      %swap3A_275 = arith.constant 80 : index
      %swap3A_276 = tpu.vector_load %arg10[%swap3A_274, %swap3A_275] {strides = array<i32>} : memref<64x144xf32, #tpu.memory_space<vmem>>, vector<1x16xf32>,
      %swap3A_277 = vector.shape_cast %swap3A_276 : vector<1x16xf32> to vector<16xf32>
      %swap3A_278 = vector.shape_cast %broadcast_in_dim3A_1 : vector<16xf32> to vector<1x16xf32>
      tpu.vector_store %arg10[%swap3A_274, %swap3A_275], %swap3A_278 {strides = array<i32>} : memref<64x144xf32, #tpu.memory_space<vmem>>, vector<1x16xf32>,
      %swap3A_279 = arith.index_cast %scan3A_247 : i32 to index
      %swap3A_280 = arith.constant 96 : index
      %swap3A_281 = tpu.vector_load %arg10[%swap3A_279, %swap3A_280] {strides = array<i32>} : memref<64x144xf32, #tpu.memory_space<vmem>>, vector<1x16xf32>,
      %swap3A_282 = vector.shape_cast %swap3A_281 : vector<1x16xf32> to vector<16xf32>
      %swap3A_283 = vector.shape_cast %broadcast_in_dim3A_1 : vector<16xf32> to vector<1x16xf32>
      tpu.vector_store %arg10[%swap3A_279, %swap3A_280], %swap3A_283 {strides = array<i32>} : memref<64x144xf32, #tpu.memory_space<vmem>>, vector<1x16xf32>,
      %swap3A_284 = arith.index_cast %scan3A_247 : i32 to index
      %swap3A_285 = arith.constant 112 : index
      %swap3A_286 = tpu.vector_load %arg10[%swap3A_284, %swap3A_285] {strides = array<i32>} : memref<64x144xf32, #tpu.memory_space<vmem>>, vector<1x16xf32>,
      %swap3A_287 = vector.shape_cast %swap3A_286 : vector<1x16xf32> to vector<16xf32>
      %swap3A_288 = vector.shape_cast %broadcast_in_dim3A_1 : vector<16xf32> to vector<1x16xf32>
      tpu.vector_store %arg10[%swap3A_284, %swap3A_285], %swap3A_288 {strides = array<i32>} : memref<64x144xf32, #tpu.memory_space<vmem>>, vector<1x16xf32>,
      %swap3A_289 = arith.index_cast %scan3A_247 : i32 to index
      %swap3A_290 = arith.constant 128 : index
      %swap3A_291 = tpu.vector_load %arg10[%swap3A_289, %swap3A_290] {strides = array<i32>} : memref<64x144xf32, #tpu.memory_space<vmem>>, vector<1x16xf32>,
      %swap3A_292 = vector.shape_cast %swap3A_291 : vector<1x16xf32> to vector<16xf32>
      %swap3A_293 = vector.shape_cast %broadcast_in_dim3A_1 : vector<16xf32> to vector<1x16xf32>
      tpu.vector_store %arg10[%swap3A_289, %swap3A_290], %swap3A_293 {strides = array<i32>} : memref<64x144xf32, #tpu.memory_space<vmem>>, vector<1x16xf32>,
      %scan3A_294 = arith.constant 0 : i32
      scf.yield %scan3A_294 : i32
    }
    %scan3A_7 = arith.constant 64 : i32
    %mul3A_8 = arith.constant 632 : i32
    %mul3A_9 = arith.muli %arg1, %mul3A_8 : i32
    %add3A_10 = arith.constant 0 : i32
    %add3A_11 = arith.addi %mul3A_9, %add3A_10 : i32
    "tpu.region"() ({
      %run_scoped3A = tpu.sem_alloc : memref<!tpu.dma_semaphore, #tpu.memory_space<semaphore_mem>>
      %dma_start3A_247 = arith.constant 0 : i32
      %dma_start3A_248 = tpu.memref_slice %arg7[%add3A_11, %dma_start3A_247] : memref<10112x144xf32, #tpu.memory_space<vmem_shared>> -> memref<64x144xf32, #tpu.memory_space<vmem_shared>>
      %dma_start3A_249 = arith.constant 0 : i32
      %dma_start3A_250 = tpu.memref_slice %arg7[%add3A_11, %dma_start3A_249] : memref<10112x144xf32, #tpu.memory_space<vmem_shared>> -> memref<64x144xf32, #tpu.memory_space<vmem_shared>>
      tpu.enqueue_dma source(%arg10 : memref<64x144xf32, #tpu.memory_space<vmem>>) target(%dma_start3A_250 : memref<64x144xf32, #tpu.memory_space<vmem_shared>>) target_semaphore(%run_scoped3A : memref<!tpu.dma_semaphore, #tpu.memory_space<semaphore_mem>>)
      %dma_wait3A_251 = arith.constant 0 : i32
      %dma_wait3A_252 = tpu.memref_slice %arg7[%add3A_11, %dma_wait3A_251] : memref<10112x144xf32, #tpu.memory_space<vmem_shared>> -> memref<64x144xf32, #tpu.memory_space<vmem_shared>>
      %dma_wait3A_253 = arith.constant 0 : i32
      %dma_wait3A_254 = tpu.memref_slice %arg7[%add3A_11, %dma_wait3A_253] : memref<10112x144xf32, #tpu.memory_space<vmem_shared>> -> memref<64x144xf32, #tpu.memory_space<vmem_shared>>
      tpu.wait_dma2 semaphore(%run_scoped3A : memref<!tpu.dma_semaphore, #tpu.memory_space<semaphore_mem>>) src(%arg10 : memref<64x144xf32, #tpu.memory_space<vmem>>) dst(%dma_wait3A_254 : memref<64x144xf32, #tpu.memory_space<vmem_shared>>)
      tpu.yield
    }) : () -> ()
    %add3A_12 = arith.constant 64 : i32
    %add3A_13 = arith.addi %mul3A_9, %add3A_12 : i32
    "tpu.region"() ({
      %run_scoped3A = tpu.sem_alloc : memref<!tpu.dma_semaphore, #tpu.memory_space<semaphore_mem>>
      %dma_start3A_247 = arith.constant 0 : i32
      %dma_start3A_248 = tpu.memref_slice %arg7[%add3A_13, %dma_start3A_247] : memref<10112x144xf32, #tpu.memory_space<vmem_shared>> -> memref<64x144xf32, #tpu.memory_space<vmem_shared>>
      %dma_start3A_249 = arith.constant 0 : i32
      %dma_start3A_250 = tpu.memref_slice %arg7[%add3A_13, %dma_start3A_249] : memref<10112x144xf32, #tpu.memory_space<vmem_shared>> -> memref<64x144xf32, #tpu.memory_space<vmem_shared>>
      tpu.enqueue_dma source(%arg10 : memref<64x144xf32, #tpu.memory_space<vmem>>) target(%dma_start3A_250 : memref<64x144xf32, #tpu.memory_space<vmem_shared>>) target_semaphore(%run_scoped3A : memref<!tpu.dma_semaphore, #tpu.memory_space<semaphore_mem>>)
      %dma_wait3A_251 = arith.constant 0 : i32
      %dma_wait3A_252 = tpu.memref_slice %arg7[%add3A_13, %dma_wait3A_251] : memref<10112x144xf32, #tpu.memory_space<vmem_shared>> -> memref<64x144xf32, #tpu.memory_space<vmem_shared>>
      %dma_wait3A_253 = arith.constant 0 : i32
      %dma_wait3A_254 = tpu.memref_slice %arg7[%add3A_13, %dma_wait3A_253] : memref<10112x144xf32, #tpu.memory_space<vmem_shared>> -> memref<64x144xf32, #tpu.memory_space<vmem_shared>>
      tpu.wait_dma2 semaphore(%run_scoped3A : memref<!tpu.dma_semaphore, #tpu.memory_space<semaphore_mem>>) src(%arg10 : memref<64x144xf32, #tpu.memory_space<vmem>>) dst(%dma_wait3A_254 : memref<64x144xf32, #tpu.memory_space<vmem_shared>>)
      tpu.yield
    }) : () -> ()
    %add3A_14 = arith.constant 128 : i32
    %add3A_15 = arith.addi %mul3A_9, %add3A_14 : i32
    "tpu.region"() ({
      %run_scoped3A = tpu.sem_alloc : memref<!tpu.dma_semaphore, #tpu.memory_space<semaphore_mem>>
      %dma_start3A_247 = arith.constant 0 : i32
      %dma_start3A_248 = tpu.memref_slice %arg7[%add3A_15, %dma_start3A_247] : memref<10112x144xf32, #tpu.memory_space<vmem_shared>> -> memref<64x144xf32, #tpu.memory_space<vmem_shared>>
      %dma_start3A_249 = arith.constant 0 : i32
      %dma_start3A_250 = tpu.memref_slice %arg7[%add3A_15, %dma_start3A_249] : memref<10112x144xf32, #tpu.memory_space<vmem_shared>> -> memref<64x144xf32, #tpu.memory_space<vmem_shared>>
      tpu.enqueue_dma source(%arg10 : memref<64x144xf32, #tpu.memory_space<vmem>>) target(%dma_start3A_250 : memref<64x144xf32, #tpu.memory_space<vmem_shared>>) target_semaphore(%run_scoped3A : memref<!tpu.dma_semaphore, #tpu.memory_space<semaphore_mem>>)
      %dma_wait3A_251 = arith.constant 0 : i32
      %dma_wait3A_252 = tpu.memref_slice %arg7[%add3A_15, %dma_wait3A_251] : memref<10112x144xf32, #tpu.memory_space<vmem_shared>> -> memref<64x144xf32, #tpu.memory_space<vmem_shared>>
      %dma_wait3A_253 = arith.constant 0 : i32
      %dma_wait3A_254 = tpu.memref_slice %arg7[%add3A_15, %dma_wait3A_253] : memref<10112x144xf32, #tpu.memory_space<vmem_shared>> -> memref<64x144xf32, #tpu.memory_space<vmem_shared>>
      tpu.wait_dma2 semaphore(%run_scoped3A : memref<!tpu.dma_semaphore, #tpu.memory_space<semaphore_mem>>) src(%arg10 : memref<64x144xf32, #tpu.memory_space<vmem>>) dst(%dma_wait3A_254 : memref<64x144xf32, #tpu.memory_space<vmem_shared>>)
      tpu.yield
    }) : () -> ()
    %add3A_16 = arith.constant 192 : i32
    %add3A_17 = arith.addi %mul3A_9, %add3A_16 : i32
    "tpu.region"() ({
      %run_scoped3A = tpu.sem_alloc : memref<!tpu.dma_semaphore, #tpu.memory_space<semaphore_mem>>
      %dma_start3A_247 = arith.constant 0 : i32
      %dma_start3A_248 = tpu.memref_slice %arg7[%add3A_17, %dma_start3A_247] : memref<10112x144xf32, #tpu.memory_space<vmem_shared>> -> memref<64x144xf32, #tpu.memory_space<vmem_shared>>
      %dma_start3A_249 = arith.constant 0 : i32
      %dma_start3A_250 = tpu.memref_slice %arg7[%add3A_17, %dma_start3A_249] : memref<10112x144xf32, #tpu.memory_space<vmem_shared>> -> memref<64x144xf32, #tpu.memory_space<vmem_shared>>
      tpu.enqueue_dma source(%arg10 : memref<64x144xf32, #tpu.memory_space<vmem>>) target(%dma_start3A_250 : memref<64x144xf32, #tpu.memory_space<vmem_shared>>) target_semaphore(%run_scoped3A : memref<!tpu.dma_semaphore, #tpu.memory_space<semaphore_mem>>)
      %dma_wait3A_251 = arith.constant 0 : i32
      %dma_wait3A_252 = tpu.memref_slice %arg7[%add3A_17, %dma_wait3A_251] : memref<10112x144xf32, #tpu.memory_space<vmem_shared>> -> memref<64x144xf32, #tpu.memory_space<vmem_shared>>
      %dma_wait3A_253 = arith.constant 0 : i32
      %dma_wait3A_254 = tpu.memref_slice %arg7[%add3A_17, %dma_wait3A_253] : memref<10112x144xf32, #tpu.memory_space<vmem_shared>> -> memref<64x144xf32, #tpu.memory_space<vmem_shared>>
      tpu.wait_dma2 semaphore(%run_scoped3A : memref<!tpu.dma_semaphore, #tpu.memory_space<semaphore_mem>>) src(%arg10 : memref<64x144xf32, #tpu.memory_space<vmem>>) dst(%dma_wait3A_254 : memref<64x144xf32, #tpu.memory_space<vmem_shared>>)
      tpu.yield
    }) : () -> ()
    %add3A_18 = arith.constant 256 : i32
    %add3A_19 = arith.addi %mul3A_9, %add3A_18 : i32
    "tpu.region"() ({
      %run_scoped3A = tpu.sem_alloc : memref<!tpu.dma_semaphore, #tpu.memory_space<semaphore_mem>>
      %dma_start3A_247 = arith.constant 0 : i32
      %dma_start3A_248 = tpu.memref_slice %arg7[%add3A_19, %dma_start3A_247] : memref<10112x144xf32, #tpu.memory_space<vmem_shared>> -> memref<64x144xf32, #tpu.memory_space<vmem_shared>>
      %dma_start3A_249 = arith.constant 0 : i32
      %dma_start3A_250 = tpu.memref_slice %arg7[%add3A_19, %dma_start3A_249] : memref<10112x144xf32, #tpu.memory_space<vmem_shared>> -> memref<64x144xf32, #tpu.memory_space<vmem_shared>>
      tpu.enqueue_dma source(%arg10 : memref<64x144xf32, #tpu.memory_space<vmem>>) target(%dma_start3A_250 : memref<64x144xf32, #tpu.memory_space<vmem_shared>>) target_semaphore(%run_scoped3A : memref<!tpu.dma_semaphore, #tpu.memory_space<semaphore_mem>>)
      %dma_wait3A_251 = arith.constant 0 : i32
      %dma_wait3A_252 = tpu.memref_slice %arg7[%add3A_19, %dma_wait3A_251] : memref<10112x144xf32, #tpu.memory_space<vmem_shared>> -> memref<64x144xf32, #tpu.memory_space<vmem_shared>>
      %dma_wait3A_253 = arith.constant 0 : i32
      %dma_wait3A_254 = tpu.memref_slice %arg7[%add3A_19, %dma_wait3A_253] : memref<10112x144xf32, #tpu.memory_space<vmem_shared>> -> memref<64x144xf32, #tpu.memory_space<vmem_shared>>
      tpu.wait_dma2 semaphore(%run_scoped3A : memref<!tpu.dma_semaphore, #tpu.memory_space<semaphore_mem>>) src(%arg10 : memref<64x144xf32, #tpu.memory_space<vmem>>) dst(%dma_wait3A_254 : memref<64x144xf32, #tpu.memory_space<vmem_shared>>)
      tpu.yield
    }) : () -> ()
    %add3A_20 = arith.constant 320 : i32
    %add3A_21 = arith.addi %mul3A_9, %add3A_20 : i32
    "tpu.region"() ({
      %run_scoped3A = tpu.sem_alloc : memref<!tpu.dma_semaphore, #tpu.memory_space<semaphore_mem>>
      %dma_start3A_247 = arith.constant 0 : i32
      %dma_start3A_248 = tpu.memref_slice %arg7[%add3A_21, %dma_start3A_247] : memref<10112x144xf32, #tpu.memory_space<vmem_shared>> -> memref<64x144xf32, #tpu.memory_space<vmem_shared>>
      %dma_start3A_249 = arith.constant 0 : i32
      %dma_start3A_250 = tpu.memref_slice %arg7[%add3A_21, %dma_start3A_249] : memref<10112x144xf32, #tpu.memory_space<vmem_shared>> -> memref<64x144xf32, #tpu.memory_space<vmem_shared>>
      tpu.enqueue_dma source(%arg10 : memref<64x144xf32, #tpu.memory_space<vmem>>) target(%dma_start3A_250 : memref<64x144xf32, #tpu.memory_space<vmem_shared>>) target_semaphore(%run_scoped3A : memref<!tpu.dma_semaphore, #tpu.memory_space<semaphore_mem>>)
      %dma_wait3A_251 = arith.constant 0 : i32
      %dma_wait3A_252 = tpu.memref_slice %arg7[%add3A_21, %dma_wait3A_251] : memref<10112x144xf32, #tpu.memory_space<vmem_shared>> -> memref<64x144xf32, #tpu.memory_space<vmem_shared>>
      %dma_wait3A_253 = arith.constant 0 : i32
      %dma_wait3A_254 = tpu.memref_slice %arg7[%add3A_21, %dma_wait3A_253] : memref<10112x144xf32, #tpu.memory_space<vmem_shared>> -> memref<64x144xf32, #tpu.memory_space<vmem_shared>>
      tpu.wait_dma2 semaphore(%run_scoped3A : memref<!tpu.dma_semaphore, #tpu.memory_space<semaphore_mem>>) src(%arg10 : memref<64x144xf32, #tpu.memory_space<vmem>>) dst(%dma_wait3A_254 : memref<64x144xf32, #tpu.memory_space<vmem_shared>>)
      tpu.yield
    }) : () -> ()
    %add3A_22 = arith.constant 384 : i32
    %add3A_23 = arith.addi %mul3A_9, %add3A_22 : i32
    "tpu.region"() ({
      %run_scoped3A = tpu.sem_alloc : memref<!tpu.dma_semaphore, #tpu.memory_space<semaphore_mem>>
      %dma_start3A_247 = arith.constant 0 : i32
      %dma_start3A_248 = tpu.memref_slice %arg7[%add3A_23, %dma_start3A_247] : memref<10112x144xf32, #tpu.memory_space<vmem_shared>> -> memref<64x144xf32, #tpu.memory_space<vmem_shared>>
      %dma_start3A_249 = arith.constant 0 : i32
      %dma_start3A_250 = tpu.memref_slice %arg7[%add3A_23, %dma_start3A_249] : memref<10112x144xf32, #tpu.memory_space<vmem_shared>> -> memref<64x144xf32, #tpu.memory_space<vmem_shared>>
      tpu.enqueue_dma source(%arg10 : memref<64x144xf32, #tpu.memory_space<vmem>>) target(%dma_start3A_250 : memref<64x144xf32, #tpu.memory_space<vmem_shared>>) target_semaphore(%run_scoped3A : memref<!tpu.dma_semaphore, #tpu.memory_space<semaphore_mem>>)
      %dma_wait3A_251 = arith.constant 0 : i32
      %dma_wait3A_252 = tpu.memref_slice %arg7[%add3A_23, %dma_wait3A_251] : memref<10112x144xf32, #tpu.memory_space<vmem_shared>> -> memref<64x144xf32, #tpu.memory_space<vmem_shared>>
      %dma_wait3A_253 = arith.constant 0 : i32
      %dma_wait3A_254 = tpu.memref_slice %arg7[%add3A_23, %dma_wait3A_253] : memref<10112x144xf32, #tpu.memory_space<vmem_shared>> -> memref<64x144xf32, #tpu.memory_space<vmem_shared>>
      tpu.wait_dma2 semaphore(%run_scoped3A : memref<!tpu.dma_semaphore, #tpu.memory_space<semaphore_mem>>) src(%arg10 : memref<64x144xf32, #tpu.memory_space<vmem>>) dst(%dma_wait3A_254 : memref<64x144xf32, #tpu.memory_space<vmem_shared>>)
      tpu.yield
    }) : () -> ()
    %add3A_24 = arith.constant 448 : i32
    %add3A_25 = arith.addi %mul3A_9, %add3A_24 : i32
    "tpu.region"() ({
      %run_scoped3A = tpu.sem_alloc : memref<!tpu.dma_semaphore, #tpu.memory_space<semaphore_mem>>
      %dma_start3A_247 = arith.constant 0 : i32
      %dma_start3A_248 = tpu.memref_slice %arg7[%add3A_25, %dma_start3A_247] : memref<10112x144xf32, #tpu.memory_space<vmem_shared>> -> memref<64x144xf32, #tpu.memory_space<vmem_shared>>
      %dma_start3A_249 = arith.constant 0 : i32
      %dma_start3A_250 = tpu.memref_slice %arg7[%add3A_25, %dma_start3A_249] : memref<10112x144xf32, #tpu.memory_space<vmem_shared>> -> memref<64x144xf32, #tpu.memory_space<vmem_shared>>
      tpu.enqueue_dma source(%arg10 : memref<64x144xf32, #tpu.memory_space<vmem>>) target(%dma_start3A_250 : memref<64x144xf32, #tpu.memory_space<vmem_shared>>) target_semaphore(%run_scoped3A : memref<!tpu.dma_semaphore, #tpu.memory_space<semaphore_mem>>)
      %dma_wait3A_251 = arith.constant 0 : i32
      %dma_wait3A_252 = tpu.memref_slice %arg7[%add3A_25, %dma_wait3A_251] : memref<10112x144xf32, #tpu.memory_space<vmem_shared>> -> memref<64x144xf32, #tpu.memory_space<vmem_shared>>
      %dma_wait3A_253 = arith.constant 0 : i32
      %dma_wait3A_254 = tpu.memref_slice %arg7[%add3A_25, %dma_wait3A_253] : memref<10112x144xf32, #tpu.memory_space<vmem_shared>> -> memref<64x144xf32, #tpu.memory_space<vmem_shared>>
      tpu.wait_dma2 semaphore(%run_scoped3A : memref<!tpu.dma_semaphore, #tpu.memory_space<semaphore_mem>>) src(%arg10 : memref<64x144xf32, #tpu.memory_space<vmem>>) dst(%dma_wait3A_254 : memref<64x144xf32, #tpu.memory_space<vmem_shared>>)
      tpu.yield
    }) : () -> ()
    %add3A_26 = arith.constant 512 : i32
    %add3A_27 = arith.addi %mul3A_9, %add3A_26 : i32
    "tpu.region"() ({
      %run_scoped3A = tpu.sem_alloc : memref<!tpu.dma_semaphore, #tpu.memory_space<semaphore_mem>>
      %dma_start3A_247 = arith.constant 0 : i32
      %dma_start3A_248 = tpu.memref_slice %arg7[%add3A_27, %dma_start3A_247] : memref<10112x144xf32, #tpu.memory_space<vmem_shared>> -> memref<64x144xf32, #tpu.memory_space<vmem_shared>>
      %dma_start3A_249 = arith.constant 0 : i32
      %dma_start3A_250 = tpu.memref_slice %arg7[%add3A_27, %dma_start3A_249] : memref<10112x144xf32, #tpu.memory_space<vmem_shared>> -> memref<64x144xf32, #tpu.memory_space<vmem_shared>>
      tpu.enqueue_dma source(%arg10 : memref<64x144xf32, #tpu.memory_space<vmem>>) target(%dma_start3A_250 : memref<64x144xf32, #tpu.memory_space<vmem_shared>>) target_semaphore(%run_scoped3A : memref<!tpu.dma_semaphore, #tpu.memory_space<semaphore_mem>>)
      %dma_wait3A_251 = arith.constant 0 : i32
      %dma_wait3A_252 = tpu.memref_slice %arg7[%add3A_27, %dma_wait3A_251] : memref<10112x144xf32, #tpu.memory_space<vmem_shared>> -> memref<64x144xf32, #tpu.memory_space<vmem_shared>>
      %dma_wait3A_253 = arith.constant 0 : i32
      %dma_wait3A_254 = tpu.memref_slice %arg7[%add3A_27, %dma_wait3A_253] : memref<10112x144xf32, #tpu.memory_space<vmem_shared>> -> memref<64x144xf32, #tpu.memory_space<vmem_shared>>
      tpu.wait_dma2 semaphore(%run_scoped3A : memref<!tpu.dma_semaphore, #tpu.memory_space<semaphore_mem>>) src(%arg10 : memref<64x144xf32, #tpu.memory_space<vmem>>) dst(%dma_wait3A_254 : memref<64x144xf32, #tpu.memory_space<vmem_shared>>)
      tpu.yield
    }) : () -> ()
    %add3A_28 = arith.constant 632 : i32
    %add3A_29 = arith.addi %mul3A_9, %add3A_28 : i32
    %sub3A = arith.constant 56 : i32
    %sub3A_30 = arith.subi %add3A_29, %sub3A : i32
    "tpu.region"() ({
      %run_scoped3A = tpu.sem_alloc : memref<!tpu.dma_semaphore, #tpu.memory_space<semaphore_mem>>
      %dma_start3A_247 = arith.constant 0 : i32
      %dma_start3A_248 = arith.constant 0 : i32
      %dma_start3A_249 = tpu.memref_slice %arg10[%dma_start3A_247, %dma_start3A_248] : memref<64x144xf32, #tpu.memory_space<vmem>> -> memref<56x144xf32, #tpu.memory_space<vmem>>
      %dma_start3A_250 = arith.constant 0 : i32
      %dma_start3A_251 = tpu.memref_slice %arg7[%sub3A_30, %dma_start3A_250] : memref<10112x144xf32, #tpu.memory_space<vmem_shared>> -> memref<56x144xf32, #tpu.memory_space<vmem_shared>>
      %dma_start3A_252 = arith.constant 0 : i32
      %dma_start3A_253 = tpu.memref_slice %arg7[%sub3A_30, %dma_start3A_252] : memref<10112x144xf32, #tpu.memory_space<vmem_shared>> -> memref<56x144xf32, #tpu.memory_space<vmem_shared>>
      %dma_start3A_254 = arith.constant 0 : i32
      %dma_start3A_255 = arith.constant 0 : i32
      %dma_start3A_256 = tpu.memref_slice %arg10[%dma_start3A_254, %dma_start3A_255] : memref<64x144xf32, #tpu.memory_space<vmem>> -> memref<56x144xf32, #tpu.memory_space<vmem>>
      tpu.enqueue_dma source(%dma_start3A_256 : memref<56x144xf32, #tpu.memory_space<vmem>>) target(%dma_start3A_253 : memref<56x144xf32, #tpu.memory_space<vmem_shared>>) target_semaphore(%run_scoped3A : memref<!tpu.dma_semaphore, #tpu.memory_space<semaphore_mem>>)
      %dma_wait3A_257 = arith.constant 0 : i32
      %dma_wait3A_258 = arith.constant 0 : i32
      %dma_wait3A_259 = tpu.memref_slice %arg10[%dma_wait3A_257, %dma_wait3A_258] : memref<64x144xf32, #tpu.memory_space<vmem>> -> memref<56x144xf32, #tpu.memory_space<vmem>>
      %dma_wait3A_260 = arith.constant 0 : i32
      %dma_wait3A_261 = tpu.memref_slice %arg7[%sub3A_30, %dma_wait3A_260] : memref<10112x144xf32, #tpu.memory_space<vmem_shared>> -> memref<56x144xf32, #tpu.memory_space<vmem_shared>>
      %dma_wait3A_262 = arith.constant 0 : i32
      %dma_wait3A_263 = tpu.memref_slice %arg7[%sub3A_30, %dma_wait3A_262] : memref<10112x144xf32, #tpu.memory_space<vmem_shared>> -> memref<56x144xf32, #tpu.memory_space<vmem_shared>>
      %dma_wait3A_264 = arith.constant 0 : i32
      %dma_wait3A_265 = arith.constant 0 : i32
      %dma_wait3A_266 = tpu.memref_slice %arg10[%dma_wait3A_264, %dma_wait3A_265] : memref<64x144xf32, #tpu.memory_space<vmem>> -> memref<56x144xf32, #tpu.memory_space<vmem>>
      tpu.wait_dma2 semaphore(%run_scoped3A : memref<!tpu.dma_semaphore, #tpu.memory_space<semaphore_mem>>) src(%dma_wait3A_266 : memref<56x144xf32, #tpu.memory_space<vmem>>) dst(%dma_wait3A_263 : memref<56x144xf32, #tpu.memory_space<vmem_shared>>)
      tpu.yield
    }) : () -> ()
    %barrier3A = arith.constant 0 : index
    tpu.barrier barrier_id(%barrier3A)
    %mul3A_31 = arith.constant 160 : i32
    %mul3A_32 = arith.muli %add3A, %mul3A_31 : i32
    %mul3A_33 = arith.constant 10240 : i32
    %mul3A_34 = arith.muli %add3A, %mul3A_33 : i32
    %sub3A_35 = arith.constant 320000 : i32
    %sub3A_36 = arith.subi %sub3A_35, %mul3A_34 : i32
    %jit3A = arith.constant 64 : i32
    %div3A = arith.divsi %sub3A_36, %jit3A : i32
    %sign3A = arith.constant 0 : i32
    %sign3A_37 = arith.cmpi sgt, %sub3A_36, %sign3A : i32
    %sign3A_38 = arith.extui %sign3A_37 : i1 to i32
    %sign3A_39 = arith.constant 0 : i32
    %sign3A_40 = arith.cmpi slt, %sub3A_36, %sign3A_39 : i32
    %sign3A_41 = arith.extui %sign3A_40 : i1 to i32
    %sign3A_42 = arith.subi %sign3A_38, %sign3A_41 : i32
    %sign3A_43 = arith.constant 0 : i32
    %sign3A_44 = arith.cmpi sgt, %jit3A, %sign3A_43 : i32
    %sign3A_45 = arith.extui %sign3A_44 : i1 to i32
    %sign3A_46 = arith.constant 0 : i32
    %sign3A_47 = arith.cmpi slt, %jit3A, %sign3A_46 : i32
    %sign3A_48 = arith.extui %sign3A_47 : i1 to i32
    %sign3A_49 = arith.subi %sign3A_45, %sign3A_48 : i32
    %ne3A = arith.cmpi ne, %sign3A_42, %sign3A_49 : i32
    %rem3A = arith.remsi %sub3A_36, %jit3A : i32
    %ne3A_50 = arith.constant 0 : i32
    %ne3A_51 = arith.cmpi ne, %rem3A, %ne3A_50 : i32
    %and3A = arith.andi %ne3A, %ne3A_51 : i1
    %sub3A_52 = arith.constant 1 : i32
    %sub3A_53 = arith.subi %div3A, %sub3A_52 : i32
    %select_n3A = arith.select %and3A, %sub3A_53, %div3A : i32
    %max3A = arith.constant 0 : i32
    %max3A_54 = arith.maxsi %max3A, %select_n3A : i32
    %min3A = arith.constant 160 : i32
    %min3A_55 = arith.minsi %min3A, %max3A_54 : i32
    %add3A_56 = arith.constant 0 : i32
    %add3A_57 = arith.addi %mul3A_32, %add3A_56 : i32
    %multiple_of3A = tpu.assume_multiple %add3A_57, 8 : i32
    "tpu.region"() ({
      %run_scoped3A = tpu.sem_alloc : memref<!tpu.dma_semaphore, #tpu.memory_space<semaphore_mem>>
      %dma_start3A_247 = arith.constant 0 : i32
      %dma_start3A_248 = tpu.memref_slice %arg2[%multiple_of3A, %dma_start3A_247] : memref<5000x128xi32, #tpu.memory_space<hbm>> -> memref<8x128xi32, #tpu.memory_space<hbm>>
      %dma_start3A_249 = arith.constant 0 : i32
      %dma_start3A_250 = tpu.memref_slice %arg2[%multiple_of3A, %dma_start3A_249] : memref<5000x128xi32, #tpu.memory_space<hbm>> -> memref<8x128xi32, #tpu.memory_space<hbm>>
      tpu.enqueue_dma source(%dma_start3A_250 : memref<8x128xi32, #tpu.memory_space<hbm>>) target(%arg6 : memref<8x128xi32, #tpu.memory_space<vmem>>) target_semaphore(%run_scoped3A : memref<!tpu.dma_semaphore, #tpu.memory_space<semaphore_mem>>)
      %dma_wait3A_251 = arith.constant 0 : i32
      %dma_wait3A_252 = tpu.memref_slice %arg2[%multiple_of3A, %dma_wait3A_251] : memref<5000x128xi32, #tpu.memory_space<hbm>> -> memref<8x128xi32, #tpu.memory_space<hbm>>
      %dma_wait3A_253 = arith.constant 0 : i32
      %dma_wait3A_254 = tpu.memref_slice %arg2[%multiple_of3A, %dma_wait3A_253] : memref<5000x128xi32, #tpu.memory_space<hbm>> -> memref<8x128xi32, #tpu.memory_space<hbm>>
      tpu.wait_dma2 semaphore(%run_scoped3A : memref<!tpu.dma_semaphore, #tpu.memory_space<semaphore_mem>>) src(%dma_wait3A_254 : memref<8x128xi32, #tpu.memory_space<hbm>>) dst(%arg6 : memref<8x128xi32, #tpu.memory_space<vmem>>)
      tpu.yield
    }) : () -> ()
    %rem3A_58 = arith.constant 0 : i32
    %rem3A_59 = arith.constant 8 : i32
    %rem3A_60 = arith.remsi %rem3A_58, %rem3A_59 : i32
    %get3A = arith.index_cast %rem3A_60 : i32 to index
    %get3A_61 = arith.constant 0 : index
    %get3A_62 = tpu.vector_load %arg6[%get3A, %get3A_61] {strides = array<i32>} : memref<8x128xi32, #tpu.memory_space<vmem>>, vector<1x16xi32>,
    %get3A_63 = vector.shape_cast %get3A_62 : vector<1x16xi32> to vector<16xi32>
    %swap3A = arith.constant 0 : index
    %swap3A_64 = tpu.vector_load %arg8[%swap3A] {strides = array<i32>} : memref<64xi32, #tpu.memory_space<vmem>>, vector<16xi32>,
    %swap3A_65 = vector.shape_cast %swap3A_64 : vector<16xi32> to vector<16xi32>
    %swap3A_66 = vector.shape_cast %get3A_63 : vector<16xi32> to vector<16xi32>
    tpu.vector_store %arg8[%swap3A], %swap3A_66 {strides = array<i32>} : memref<64xi32, #tpu.memory_space<vmem>>, vector<16xi32>,
    %get3A_67 = arith.index_cast %rem3A_60 : i32 to index
    %get3A_68 = arith.constant 64 : index
    %get3A_69 = tpu.vector_load %arg6[%get3A_67, %get3A_68] {strides = array<i32>} : memref<8x128xi32, #tpu.memory_space<vmem>>, vector<1x16xi32>,
    %get3A_70 = vector.shape_cast %get3A_69 : vector<1x16xi32> to vector<16xi32>
    %swap3A_71 = arith.constant 0 : index
    %swap3A_72 = tpu.vector_load %arg9[%swap3A_71] {strides = array<i32>} : memref<64xi32, #tpu.memory_space<vmem>>, vector<16xi32>,
    %swap3A_73 = vector.shape_cast %swap3A_72 : vector<16xi32> to vector<16xi32>
    %swap3A_74 = vector.shape_cast %get3A_70 : vector<16xi32> to vector<16xi32>
    tpu.vector_store %arg9[%swap3A_71], %swap3A_74 {strides = array<i32>} : memref<64xi32, #tpu.memory_space<vmem>>, vector<16xi32>,
    %get3A_75 = arith.index_cast %rem3A_60 : i32 to index
    %get3A_76 = arith.constant 16 : index
    %get3A_77 = tpu.vector_load %arg6[%get3A_75, %get3A_76] {strides = array<i32>} : memref<8x128xi32, #tpu.memory_space<vmem>>, vector<1x16xi32>,
    %get3A_78 = vector.shape_cast %get3A_77 : vector<1x16xi32> to vector<16xi32>
    %swap3A_79 = arith.constant 16 : index
    %swap3A_80 = tpu.vector_load %arg8[%swap3A_79] {strides = array<i32>} : memref<64xi32, #tpu.memory_space<vmem>>, vector<16xi32>,
    %swap3A_81 = vector.shape_cast %swap3A_80 : vector<16xi32> to vector<16xi32>
    %swap3A_82 = vector.shape_cast %get3A_78 : vector<16xi32> to vector<16xi32>
    tpu.vector_store %arg8[%swap3A_79], %swap3A_82 {strides = array<i32>} : memref<64xi32, #tpu.memory_space<vmem>>, vector<16xi32>,
    %get3A_83 = arith.index_cast %rem3A_60 : i32 to index
    %get3A_84 = arith.constant 80 : index
    %get3A_85 = tpu.vector_load %arg6[%get3A_83, %get3A_84] {strides = array<i32>} : memref<8x128xi32, #tpu.memory_space<vmem>>, vector<1x16xi32>,
    %get3A_86 = vector.shape_cast %get3A_85 : vector<1x16xi32> to vector<16xi32>
    %swap3A_87 = arith.constant 16 : index
    %swap3A_88 = tpu.vector_load %arg9[%swap3A_87] {strides = array<i32>} : memref<64xi32, #tpu.memory_space<vmem>>, vector<16xi32>,
    %swap3A_89 = vector.shape_cast %swap3A_88 : vector<16xi32> to vector<16xi32>
    %swap3A_90 = vector.shape_cast %get3A_86 : vector<16xi32> to vector<16xi32>
    tpu.vector_store %arg9[%swap3A_87], %swap3A_90 {strides = array<i32>} : memref<64xi32, #tpu.memory_space<vmem>>, vector<16xi32>,
    %get3A_91 = arith.index_cast %rem3A_60 : i32 to index
    %get3A_92 = arith.constant 32 : index
    %get3A_93 = tpu.vector_load %arg6[%get3A_91, %get3A_92] {strides = array<i32>} : memref<8x128xi32, #tpu.memory_space<vmem>>, vector<1x16xi32>,
    %get3A_94 = vector.shape_cast %get3A_93 : vector<1x16xi32> to vector<16xi32>
    %swap3A_95 = arith.constant 32 : index
    %swap3A_96 = tpu.vector_load %arg8[%swap3A_95] {strides = array<i32>} : memref<64xi32, #tpu.memory_space<vmem>>, vector<16xi32>,
    %swap3A_97 = vector.shape_cast %swap3A_96 : vector<16xi32> to vector<16xi32>
    %swap3A_98 = vector.shape_cast %get3A_94 : vector<16xi32> to vector<16xi32>
    tpu.vector_store %arg8[%swap3A_95], %swap3A_98 {strides = array<i32>} : memref<64xi32, #tpu.memory_space<vmem>>, vector<16xi32>,
    %get3A_99 = arith.index_cast %rem3A_60 : i32 to index
    %get3A_100 = arith.constant 96 : index
    %get3A_101 = tpu.vector_load %arg6[%get3A_99, %get3A_100] {strides = array<i32>} : memref<8x128xi32, #tpu.memory_space<vmem>>, vector<1x16xi32>,
    %get3A_102 = vector.shape_cast %get3A_101 : vector<1x16xi32> to vector<16xi32>
    %swap3A_103 = arith.constant 32 : index
    %swap3A_104 = tpu.vector_load %arg9[%swap3A_103] {strides = array<i32>} : memref<64xi32, #tpu.memory_space<vmem>>, vector<16xi32>,
    %swap3A_105 = vector.shape_cast %swap3A_104 : vector<16xi32> to vector<16xi32>
    %swap3A_106 = vector.shape_cast %get3A_102 : vector<16xi32> to vector<16xi32>
    tpu.vector_store %arg9[%swap3A_103], %swap3A_106 {strides = array<i32>} : memref<64xi32, #tpu.memory_space<vmem>>, vector<16xi32>,
    %get3A_107 = arith.index_cast %rem3A_60 : i32 to index
    %get3A_108 = arith.constant 48 : index
    %get3A_109 = tpu.vector_load %arg6[%get3A_107, %get3A_108] {strides = array<i32>} : memref<8x128xi32, #tpu.memory_space<vmem>>, vector<1x16xi32>,
    %get3A_110 = vector.shape_cast %get3A_109 : vector<1x16xi32> to vector<16xi32>
    %swap3A_111 = arith.constant 48 : index
    %swap3A_112 = tpu.vector_load %arg8[%swap3A_111] {strides = array<i32>} : memref<64xi32, #tpu.memory_space<vmem>>, vector<16xi32>,
    %swap3A_113 = vector.shape_cast %swap3A_112 : vector<16xi32> to vector<16xi32>
    %swap3A_114 = vector.shape_cast %get3A_110 : vector<16xi32> to vector<16xi32>
    tpu.vector_store %arg8[%swap3A_111], %swap3A_114 {strides = array<i32>} : memref<64xi32, #tpu.memory_space<vmem>>, vector<16xi32>,
    %get3A_115 = arith.index_cast %rem3A_60 : i32 to index
    %get3A_116 = arith.constant 112 : index
    %get3A_117 = tpu.vector_load %arg6[%get3A_115, %get3A_116] {strides = array<i32>} : memref<8x128xi32, #tpu.memory_space<vmem>>, vector<1x16xi32>,
    %get3A_118 = vector.shape_cast %get3A_117 : vector<1x16xi32> to vector<16xi32>
    %swap3A_119 = arith.constant 48 : index
    %swap3A_120 = tpu.vector_load %arg9[%swap3A_119] {strides = array<i32>} : memref<64xi32, #tpu.memory_space<vmem>>, vector<16xi32>,
    %swap3A_121 = vector.shape_cast %swap3A_120 : vector<16xi32> to vector<16xi32>
    %swap3A_122 = vector.shape_cast %get3A_118 : vector<16xi32> to vector<16xi32>
    tpu.vector_store %arg9[%swap3A_119], %swap3A_122 {strides = array<i32>} : memref<64xi32, #tpu.memory_space<vmem>>, vector<16xi32>,
    %dma_start3A = arith.constant 0 : i32
    %dma_start3A_123 = arith.constant 0 : i32
    %dma_start3A_124 = tpu.memref_slice %arg4[%dma_start3A, %dma_start3A_123] : memref<10112x16xf32, #tpu.memory_space<hbm>> -> memref<10112x16xf32, #tpu.memory_space<hbm>>
    tpu.enqueue_indirect_dma source(%dma_start3A_124 : memref<10112x16xf32, #tpu.memory_space<hbm>>) target(%arg11 : memref<64x16xf32, #tpu.memory_space<vmem>>) offsets(%arg9 : memref<64xi32, #tpu.memory_space<vmem>>) semaphore(%arg12 : memref<!tpu.dma_semaphore, #tpu.memory_space<semaphore_mem>>)
    %dma_start3A_125 = arith.constant 0 : i32
    %dma_start3A_126 = arith.constant 0 : i32
    %dma_start3A_127 = tpu.memref_slice %arg3[%dma_start3A_125, %dma_start3A_126] : memref<10112x144xf32, #tpu.memory_space<hbm>> -> memref<10112x144xf32, #tpu.memory_space<hbm>>
    tpu.enqueue_indirect_dma source(%dma_start3A_127 : memref<10112x144xf32, #tpu.memory_space<hbm>>) target(%arg10 : memref<64x144xf32, #tpu.memory_space<vmem>>) offsets(%arg8 : memref<64xi32, #tpu.memory_space<vmem>>) semaphore(%arg13 : memref<!tpu.dma_semaphore, #tpu.memory_space<semaphore_mem>>)
    %rem3A_128 = arith.constant 1 : i32
    %rem3A_129 = arith.constant 8 : i32
    %rem3A_130 = arith.remsi %rem3A_128, %rem3A_129 : i32
    %get3A_131 = arith.index_cast %rem3A_130 : i32 to index
    %get3A_132 = arith.constant 0 : index
    %get3A_133 = tpu.vector_load %arg6[%get3A_131, %get3A_132] {strides = array<i32>} : memref<8x128xi32, #tpu.memory_space<vmem>>, vector<1x16xi32>,
    %get3A_134 = vector.shape_cast %get3A_133 : vector<1x16xi32> to vector<16xi32>
    %swap3A_135 = arith.constant 0 : index
    %swap3A_136 = tpu.vector_load %arg15[%swap3A_135] {strides = array<i32>} : memref<64xi32, #tpu.memory_space<vmem>>, vector<16xi32>,
    %swap3A_137 = vector.shape_cast %swap3A_136 : vector<16xi32> to vector<16xi32>
    %swap3A_138 = vector.shape_cast %get3A_134 : vector<16xi32> to vector<16xi32>
    tpu.vector_store %arg15[%swap3A_135], %swap3A_138 {strides = array<i32>} : memref<64xi32, #tpu.memory_space<vmem>>, vector<16xi32>,
    %get3A_139 = arith.index_cast %rem3A_130 : i32 to index
    %get3A_140 = arith.constant 64 : index
    %get3A_141 = tpu.vector_load %arg6[%get3A_139, %get3A_140] {strides = array<i32>} : memref<8x128xi32, #tpu.memory_space<vmem>>, vector<1x16xi32>,
    %get3A_142 = vector.shape_cast %get3A_141 : vector<1x16xi32> to vector<16xi32>
    %swap3A_143 = arith.constant 0 : index
    %swap3A_144 = tpu.vector_load %arg16[%swap3A_143] {strides = array<i32>} : memref<64xi32, #tpu.memory_space<vmem>>, vector<16xi32>,
    %swap3A_145 = vector.shape_cast %swap3A_144 : vector<16xi32> to vector<16xi32>
    %swap3A_146 = vector.shape_cast %get3A_142 : vector<16xi32> to vector<16xi32>
    tpu.vector_store %arg16[%swap3A_143], %swap3A_146 {strides = array<i32>} : memref<64xi32, #tpu.memory_space<vmem>>, vector<16xi32>,
    %get3A_147 = arith.index_cast %rem3A_130 : i32 to index
    %get3A_148 = arith.constant 16 : index
    %get3A_149 = tpu.vector_load %arg6[%get3A_147, %get3A_148] {strides = array<i32>} : memref<8x128xi32, #tpu.memory_space<vmem>>, vector<1x16xi32>,
    %get3A_150 = vector.shape_cast %get3A_149 : vector<1x16xi32> to vector<16xi32>
    %swap3A_151 = arith.constant 16 : index
    %swap3A_152 = tpu.vector_load %arg15[%swap3A_151] {strides = array<i32>} : memref<64xi32, #tpu.memory_space<vmem>>, vector<16xi32>,
    %swap3A_153 = vector.shape_cast %swap3A_152 : vector<16xi32> to vector<16xi32>
    %swap3A_154 = vector.shape_cast %get3A_150 : vector<16xi32> to vector<16xi32>
    tpu.vector_store %arg15[%swap3A_151], %swap3A_154 {strides = array<i32>} : memref<64xi32, #tpu.memory_space<vmem>>, vector<16xi32>,
    %get3A_155 = arith.index_cast %rem3A_130 : i32 to index
    %get3A_156 = arith.constant 80 : index
    %get3A_157 = tpu.vector_load %arg6[%get3A_155, %get3A_156] {strides = array<i32>} : memref<8x128xi32, #tpu.memory_space<vmem>>, vector<1x16xi32>,
    %get3A_158 = vector.shape_cast %get3A_157 : vector<1x16xi32> to vector<16xi32>
    %swap3A_159 = arith.constant 16 : index
    %swap3A_160 = tpu.vector_load %arg16[%swap3A_159] {strides = array<i32>} : memref<64xi32, #tpu.memory_space<vmem>>, vector<16xi32>,
    %swap3A_161 = vector.shape_cast %swap3A_160 : vector<16xi32> to vector<16xi32>
    %swap3A_162 = vector.shape_cast %get3A_158 : vector<16xi32> to vector<16xi32>
    tpu.vector_store %arg16[%swap3A_159], %swap3A_162 {strides = array<i32>} : memref<64xi32, #tpu.memory_space<vmem>>, vector<16xi32>,
    %get3A_163 = arith.index_cast %rem3A_130 : i32 to index
    %get3A_164 = arith.constant 32 : index
    %get3A_165 = tpu.vector_load %arg6[%get3A_163, %get3A_164] {strides = array<i32>} : memref<8x128xi32, #tpu.memory_space<vmem>>, vector<1x16xi32>,
    %get3A_166 = vector.shape_cast %get3A_165 : vector<1x16xi32> to vector<16xi32>
    %swap3A_167 = arith.constant 32 : index
    %swap3A_168 = tpu.vector_load %arg15[%swap3A_167] {strides = array<i32>} : memref<64xi32, #tpu.memory_space<vmem>>, vector<16xi32>,
    %swap3A_169 = vector.shape_cast %swap3A_168 : vector<16xi32> to vector<16xi32>
    %swap3A_170 = vector.shape_cast %get3A_166 : vector<16xi32> to vector<16xi32>
    tpu.vector_store %arg15[%swap3A_167], %swap3A_170 {strides = array<i32>} : memref<64xi32, #tpu.memory_space<vmem>>, vector<16xi32>,
    %get3A_171 = arith.index_cast %rem3A_130 : i32 to index
    %get3A_172 = arith.constant 96 : index
    %get3A_173 = tpu.vector_load %arg6[%get3A_171, %get3A_172] {strides = array<i32>} : memref<8x128xi32, #tpu.memory_space<vmem>>, vector<1x16xi32>,
    %get3A_174 = vector.shape_cast %get3A_173 : vector<1x16xi32> to vector<16xi32>
    %swap3A_175 = arith.constant 32 : index
    %swap3A_176 = tpu.vector_load %arg16[%swap3A_175] {strides = array<i32>} : memref<64xi32, #tpu.memory_space<vmem>>, vector<16xi32>,
    %swap3A_177 = vector.shape_cast %swap3A_176 : vector<16xi32> to vector<16xi32>
    %swap3A_178 = vector.shape_cast %get3A_174 : vector<16xi32> to vector<16xi32>
    tpu.vector_store %arg16[%swap3A_175], %swap3A_178 {strides = array<i32>} : memref<64xi32, #tpu.memory_space<vmem>>, vector<16xi32>,
    %get3A_179 = arith.index_cast %rem3A_130 : i32 to index
    %get3A_180 = arith.constant 48 : index
    %get3A_181 = tpu.vector_load %arg6[%get3A_179, %get3A_180] {strides = array<i32>} : memref<8x128xi32, #tpu.memory_space<vmem>>, vector<1x16xi32>,
    %get3A_182 = vector.shape_cast %get3A_181 : vector<1x16xi32> to vector<16xi32>
    %swap3A_183 = arith.constant 48 : index
    %swap3A_184 = tpu.vector_load %arg15[%swap3A_183] {strides = array<i32>} : memref<64xi32, #tpu.memory_space<vmem>>, vector<16xi32>,
    %swap3A_185 = vector.shape_cast %swap3A_184 : vector<16xi32> to vector<16xi32>
    %swap3A_186 = vector.shape_cast %get3A_182 : vector<16xi32> to vector<16xi32>
    tpu.vector_store %arg15[%swap3A_183], %swap3A_186 {strides = array<i32>} : memref<64xi32, #tpu.memory_space<vmem>>, vector<16xi32>,
    %get3A_187 = arith.index_cast %rem3A_130 : i32 to index
    %get3A_188 = arith.constant 112 : index
    %get3A_189 = tpu.vector_load %arg6[%get3A_187, %get3A_188] {strides = array<i32>} : memref<8x128xi32, #tpu.memory_space<vmem>>, vector<1x16xi32>,
    %get3A_190 = vector.shape_cast %get3A_189 : vector<1x16xi32> to vector<16xi32>
    %swap3A_191 = arith.constant 48 : index
    %swap3A_192 = tpu.vector_load %arg16[%swap3A_191] {strides = array<i32>} : memref<64xi32, #tpu.memory_space<vmem>>, vector<16xi32>,
    %swap3A_193 = vector.shape_cast %swap3A_192 : vector<16xi32> to vector<16xi32>
    %swap3A_194 = vector.shape_cast %get3A_190 : vector<16xi32> to vector<16xi32>
    tpu.vector_store %arg16[%swap3A_191], %swap3A_194 {strides = array<i32>} : memref<64xi32, #tpu.memory_space<vmem>>, vector<16xi32>,
    %dma_start3A_195 = arith.constant 0 : i32
    %dma_start3A_196 = arith.constant 0 : i32
    %dma_start3A_197 = tpu.memref_slice %arg4[%dma_start3A_195, %dma_start3A_196] : memref<10112x16xf32, #tpu.memory_space<hbm>> -> memref<10112x16xf32, #tpu.memory_space<hbm>>
    tpu.enqueue_indirect_dma source(%dma_start3A_197 : memref<10112x16xf32, #tpu.memory_space<hbm>>) target(%arg18 : memref<64x16xf32, #tpu.memory_space<vmem>>) offsets(%arg16 : memref<64xi32, #tpu.memory_space<vmem>>) semaphore(%arg19 : memref<!tpu.dma_semaphore, #tpu.memory_space<semaphore_mem>>)
    %dma_start3A_198 = arith.constant 0 : i32
    %dma_start3A_199 = arith.constant 0 : i32
    %dma_start3A_200 = tpu.memref_slice %arg3[%dma_start3A_198, %dma_start3A_199] : memref<10112x144xf32, #tpu.memory_space<hbm>> -> memref<10112x144xf32, #tpu.memory_space<hbm>>
    tpu.enqueue_indirect_dma source(%dma_start3A_200 : memref<10112x144xf32, #tpu.memory_space<hbm>>) target(%arg17 : memref<64x144xf32, #tpu.memory_space<vmem>>) offsets(%arg15 : memref<64xi32, #tpu.memory_space<vmem>>) semaphore(%arg20 : memref<!tpu.dma_semaphore, #tpu.memory_space<semaphore_mem>>)
    %add3A_201 = arith.constant 2 : i32
    %add3A_202 = arith.addi %min3A_55, %add3A_201 : i32
    %jit3A_203 = arith.constant 3 : i32
    %div3A_204 = arith.divsi %add3A_202, %jit3A_203 : i32
    %sign3A_205 = arith.constant 0 : i32
    %sign3A_206 = arith.cmpi sgt, %add3A_202, %sign3A_205 : i32
    %sign3A_207 = arith.extui %sign3A_206 : i1 to i32
    %sign3A_208 = arith.constant 0 : i32
    %sign3A_209 = arith.cmpi slt, %add3A_202, %sign3A_208 : i32
    %sign3A_210 = arith.extui %sign3A_209 : i1 to i32
    %sign3A_211 = arith.subi %sign3A_207, %sign3A_210 : i32
    %sign3A_212 = arith.constant 0 : i32
    %sign3A_213 = arith.cmpi sgt, %jit3A_203, %sign3A_212 : i32
    %sign3A_214 = arith.extui %sign3A_213 : i1 to i32
    %sign3A_215 = arith.constant 0 : i32
    %sign3A_216 = arith.cmpi slt, %jit3A_203, %sign3A_215 : i32
    %sign3A_217 = arith.extui %sign3A_216 : i1 to i32
    %sign3A_218 = arith.subi %sign3A_214, %sign3A_217 : i32
    %ne3A_219 = arith.cmpi ne, %sign3A_211, %sign3A_218 : i32
    %rem3A_220 = arith.remsi %add3A_202, %jit3A_203 : i32
    %ne3A_221 = arith.constant 0 : i32
    %ne3A_222 = arith.cmpi ne, %rem3A_220, %ne3A_221 : i32
    %and3A_223 = arith.andi %ne3A_219, %ne3A_222 : i1
    %sub3A_224 = arith.constant 1 : i32
    %sub3A_225 = arith.subi %div3A_204, %sub3A_224 : i32
    %select_n3A_226 = arith.select %and3A_223, %sub3A_225, %div3A_204 : i32
    %while3A = arith.constant 0 : i32
    %while3A_227 = arith.constant 0 : i32
    %while3A_228 = arith.subi %select_n3A_226, %while3A : i32
    %while3A_229 = arith.addi %while3A, %while3A_228 : i32
    %while3A_230 = arith.constant 1 : i32
    %while3A_231 = arith.divsi %while3A_228, %while3A_230 : i32
    %while3A_232 = arith.muli %while3A_231, %while3A_230 : i32
    %while3A_233 = arith.addi %while3A, %while3A_232 : i32
    %while3A_234 = arith.constant 1 : i32
    %while3A_235 = scf.for %while3A_247 = %while3A to %while3A_233 step %while3A_234 iter_args(%while3A_248 = %while3A_227) -> (i32)  : i32 {
      %mul3A_249 = arith.constant 3 : i32
      %mul3A_250 = arith.muli %mul3A_249, %while3A_247 : i32
      %add3A_251 = arith.constant 0 : i32
      %add3A_252 = arith.addi %mul3A_250, %add3A_251 : i32
      %lt3A = arith.cmpi slt, %add3A_252, %min3A_55 : i32
      %convert_element_type3A = arith.extui %lt3A : i1 to i32
      %cond3A = arith.constant 0 : i32
      %cond3A_253 = arith.cmpi ne, %convert_element_type3A, %cond3A : i32
      scf.if %cond3A_253 {
        %dma_wait3A_271 = arith.constant 0 : i32
        %dma_wait3A_272 = arith.constant 0 : i32
        %dma_wait3A_273 = tpu.memref_slice %arg4[%dma_wait3A_271, %dma_wait3A_272] : memref<10112x16xf32, #tpu.memory_space<hbm>> -> memref<10112x16xf32, #tpu.memory_space<hbm>>
        tpu.wait_indirect_dma semaphore(%arg12 : memref<!tpu.dma_semaphore, #tpu.memory_space<semaphore_mem>>) src(%dma_wait3A_273 : memref<10112x16xf32, #tpu.memory_space<hbm>>) dst(%arg11 : memref<64x16xf32, #tpu.memory_space<vmem>>)
        %dma_wait3A_274 = arith.constant 0 : i32
        %dma_wait3A_275 = arith.constant 0 : i32
        %dma_wait3A_276 = tpu.memref_slice %arg3[%dma_wait3A_274, %dma_wait3A_275] : memref<10112x144xf32, #tpu.memory_space<hbm>> -> memref<10112x144xf32, #tpu.memory_space<hbm>>
        tpu.wait_indirect_dma semaphore(%arg13 : memref<!tpu.dma_semaphore, #tpu.memory_space<semaphore_mem>>) src(%dma_wait3A_276 : memref<10112x144xf32, #tpu.memory_space<hbm>>) dst(%arg10 : memref<64x144xf32, #tpu.memory_space<vmem>>)
        %scan3A_277 = arith.constant 0 : i32
        %scan3A_278 = arith.constant 0 : i32
        %scan3A_279 = arith.constant 64 : i32
        %scan3A_280 = arith.addi %scan3A_278, %scan3A_279 : i32
        %scan3A_281 = arith.constant 1 : i32
        %scan3A_282 = scf.for %scan3A_300 = %scan3A_278 to %scan3A_280 step %scan3A_281 iter_args(%scan3A_301 = %scan3A_277) -> (i32)  : i32 {
          %get3A_302 = arith.index_cast %scan3A_300 : i32 to index
          %get3A_303 = arith.constant 128 : index
          %get3A_304 = tpu.vector_load %arg10[%get3A_302, %get3A_303] {strides = array<i32>} : memref<64x144xf32, #tpu.memory_space<vmem>>, vector<1x16xf32>,
          %get3A_305 = vector.shape_cast %get3A_304 : vector<1x16xf32> to vector<16xf32>
          %get3A_306 = arith.index_cast %scan3A_300 : i32 to index
          %get3A_307 = arith.constant 0 : index
          %get3A_308 = tpu.vector_load %arg11[%get3A_306, %get3A_307] {strides = array<i32>} : memref<64x16xf32, #tpu.memory_space<vmem>>, vector<1x16xf32>,
          %get3A_309 = vector.shape_cast %get3A_308 : vector<1x16xf32> to vector<16xf32>
          %add3A_310 = arith.addf %get3A_305, %get3A_309 : vector<16xf32>
          %gt3A = arith.constant 0.000000e+00 : f32
          %gt3A_311 = vector.broadcast %gt3A : f32 to vector<16xf32>
          %gt3A_312 = arith.cmpf ogt, %add3A_310, %gt3A_311 : vector<16xf32>
          %mul3A_313 = arith.constant 2.000000e-01 : f32
          %mul3A_314 = vector.broadcast %mul3A_313 : f32 to vector<16xf32>
          %mul3A_315 = arith.mulf %mul3A_314, %add3A_310 : vector<16xf32>
          %select_n3A_316 = arith.select %gt3A_312, %add3A_310, %mul3A_315 : vector<16xi1>, vector<16xf32>
          %exp3A = math.exp %select_n3A_316 : vector<16xf32>
          %swap3A_317 = arith.index_cast %scan3A_300 : i32 to index
          %swap3A_318 = arith.constant 128 : index
          %swap3A_319 = tpu.vector_load %arg10[%swap3A_317, %swap3A_318] {strides = array<i32>} : memref<64x144xf32, #tpu.memory_space<vmem>>, vector<1x16xf32>,
          %swap3A_320 = vector.shape_cast %swap3A_319 : vector<1x16xf32> to vector<16xf32>
          %swap3A_321 = vector.shape_cast %exp3A : vector<16xf32> to vector<1x16xf32>
          tpu.vector_store %arg10[%swap3A_317, %swap3A_318], %swap3A_321 {strides = array<i32>} : memref<64x144xf32, #tpu.memory_space<vmem>>, vector<1x16xf32>,
          %scan3A_322 = arith.constant 0 : i32
          scf.yield %scan3A_322 : i32
        }
        %scan3A_283 = arith.constant 64 : i32
        %scan3A_284 = arith.constant 0 : i32
        %scan3A_285 = arith.constant 0 : i32
        %scan3A_286 = arith.constant 64 : i32
        %scan3A_287 = arith.addi %scan3A_285, %scan3A_286 : i32
        %scan3A_288 = arith.constant 1 : i32
        %scan3A_289 = scf.for %scan3A_300 = %scan3A_285 to %scan3A_287 step %scan3A_288 iter_args(%scan3A_301 = %scan3A_284) -> (i32)  : i32 {
          %get3A_302 = arith.index_cast %scan3A_300 : i32 to index
          %get3A_303 = arith.constant 128 : index
          %get3A_304 = tpu.vector_load %arg10[%get3A_302, %get3A_303] {strides = array<i32>} : memref<64x144xf32, #tpu.memory_space<vmem>>, vector<1x16xf32>,
          %get3A_305 = vector.shape_cast %get3A_304 : vector<1x16xf32> to vector<16xf32>
          %get3A_306 = arith.index_cast %scan3A_300 : i32 to index
          %get3A_307 = arith.constant 0 : index
          %get3A_308 = tpu.vector_load %arg10[%get3A_306, %get3A_307] {strides = array<i32>} : memref<64x144xf32, #tpu.memory_space<vmem>>, vector<1x16xf32>,
          %get3A_309 = vector.shape_cast %get3A_308 : vector<1x16xf32> to vector<16xf32>
          %slice3A = vector.extract_strided_slice %get3A_305 {offsets = [0], sizes = [1], strides = [1]} : vector<16xf32> to vector<1xf32>
          %squeeze3A = vector.extract %slice3A[0] : f32 from vector<1xf32>
          %mul3A_310 = vector.broadcast %squeeze3A : f32 to vector<16xf32>
          %mul3A_311 = arith.mulf %get3A_309, %mul3A_310 : vector<16xf32>
          %swap3A_312 = arith.index_cast %scan3A_300 : i32 to index
          %swap3A_313 = arith.constant 0 : index
          %swap3A_314 = tpu.vector_load %arg10[%swap3A_312, %swap3A_313] {strides = array<i32>} : memref<64x144xf32, #tpu.memory_space<vmem>>, vector<1x16xf32>,
          %swap3A_315 = vector.shape_cast %swap3A_314 : vector<1x16xf32> to vector<16xf32>
          %swap3A_316 = vector.shape_cast %mul3A_311 : vector<16xf32> to vector<1x16xf32>
          tpu.vector_store %arg10[%swap3A_312, %swap3A_313], %swap3A_316 {strides = array<i32>} : memref<64x144xf32, #tpu.memory_space<vmem>>, vector<1x16xf32>,
          %get3A_317 = arith.index_cast %scan3A_300 : i32 to index
          %get3A_318 = arith.constant 16 : index
          %get3A_319 = tpu.vector_load %arg10[%get3A_317, %get3A_318] {strides = array<i32>} : memref<64x144xf32, #tpu.memory_space<vmem>>, vector<1x16xf32>,
          %get3A_320 = vector.shape_cast %get3A_319 : vector<1x16xf32> to vector<16xf32>
          %slice3A_321 = vector.extract_strided_slice %get3A_305 {offsets = [1], sizes = [1], strides = [1]} : vector<16xf32> to vector<1xf32>
          %squeeze3A_322 = vector.extract %slice3A_321[0] : f32 from vector<1xf32>
          %mul3A_323 = vector.broadcast %squeeze3A_322 : f32 to vector<16xf32>
          %mul3A_324 = arith.mulf %get3A_320, %mul3A_323 : vector<16xf32>
          %swap3A_325 = arith.index_cast %scan3A_300 : i32 to index
          %swap3A_326 = arith.constant 16 : index
          %swap3A_327 = tpu.vector_load %arg10[%swap3A_325, %swap3A_326] {strides = array<i32>} : memref<64x144xf32, #tpu.memory_space<vmem>>, vector<1x16xf32>,
          %swap3A_328 = vector.shape_cast %swap3A_327 : vector<1x16xf32> to vector<16xf32>
          %swap3A_329 = vector.shape_cast %mul3A_324 : vector<16xf32> to vector<1x16xf32>
          tpu.vector_store %arg10[%swap3A_325, %swap3A_326], %swap3A_329 {strides = array<i32>} : memref<64x144xf32, #tpu.memory_space<vmem>>, vector<1x16xf32>,
          %get3A_330 = arith.index_cast %scan3A_300 : i32 to index
          %get3A_331 = arith.constant 32 : index
          %get3A_332 = tpu.vector_load %arg10[%get3A_330, %get3A_331] {strides = array<i32>} : memref<64x144xf32, #tpu.memory_space<vmem>>, vector<1x16xf32>,
          %get3A_333 = vector.shape_cast %get3A_332 : vector<1x16xf32> to vector<16xf32>
          %slice3A_334 = vector.extract_strided_slice %get3A_305 {offsets = [2], sizes = [1], strides = [1]} : vector<16xf32> to vector<1xf32>
          %squeeze3A_335 = vector.extract %slice3A_334[0] : f32 from vector<1xf32>
          %mul3A_336 = vector.broadcast %squeeze3A_335 : f32 to vector<16xf32>
          %mul3A_337 = arith.mulf %get3A_333, %mul3A_336 : vector<16xf32>
          %swap3A_338 = arith.index_cast %scan3A_300 : i32 to index
          %swap3A_339 = arith.constant 32 : index
          %swap3A_340 = tpu.vector_load %arg10[%swap3A_338, %swap3A_339] {strides = array<i32>} : memref<64x144xf32, #tpu.memory_space<vmem>>, vector<1x16xf32>,
          %swap3A_341 = vector.shape_cast %swap3A_340 : vector<1x16xf32> to vector<16xf32>
          %swap3A_342 = vector.shape_cast %mul3A_337 : vector<16xf32> to vector<1x16xf32>
          tpu.vector_store %arg10[%swap3A_338, %swap3A_339], %swap3A_342 {strides = array<i32>} : memref<64x144xf32, #tpu.memory_space<vmem>>, vector<1x16xf32>,
          %get3A_343 = arith.index_cast %scan3A_300 : i32 to index
          %get3A_344 = arith.constant 48 : index
          %get3A_345 = tpu.vector_load %arg10[%get3A_343, %get3A_344] {strides = array<i32>} : memref<64x144xf32, #tpu.memory_space<vmem>>, vector<1x16xf32>,
          %get3A_346 = vector.shape_cast %get3A_345 : vector<1x16xf32> to vector<16xf32>
          %slice3A_347 = vector.extract_strided_slice %get3A_305 {offsets = [3], sizes = [1], strides = [1]} : vector<16xf32> to vector<1xf32>
          %squeeze3A_348 = vector.extract %slice3A_347[0] : f32 from vector<1xf32>
          %mul3A_349 = vector.broadcast %squeeze3A_348 : f32 to vector<16xf32>
          %mul3A_350 = arith.mulf %get3A_346, %mul3A_349 : vector<16xf32>
          %swap3A_351 = arith.index_cast %scan3A_300 : i32 to index
          %swap3A_352 = arith.constant 48 : index
          %swap3A_353 = tpu.vector_load %arg10[%swap3A_351, %swap3A_352] {strides = array<i32>} : memref<64x144xf32, #tpu.memory_space<vmem>>, vector<1x16xf32>,
          %swap3A_354 = vector.shape_cast %swap3A_353 : vector<1x16xf32> to vector<16xf32>
          %swap3A_355 = vector.shape_cast %mul3A_350 : vector<16xf32> to vector<1x16xf32>
          tpu.vector_store %arg10[%swap3A_351, %swap3A_352], %swap3A_355 {strides = array<i32>} : memref<64x144xf32, #tpu.memory_space<vmem>>, vector<1x16xf32>,
          %get3A_356 = arith.index_cast %scan3A_300 : i32 to index
          %get3A_357 = arith.constant 64 : index
          %get3A_358 = tpu.vector_load %arg10[%get3A_356, %get3A_357] {strides = array<i32>} : memref<64x144xf32, #tpu.memory_space<vmem>>, vector<1x16xf32>,
          %get3A_359 = vector.shape_cast %get3A_358 : vector<1x16xf32> to vector<16xf32>
          %slice3A_360 = vector.extract_strided_slice %get3A_305 {offsets = [4], sizes = [1], strides = [1]} : vector<16xf32> to vector<1xf32>
          %squeeze3A_361 = vector.extract %slice3A_360[0] : f32 from vector<1xf32>
          %mul3A_362 = vector.broadcast %squeeze3A_361 : f32 to vector<16xf32>
          %mul3A_363 = arith.mulf %get3A_359, %mul3A_362 : vector<16xf32>
          %swap3A_364 = arith.index_cast %scan3A_300 : i32 to index
          %swap3A_365 = arith.constant 64 : index
          %swap3A_366 = tpu.vector_load %arg10[%swap3A_364, %swap3A_365] {strides = array<i32>} : memref<64x144xf32, #tpu.memory_space<vmem>>, vector<1x16xf32>,
          %swap3A_367 = vector.shape_cast %swap3A_366 : vector<1x16xf32> to vector<16xf32>
          %swap3A_368 = vector.shape_cast %mul3A_363 : vector<16xf32> to vector<1x16xf32>
          tpu.vector_store %arg10[%swap3A_364, %swap3A_365], %swap3A_368 {strides = array<i32>} : memref<64x144xf32, #tpu.memory_space<vmem>>, vector<1x16xf32>,
          %get3A_369 = arith.index_cast %scan3A_300 : i32 to index
          %get3A_370 = arith.constant 80 : index
          %get3A_371 = tpu.vector_load %arg10[%get3A_369, %get3A_370] {strides = array<i32>} : memref<64x144xf32, #tpu.memory_space<vmem>>, vector<1x16xf32>,
          %get3A_372 = vector.shape_cast %get3A_371 : vector<1x16xf32> to vector<16xf32>
          %slice3A_373 = vector.extract_strided_slice %get3A_305 {offsets = [5], sizes = [1], strides = [1]} : vector<16xf32> to vector<1xf32>
          %squeeze3A_374 = vector.extract %slice3A_373[0] : f32 from vector<1xf32>
          %mul3A_375 = vector.broadcast %squeeze3A_374 : f32 to vector<16xf32>
          %mul3A_376 = arith.mulf %get3A_372, %mul3A_375 : vector<16xf32>
          %swap3A_377 = arith.index_cast %scan3A_300 : i32 to index
          %swap3A_378 = arith.constant 80 : index
          %swap3A_379 = tpu.vector_load %arg10[%swap3A_377, %swap3A_378] {strides = array<i32>} : memref<64x144xf32, #tpu.memory_space<vmem>>, vector<1x16xf32>,
          %swap3A_380 = vector.shape_cast %swap3A_379 : vector<1x16xf32> to vector<16xf32>
          %swap3A_381 = vector.shape_cast %mul3A_376 : vector<16xf32> to vector<1x16xf32>
          tpu.vector_store %arg10[%swap3A_377, %swap3A_378], %swap3A_381 {strides = array<i32>} : memref<64x144xf32, #tpu.memory_space<vmem>>, vector<1x16xf32>,
          %get3A_382 = arith.index_cast %scan3A_300 : i32 to index
          %get3A_383 = arith.constant 96 : index
          %get3A_384 = tpu.vector_load %arg10[%get3A_382, %get3A_383] {strides = array<i32>} : memref<64x144xf32, #tpu.memory_space<vmem>>, vector<1x16xf32>,
          %get3A_385 = vector.shape_cast %get3A_384 : vector<1x16xf32> to vector<16xf32>
          %slice3A_386 = vector.extract_strided_slice %get3A_305 {offsets = [6], sizes = [1], strides = [1]} : vector<16xf32> to vector<1xf32>
          %squeeze3A_387 = vector.extract %slice3A_386[0] : f32 from vector<1xf32>
          %mul3A_388 = vector.broadcast %squeeze3A_387 : f32 to vector<16xf32>
          %mul3A_389 = arith.mulf %get3A_385, %mul3A_388 : vector<16xf32>
          %swap3A_390 = arith.index_cast %scan3A_300 : i32 to index
          %swap3A_391 = arith.constant 96 : index
          %swap3A_392 = tpu.vector_load %arg10[%swap3A_390, %swap3A_391] {strides = array<i32>} : memref<64x144xf32, #tpu.memory_space<vmem>>, vector<1x16xf32>,
          %swap3A_393 = vector.shape_cast %swap3A_392 : vector<1x16xf32> to vector<16xf32>
          %swap3A_394 = vector.shape_cast %mul3A_389 : vector<16xf32> to vector<1x16xf32>
          tpu.vector_store %arg10[%swap3A_390, %swap3A_391], %swap3A_394 {strides = array<i32>} : memref<64x144xf32, #tpu.memory_space<vmem>>, vector<1x16xf32>,
          %get3A_395 = arith.index_cast %scan3A_300 : i32 to index
          %get3A_396 = arith.constant 112 : index
          %get3A_397 = tpu.vector_load %arg10[%get3A_395, %get3A_396] {strides = array<i32>} : memref<64x144xf32, #tpu.memory_space<vmem>>, vector<1x16xf32>,
          %get3A_398 = vector.shape_cast %get3A_397 : vector<1x16xf32> to vector<16xf32>
          %slice3A_399 = vector.extract_strided_slice %get3A_305 {offsets = [7], sizes = [1], strides = [1]} : vector<16xf32> to vector<1xf32>
          %squeeze3A_400 = vector.extract %slice3A_399[0] : f32 from vector<1xf32>
          %mul3A_401 = vector.broadcast %squeeze3A_400 : f32 to vector<16xf32>
          %mul3A_402 = arith.mulf %get3A_398, %mul3A_401 : vector<16xf32>
          %swap3A_403 = arith.index_cast %scan3A_300 : i32 to index
          %swap3A_404 = arith.constant 112 : index
          %swap3A_405 = tpu.vector_load %arg10[%swap3A_403, %swap3A_404] {strides = array<i32>} : memref<64x144xf32, #tpu.memory_space<vmem>>, vector<1x16xf32>,
          %swap3A_406 = vector.shape_cast %swap3A_405 : vector<1x16xf32> to vector<16xf32>
          %swap3A_407 = vector.shape_cast %mul3A_402 : vector<16xf32> to vector<1x16xf32>
          tpu.vector_store %arg10[%swap3A_403, %swap3A_404], %swap3A_407 {strides = array<i32>} : memref<64x144xf32, #tpu.memory_space<vmem>>, vector<1x16xf32>,
          %scan3A_408 = arith.constant 0 : i32
          scf.yield %scan3A_408 : i32
        }
        %scan3A_290 = arith.constant 64 : i32
        %add3A_291 = arith.constant 2 : i32
        %add3A_292 = arith.addi %add3A_252, %add3A_291 : i32
        %lt3A_293 = arith.cmpi slt, %add3A_292, %min3A_55 : i32
        %convert_element_type3A_294 = arith.extui %lt3A_293 : i1 to i32
        %cond3A_295 = arith.constant 0 : i32
        %cond3A_296 = arith.cmpi ne, %convert_element_type3A_294, %cond3A_295 : i32
        scf.if %cond3A_296 {
          %ge3A = arith.constant 1 : i32
          %ge3A_300 = arith.cmpi sge, %add3A_252, %ge3A : i32
          %convert_element_type3A_301 = arith.extui %ge3A_300 : i1 to i32
          %cond3A_302 = arith.constant 0 : i32
          %cond3A_303 = arith.cmpi ne, %convert_element_type3A_301, %cond3A_302 : i32
          scf.if %cond3A_303 {
            %dma_wait3A_386 = arith.constant 0 : i32
            %dma_wait3A_387 = arith.constant 0 : i32
            %dma_wait3A_388 = tpu.memref_slice %arg7[%dma_wait3A_386, %dma_wait3A_387] : memref<10112x144xf32, #tpu.memory_space<vmem_shared>> -> memref<10112x144xf32, #tpu.memory_space<vmem_shared>>
            tpu.wait_indirect_dma semaphore(%arg28 : memref<!tpu.dma_semaphore, #tpu.memory_space<semaphore_mem>>) src(%arg24 : memref<64x144xf32, #tpu.memory_space<vmem>>) dst(%dma_wait3A_388 : memref<10112x144xf32, #tpu.memory_space<vmem_shared>>)
          } else {
          }
          %add3A_304 = arith.constant 2 : i32
          %add3A_305 = arith.addi %add3A_252, %add3A_304 : i32
          %rem3A_306 = arith.constant 8 : i32
          %rem3A_307 = arith.remsi %add3A_305, %rem3A_306 : i32
          %eq3A = arith.constant 0 : i32
          %eq3A_308 = arith.cmpi eq, %rem3A_307, %eq3A : i32
          %convert_element_type3A_309 = arith.extui %eq3A_308 : i1 to i32
          %cond3A_310 = arith.constant 0 : i32
          %cond3A_311 = arith.cmpi ne, %convert_element_type3A_309, %cond3A_310 : i32
          scf.if %cond3A_311 {
            %add3A_386 = arith.constant 2 : i32
            %add3A_387 = arith.addi %add3A_252, %add3A_386 : i32
            %add3A_388 = arith.addi %mul3A_32, %add3A_387 : i32
            %multiple_of3A_389 = tpu.assume_multiple %add3A_388, 8 : i32
            "tpu.region"() ({
              %run_scoped3A = tpu.sem_alloc : memref<!tpu.dma_semaphore, #tpu.memory_space<semaphore_mem>>
              %dma_start3A_390 = arith.constant 0 : i32
              %dma_start3A_391 = tpu.memref_slice %arg2[%multiple_of3A_389, %dma_start3A_390] : memref<5000x128xi32, #tpu.memory_space<hbm>> -> memref<8x128xi32, #tpu.memory_space<hbm>>
              %dma_start3A_392 = arith.constant 0 : i32
              %dma_start3A_393 = tpu.memref_slice %arg2[%multiple_of3A_389, %dma_start3A_392] : memref<5000x128xi32, #tpu.memory_space<hbm>> -> memref<8x128xi32, #tpu.memory_space<hbm>>
              tpu.enqueue_dma source(%dma_start3A_393 : memref<8x128xi32, #tpu.memory_space<hbm>>) target(%arg6 : memref<8x128xi32, #tpu.memory_space<vmem>>) target_semaphore(%run_scoped3A : memref<!tpu.dma_semaphore, #tpu.memory_space<semaphore_mem>>)
              %dma_wait3A_394 = arith.constant 0 : i32
              %dma_wait3A_395 = tpu.memref_slice %arg2[%multiple_of3A_389, %dma_wait3A_394] : memref<5000x128xi32, #tpu.memory_space<hbm>> -> memref<8x128xi32, #tpu.memory_space<hbm>>
              %dma_wait3A_396 = arith.constant 0 : i32
              %dma_wait3A_397 = tpu.memref_slice %arg2[%multiple_of3A_389, %dma_wait3A_396] : memref<5000x128xi32, #tpu.memory_space<hbm>> -> memref<8x128xi32, #tpu.memory_space<hbm>>
              tpu.wait_dma2 semaphore(%run_scoped3A : memref<!tpu.dma_semaphore, #tpu.memory_space<semaphore_mem>>) src(%dma_wait3A_397 : memref<8x128xi32, #tpu.memory_space<hbm>>) dst(%arg6 : memref<8x128xi32, #tpu.memory_space<vmem>>)
              tpu.yield
            }) : () -> ()
          } else {
          }
          %add3A_312 = arith.constant 2 : i32
          %add3A_313 = arith.addi %add3A_252, %add3A_312 : i32
          %rem3A_314 = arith.constant 8 : i32
          %rem3A_315 = arith.remsi %add3A_313, %rem3A_314 : i32
          %get3A_316 = arith.index_cast %rem3A_315 : i32 to index
          %get3A_317 = arith.constant 0 : index
          %get3A_318 = tpu.vector_load %arg6[%get3A_316, %get3A_317] {strides = array<i32>} : memref<8x128xi32, #tpu.memory_space<vmem>>, vector<1x16xi32>,
          %get3A_319 = vector.shape_cast %get3A_318 : vector<1x16xi32> to vector<16xi32>
          %swap3A_320 = arith.constant 0 : index
          %swap3A_321 = tpu.vector_load %arg22[%swap3A_320] {strides = array<i32>} : memref<64xi32, #tpu.memory_space<vmem>>, vector<16xi32>,
          %swap3A_322 = vector.shape_cast %swap3A_321 : vector<16xi32> to vector<16xi32>
          %swap3A_323 = vector.shape_cast %get3A_319 : vector<16xi32> to vector<16xi32>
          tpu.vector_store %arg22[%swap3A_320], %swap3A_323 {strides = array<i32>} : memref<64xi32, #tpu.memory_space<vmem>>, vector<16xi32>,
          %get3A_324 = arith.index_cast %rem3A_315 : i32 to index
          %get3A_325 = arith.constant 64 : index
          %get3A_326 = tpu.vector_load %arg6[%get3A_324, %get3A_325] {strides = array<i32>} : memref<8x128xi32, #tpu.memory_space<vmem>>, vector<1x16xi32>,
          %get3A_327 = vector.shape_cast %get3A_326 : vector<1x16xi32> to vector<16xi32>
          %swap3A_328 = arith.constant 0 : index
          %swap3A_329 = tpu.vector_load %arg23[%swap3A_328] {strides = array<i32>} : memref<64xi32, #tpu.memory_space<vmem>>, vector<16xi32>,
          %swap3A_330 = vector.shape_cast %swap3A_329 : vector<16xi32> to vector<16xi32>
          %swap3A_331 = vector.shape_cast %get3A_327 : vector<16xi32> to vector<16xi32>
          tpu.vector_store %arg23[%swap3A_328], %swap3A_331 {strides = array<i32>} : memref<64xi32, #tpu.memory_space<vmem>>, vector<16xi32>,
          %get3A_332 = arith.index_cast %rem3A_315 : i32 to index
          %get3A_333 = arith.constant 16 : index
          %get3A_334 = tpu.vector_load %arg6[%get3A_332, %get3A_333] {strides = array<i32>} : memref<8x128xi32, #tpu.memory_space<vmem>>, vector<1x16xi32>,
          %get3A_335 = vector.shape_cast %get3A_334 : vector<1x16xi32> to vector<16xi32>
          %swap3A_336 = arith.constant 16 : index
          %swap3A_337 = tpu.vector_load %arg22[%swap3A_336] {strides = array<i32>} : memref<64xi32, #tpu.memory_space<vmem>>, vector<16xi32>,
          %swap3A_338 = vector.shape_cast %swap3A_337 : vector<16xi32> to vector<16xi32>
          %swap3A_339 = vector.shape_cast %get3A_335 : vector<16xi32> to vector<16xi32>
          tpu.vector_store %arg22[%swap3A_336], %swap3A_339 {strides = array<i32>} : memref<64xi32, #tpu.memory_space<vmem>>, vector<16xi32>,
          %get3A_340 = arith.index_cast %rem3A_315 : i32 to index
          %get3A_341 = arith.constant 80 : index
          %get3A_342 = tpu.vector_load %arg6[%get3A_340, %get3A_341] {strides = array<i32>} : memref<8x128xi32, #tpu.memory_space<vmem>>, vector<1x16xi32>,
          %get3A_343 = vector.shape_cast %get3A_342 : vector<1x16xi32> to vector<16xi32>
          %swap3A_344 = arith.constant 16 : index
          %swap3A_345 = tpu.vector_load %arg23[%swap3A_344] {strides = array<i32>} : memref<64xi32, #tpu.memory_space<vmem>>, vector<16xi32>,
          %swap3A_346 = vector.shape_cast %swap3A_345 : vector<16xi32> to vector<16xi32>
          %swap3A_347 = vector.shape_cast %get3A_343 : vector<16xi32> to vector<16xi32>
          tpu.vector_store %arg23[%swap3A_344], %swap3A_347 {strides = array<i32>} : memref<64xi32, #tpu.memory_space<vmem>>, vector<16xi32>,
          %get3A_348 = arith.index_cast %rem3A_315 : i32 to index
          %get3A_349 = arith.constant 32 : index
          %get3A_350 = tpu.vector_load %arg6[%get3A_348, %get3A_349] {strides = array<i32>} : memref<8x128xi32, #tpu.memory_space<vmem>>, vector<1x16xi32>,
          %get3A_351 = vector.shape_cast %get3A_350 : vector<1x16xi32> to vector<16xi32>
          %swap3A_352 = arith.constant 32 : index
          %swap3A_353 = tpu.vector_load %arg22[%swap3A_352] {strides = array<i32>} : memref<64xi32, #tpu.memory_space<vmem>>, vector<16xi32>,
          %swap3A_354 = vector.shape_cast %swap3A_353 : vector<16xi32> to vector<16xi32>
          %swap3A_355 = vector.shape_cast %get3A_351 : vector<16xi32> to vector<16xi32>
          tpu.vector_store %arg22[%swap3A_352], %swap3A_355 {strides = array<i32>} : memref<64xi32, #tpu.memory_space<vmem>>, vector<16xi32>,
          %get3A_356 = arith.index_cast %rem3A_315 : i32 to index
          %get3A_357 = arith.constant 96 : index
          %get3A_358 = tpu.vector_load %arg6[%get3A_356, %get3A_357] {strides = array<i32>} : memref<8x128xi32, #tpu.memory_space<vmem>>, vector<1x16xi32>,
          %get3A_359 = vector.shape_cast %get3A_358 : vector<1x16xi32> to vector<16xi32>
          %swap3A_360 = arith.constant 32 : index
          %swap3A_361 = tpu.vector_load %arg23[%swap3A_360] {strides = array<i32>} : memref<64xi32, #tpu.memory_space<vmem>>, vector<16xi32>,
          %swap3A_362 = vector.shape_cast %swap3A_361 : vector<16xi32> to vector<16xi32>
          %swap3A_363 = vector.shape_cast %get3A_359 : vector<16xi32> to vector<16xi32>
          tpu.vector_store %arg23[%swap3A_360], %swap3A_363 {strides = array<i32>} : memref<64xi32, #tpu.memory_space<vmem>>, vector<16xi32>,
          %get3A_364 = arith.index_cast %rem3A_315 : i32 to index
          %get3A_365 = arith.constant 48 : index
          %get3A_366 = tpu.vector_load %arg6[%get3A_364, %get3A_365] {strides = array<i32>} : memref<8x128xi32, #tpu.memory_space<vmem>>, vector<1x16xi32>,
          %get3A_367 = vector.shape_cast %get3A_366 : vector<1x16xi32> to vector<16xi32>
          %swap3A_368 = arith.constant 48 : index
          %swap3A_369 = tpu.vector_load %arg22[%swap3A_368] {strides = array<i32>} : memref<64xi32, #tpu.memory_space<vmem>>, vector<16xi32>,
          %swap3A_370 = vector.shape_cast %swap3A_369 : vector<16xi32> to vector<16xi32>
          %swap3A_371 = vector.shape_cast %get3A_367 : vector<16xi32> to vector<16xi32>
          tpu.vector_store %arg22[%swap3A_368], %swap3A_371 {strides = array<i32>} : memref<64xi32, #tpu.memory_space<vmem>>, vector<16xi32>,
          %get3A_372 = arith.index_cast %rem3A_315 : i32 to index
          %get3A_373 = arith.constant 112 : index
          %get3A_374 = tpu.vector_load %arg6[%get3A_372, %get3A_373] {strides = array<i32>} : memref<8x128xi32, #tpu.memory_space<vmem>>, vector<1x16xi32>,
          %get3A_375 = vector.shape_cast %get3A_374 : vector<1x16xi32> to vector<16xi32>
          %swap3A_376 = arith.constant 48 : index
          %swap3A_377 = tpu.vector_load %arg23[%swap3A_376] {strides = array<i32>} : memref<64xi32, #tpu.memory_space<vmem>>, vector<16xi32>,
          %swap3A_378 = vector.shape_cast %swap3A_377 : vector<16xi32> to vector<16xi32>
          %swap3A_379 = vector.shape_cast %get3A_375 : vector<16xi32> to vector<16xi32>
          tpu.vector_store %arg23[%swap3A_376], %swap3A_379 {strides = array<i32>} : memref<64xi32, #tpu.memory_space<vmem>>, vector<16xi32>,
          %dma_start3A_380 = arith.constant 0 : i32
          %dma_start3A_381 = arith.constant 0 : i32
          %dma_start3A_382 = tpu.memref_slice %arg4[%dma_start3A_380, %dma_start3A_381] : memref<10112x16xf32, #tpu.memory_space<hbm>> -> memref<10112x16xf32, #tpu.memory_space<hbm>>
          tpu.enqueue_indirect_dma source(%dma_start3A_382 : memref<10112x16xf32, #tpu.memory_space<hbm>>) target(%arg25 : memref<64x16xf32, #tpu.memory_space<vmem>>) offsets(%arg23 : memref<64xi32, #tpu.memory_space<vmem>>) semaphore(%arg26 : memref<!tpu.dma_semaphore, #tpu.memory_space<semaphore_mem>>)
          %dma_start3A_383 = arith.constant 0 : i32
          %dma_start3A_384 = arith.constant 0 : i32
          %dma_start3A_385 = tpu.memref_slice %arg3[%dma_start3A_383, %dma_start3A_384] : memref<10112x144xf32, #tpu.memory_space<hbm>> -> memref<10112x144xf32, #tpu.memory_space<hbm>>
          tpu.enqueue_indirect_dma source(%dma_start3A_385 : memref<10112x144xf32, #tpu.memory_space<hbm>>) target(%arg24 : memref<64x144xf32, #tpu.memory_space<vmem>>) offsets(%arg22 : memref<64xi32, #tpu.memory_space<vmem>>) semaphore(%arg27 : memref<!tpu.dma_semaphore, #tpu.memory_space<semaphore_mem>>)
        } else {
        }
        %dma_start3A_297 = arith.constant 0 : i32
        %dma_start3A_298 = arith.constant 0 : i32
        %dma_start3A_299 = tpu.memref_slice %arg7[%dma_start3A_297, %dma_start3A_298] : memref<10112x144xf32, #tpu.memory_space<vmem_shared>> -> memref<10112x144xf32, #tpu.memory_space<vmem_shared>>
        tpu.enqueue_indirect_dma source(%arg10 : memref<64x144xf32, #tpu.memory_space<vmem>>) target(%dma_start3A_299 : memref<10112x144xf32, #tpu.memory_space<vmem_shared>>) offsets(%arg9 : memref<64xi32, #tpu.memory_space<vmem>>) semaphore(%arg14 : memref<!tpu.dma_semaphore, #tpu.memory_space<semaphore_mem>>) {add = true}
      } else {
      }
      %mul3A_254 = arith.constant 3 : i32
      %mul3A_255 = arith.muli %mul3A_254, %while3A_247 : i32
      %add3A_256 = arith.constant 1 : i32
      %add3A_257 = arith.addi %mul3A_255, %add3A_256 : i32
      %lt3A_258 = arith.cmpi slt, %add3A_257, %min3A_55 : i32
      %convert_element_type3A_259 = arith.extui %lt3A_258 : i1 to i32
      %cond3A_260 = arith.constant 0 : i32
      %cond3A_261 = arith.cmpi ne, %convert_element_type3A_259, %cond3A_260 : i32
      scf.if %cond3A_261 {
        %dma_wait3A_271 = arith.constant 0 : i32
        %dma_wait3A_272 = arith.constant 0 : i32
        %dma_wait3A_273 = tpu.memref_slice %arg4[%dma_wait3A_271, %dma_wait3A_272] : memref<10112x16xf32, #tpu.memory_space<hbm>> -> memref<10112x16xf32, #tpu.memory_space<hbm>>
        tpu.wait_indirect_dma semaphore(%arg19 : memref<!tpu.dma_semaphore, #tpu.memory_space<semaphore_mem>>) src(%dma_wait3A_273 : memref<10112x16xf32, #tpu.memory_space<hbm>>) dst(%arg18 : memref<64x16xf32, #tpu.memory_space<vmem>>)
        %dma_wait3A_274 = arith.constant 0 : i32
        %dma_wait3A_275 = arith.constant 0 : i32
        %dma_wait3A_276 = tpu.memref_slice %arg3[%dma_wait3A_274, %dma_wait3A_275] : memref<10112x144xf32, #tpu.memory_space<hbm>> -> memref<10112x144xf32, #tpu.memory_space<hbm>>
        tpu.wait_indirect_dma semaphore(%arg20 : memref<!tpu.dma_semaphore, #tpu.memory_space<semaphore_mem>>) src(%dma_wait3A_276 : memref<10112x144xf32, #tpu.memory_space<hbm>>) dst(%arg17 : memref<64x144xf32, #tpu.memory_space<vmem>>)
        %scan3A_277 = arith.constant 0 : i32
        %scan3A_278 = arith.constant 0 : i32
        %scan3A_279 = arith.constant 64 : i32
        %scan3A_280 = arith.addi %scan3A_278, %scan3A_279 : i32
        %scan3A_281 = arith.constant 1 : i32
        %scan3A_282 = scf.for %scan3A_300 = %scan3A_278 to %scan3A_280 step %scan3A_281 iter_args(%scan3A_301 = %scan3A_277) -> (i32)  : i32 {
          %get3A_302 = arith.index_cast %scan3A_300 : i32 to index
          %get3A_303 = arith.constant 128 : index
          %get3A_304 = tpu.vector_load %arg17[%get3A_302, %get3A_303] {strides = array<i32>} : memref<64x144xf32, #tpu.memory_space<vmem>>, vector<1x16xf32>,
          %get3A_305 = vector.shape_cast %get3A_304 : vector<1x16xf32> to vector<16xf32>
          %get3A_306 = arith.index_cast %scan3A_300 : i32 to index
          %get3A_307 = arith.constant 0 : index
          %get3A_308 = tpu.vector_load %arg18[%get3A_306, %get3A_307] {strides = array<i32>} : memref<64x16xf32, #tpu.memory_space<vmem>>, vector<1x16xf32>,
          %get3A_309 = vector.shape_cast %get3A_308 : vector<1x16xf32> to vector<16xf32>
          %add3A_310 = arith.addf %get3A_305, %get3A_309 : vector<16xf32>
          %gt3A = arith.constant 0.000000e+00 : f32
          %gt3A_311 = vector.broadcast %gt3A : f32 to vector<16xf32>
          %gt3A_312 = arith.cmpf ogt, %add3A_310, %gt3A_311 : vector<16xf32>
          %mul3A_313 = arith.constant 2.000000e-01 : f32
          %mul3A_314 = vector.broadcast %mul3A_313 : f32 to vector<16xf32>
          %mul3A_315 = arith.mulf %mul3A_314, %add3A_310 : vector<16xf32>
          %select_n3A_316 = arith.select %gt3A_312, %add3A_310, %mul3A_315 : vector<16xi1>, vector<16xf32>
          %exp3A = math.exp %select_n3A_316 : vector<16xf32>
          %swap3A_317 = arith.index_cast %scan3A_300 : i32 to index
          %swap3A_318 = arith.constant 128 : index
          %swap3A_319 = tpu.vector_load %arg17[%swap3A_317, %swap3A_318] {strides = array<i32>} : memref<64x144xf32, #tpu.memory_space<vmem>>, vector<1x16xf32>,
          %swap3A_320 = vector.shape_cast %swap3A_319 : vector<1x16xf32> to vector<16xf32>
          %swap3A_321 = vector.shape_cast %exp3A : vector<16xf32> to vector<1x16xf32>
          tpu.vector_store %arg17[%swap3A_317, %swap3A_318], %swap3A_321 {strides = array<i32>} : memref<64x144xf32, #tpu.memory_space<vmem>>, vector<1x16xf32>,
          %scan3A_322 = arith.constant 0 : i32
          scf.yield %scan3A_322 : i32
        }
        %scan3A_283 = arith.constant 64 : i32
        %scan3A_284 = arith.constant 0 : i32
        %scan3A_285 = arith.constant 0 : i32
        %scan3A_286 = arith.constant 64 : i32
        %scan3A_287 = arith.addi %scan3A_285, %scan3A_286 : i32
        %scan3A_288 = arith.constant 1 : i32
        %scan3A_289 = scf.for %scan3A_300 = %scan3A_285 to %scan3A_287 step %scan3A_288 iter_args(%scan3A_301 = %scan3A_284) -> (i32)  : i32 {
          %get3A_302 = arith.index_cast %scan3A_300 : i32 to index
          %get3A_303 = arith.constant 128 : index
          %get3A_304 = tpu.vector_load %arg17[%get3A_302, %get3A_303] {strides = array<i32>} : memref<64x144xf32, #tpu.memory_space<vmem>>, vector<1x16xf32>,
          %get3A_305 = vector.shape_cast %get3A_304 : vector<1x16xf32> to vector<16xf32>
          %get3A_306 = arith.index_cast %scan3A_300 : i32 to index
          %get3A_307 = arith.constant 0 : index
          %get3A_308 = tpu.vector_load %arg17[%get3A_306, %get3A_307] {strides = array<i32>} : memref<64x144xf32, #tpu.memory_space<vmem>>, vector<1x16xf32>,
          %get3A_309 = vector.shape_cast %get3A_308 : vector<1x16xf32> to vector<16xf32>
          %slice3A = vector.extract_strided_slice %get3A_305 {offsets = [0], sizes = [1], strides = [1]} : vector<16xf32> to vector<1xf32>
          %squeeze3A = vector.extract %slice3A[0] : f32 from vector<1xf32>
          %mul3A_310 = vector.broadcast %squeeze3A : f32 to vector<16xf32>
          %mul3A_311 = arith.mulf %get3A_309, %mul3A_310 : vector<16xf32>
          %swap3A_312 = arith.index_cast %scan3A_300 : i32 to index
          %swap3A_313 = arith.constant 0 : index
          %swap3A_314 = tpu.vector_load %arg17[%swap3A_312, %swap3A_313] {strides = array<i32>} : memref<64x144xf32, #tpu.memory_space<vmem>>, vector<1x16xf32>,
          %swap3A_315 = vector.shape_cast %swap3A_314 : vector<1x16xf32> to vector<16xf32>
          %swap3A_316 = vector.shape_cast %mul3A_311 : vector<16xf32> to vector<1x16xf32>
          tpu.vector_store %arg17[%swap3A_312, %swap3A_313], %swap3A_316 {strides = array<i32>} : memref<64x144xf32, #tpu.memory_space<vmem>>, vector<1x16xf32>,
          %get3A_317 = arith.index_cast %scan3A_300 : i32 to index
          %get3A_318 = arith.constant 16 : index
          %get3A_319 = tpu.vector_load %arg17[%get3A_317, %get3A_318] {strides = array<i32>} : memref<64x144xf32, #tpu.memory_space<vmem>>, vector<1x16xf32>,
          %get3A_320 = vector.shape_cast %get3A_319 : vector<1x16xf32> to vector<16xf32>
          %slice3A_321 = vector.extract_strided_slice %get3A_305 {offsets = [1], sizes = [1], strides = [1]} : vector<16xf32> to vector<1xf32>
          %squeeze3A_322 = vector.extract %slice3A_321[0] : f32 from vector<1xf32>
          %mul3A_323 = vector.broadcast %squeeze3A_322 : f32 to vector<16xf32>
          %mul3A_324 = arith.mulf %get3A_320, %mul3A_323 : vector<16xf32>
          %swap3A_325 = arith.index_cast %scan3A_300 : i32 to index
          %swap3A_326 = arith.constant 16 : index
          %swap3A_327 = tpu.vector_load %arg17[%swap3A_325, %swap3A_326] {strides = array<i32>} : memref<64x144xf32, #tpu.memory_space<vmem>>, vector<1x16xf32>,
          %swap3A_328 = vector.shape_cast %swap3A_327 : vector<1x16xf32> to vector<16xf32>
          %swap3A_329 = vector.shape_cast %mul3A_324 : vector<16xf32> to vector<1x16xf32>
          tpu.vector_store %arg17[%swap3A_325, %swap3A_326], %swap3A_329 {strides = array<i32>} : memref<64x144xf32, #tpu.memory_space<vmem>>, vector<1x16xf32>,
          %get3A_330 = arith.index_cast %scan3A_300 : i32 to index
          %get3A_331 = arith.constant 32 : index
          %get3A_332 = tpu.vector_load %arg17[%get3A_330, %get3A_331] {strides = array<i32>} : memref<64x144xf32, #tpu.memory_space<vmem>>, vector<1x16xf32>,
          %get3A_333 = vector.shape_cast %get3A_332 : vector<1x16xf32> to vector<16xf32>
          %slice3A_334 = vector.extract_strided_slice %get3A_305 {offsets = [2], sizes = [1], strides = [1]} : vector<16xf32> to vector<1xf32>
          %squeeze3A_335 = vector.extract %slice3A_334[0] : f32 from vector<1xf32>
          %mul3A_336 = vector.broadcast %squeeze3A_335 : f32 to vector<16xf32>
          %mul3A_337 = arith.mulf %get3A_333, %mul3A_336 : vector<16xf32>
          %swap3A_338 = arith.index_cast %scan3A_300 : i32 to index
          %swap3A_339 = arith.constant 32 : index
          %swap3A_340 = tpu.vector_load %arg17[%swap3A_338, %swap3A_339] {strides = array<i32>} : memref<64x144xf32, #tpu.memory_space<vmem>>, vector<1x16xf32>,
          %swap3A_341 = vector.shape_cast %swap3A_340 : vector<1x16xf32> to vector<16xf32>
          %swap3A_342 = vector.shape_cast %mul3A_337 : vector<16xf32> to vector<1x16xf32>
          tpu.vector_store %arg17[%swap3A_338, %swap3A_339], %swap3A_342 {strides = array<i32>} : memref<64x144xf32, #tpu.memory_space<vmem>>, vector<1x16xf32>,
          %get3A_343 = arith.index_cast %scan3A_300 : i32 to index
          %get3A_344 = arith.constant 48 : index
          %get3A_345 = tpu.vector_load %arg17[%get3A_343, %get3A_344] {strides = array<i32>} : memref<64x144xf32, #tpu.memory_space<vmem>>, vector<1x16xf32>,
          %get3A_346 = vector.shape_cast %get3A_345 : vector<1x16xf32> to vector<16xf32>
          %slice3A_347 = vector.extract_strided_slice %get3A_305 {offsets = [3], sizes = [1], strides = [1]} : vector<16xf32> to vector<1xf32>
          %squeeze3A_348 = vector.extract %slice3A_347[0] : f32 from vector<1xf32>
          %mul3A_349 = vector.broadcast %squeeze3A_348 : f32 to vector<16xf32>
          %mul3A_350 = arith.mulf %get3A_346, %mul3A_349 : vector<16xf32>
          %swap3A_351 = arith.index_cast %scan3A_300 : i32 to index
          %swap3A_352 = arith.constant 48 : index
          %swap3A_353 = tpu.vector_load %arg17[%swap3A_351, %swap3A_352] {strides = array<i32>} : memref<64x144xf32, #tpu.memory_space<vmem>>, vector<1x16xf32>,
          %swap3A_354 = vector.shape_cast %swap3A_353 : vector<1x16xf32> to vector<16xf32>
          %swap3A_355 = vector.shape_cast %mul3A_350 : vector<16xf32> to vector<1x16xf32>
          tpu.vector_store %arg17[%swap3A_351, %swap3A_352], %swap3A_355 {strides = array<i32>} : memref<64x144xf32, #tpu.memory_space<vmem>>, vector<1x16xf32>,
          %get3A_356 = arith.index_cast %scan3A_300 : i32 to index
          %get3A_357 = arith.constant 64 : index
          %get3A_358 = tpu.vector_load %arg17[%get3A_356, %get3A_357] {strides = array<i32>} : memref<64x144xf32, #tpu.memory_space<vmem>>, vector<1x16xf32>,
          %get3A_359 = vector.shape_cast %get3A_358 : vector<1x16xf32> to vector<16xf32>
          %slice3A_360 = vector.extract_strided_slice %get3A_305 {offsets = [4], sizes = [1], strides = [1]} : vector<16xf32> to vector<1xf32>
          %squeeze3A_361 = vector.extract %slice3A_360[0] : f32 from vector<1xf32>
          %mul3A_362 = vector.broadcast %squeeze3A_361 : f32 to vector<16xf32>
          %mul3A_363 = arith.mulf %get3A_359, %mul3A_362 : vector<16xf32>
          %swap3A_364 = arith.index_cast %scan3A_300 : i32 to index
          %swap3A_365 = arith.constant 64 : index
          %swap3A_366 = tpu.vector_load %arg17[%swap3A_364, %swap3A_365] {strides = array<i32>} : memref<64x144xf32, #tpu.memory_space<vmem>>, vector<1x16xf32>,
          %swap3A_367 = vector.shape_cast %swap3A_366 : vector<1x16xf32> to vector<16xf32>
          %swap3A_368 = vector.shape_cast %mul3A_363 : vector<16xf32> to vector<1x16xf32>
          tpu.vector_store %arg17[%swap3A_364, %swap3A_365], %swap3A_368 {strides = array<i32>} : memref<64x144xf32, #tpu.memory_space<vmem>>, vector<1x16xf32>,
          %get3A_369 = arith.index_cast %scan3A_300 : i32 to index
          %get3A_370 = arith.constant 80 : index
          %get3A_371 = tpu.vector_load %arg17[%get3A_369, %get3A_370] {strides = array<i32>} : memref<64x144xf32, #tpu.memory_space<vmem>>, vector<1x16xf32>,
          %get3A_372 = vector.shape_cast %get3A_371 : vector<1x16xf32> to vector<16xf32>
          %slice3A_373 = vector.extract_strided_slice %get3A_305 {offsets = [5], sizes = [1], strides = [1]} : vector<16xf32> to vector<1xf32>
          %squeeze3A_374 = vector.extract %slice3A_373[0] : f32 from vector<1xf32>
          %mul3A_375 = vector.broadcast %squeeze3A_374 : f32 to vector<16xf32>
          %mul3A_376 = arith.mulf %get3A_372, %mul3A_375 : vector<16xf32>
          %swap3A_377 = arith.index_cast %scan3A_300 : i32 to index
          %swap3A_378 = arith.constant 80 : index
          %swap3A_379 = tpu.vector_load %arg17[%swap3A_377, %swap3A_378] {strides = array<i32>} : memref<64x144xf32, #tpu.memory_space<vmem>>, vector<1x16xf32>,
          %swap3A_380 = vector.shape_cast %swap3A_379 : vector<1x16xf32> to vector<16xf32>
          %swap3A_381 = vector.shape_cast %mul3A_376 : vector<16xf32> to vector<1x16xf32>
          tpu.vector_store %arg17[%swap3A_377, %swap3A_378], %swap3A_381 {strides = array<i32>} : memref<64x144xf32, #tpu.memory_space<vmem>>, vector<1x16xf32>,
          %get3A_382 = arith.index_cast %scan3A_300 : i32 to index
          %get3A_383 = arith.constant 96 : index
          %get3A_384 = tpu.vector_load %arg17[%get3A_382, %get3A_383] {strides = array<i32>} : memref<64x144xf32, #tpu.memory_space<vmem>>, vector<1x16xf32>,
          %get3A_385 = vector.shape_cast %get3A_384 : vector<1x16xf32> to vector<16xf32>
          %slice3A_386 = vector.extract_strided_slice %get3A_305 {offsets = [6], sizes = [1], strides = [1]} : vector<16xf32> to vector<1xf32>
          %squeeze3A_387 = vector.extract %slice3A_386[0] : f32 from vector<1xf32>
          %mul3A_388 = vector.broadcast %squeeze3A_387 : f32 to vector<16xf32>
          %mul3A_389 = arith.mulf %get3A_385, %mul3A_388 : vector<16xf32>
          %swap3A_390 = arith.index_cast %scan3A_300 : i32 to index
          %swap3A_391 = arith.constant 96 : index
          %swap3A_392 = tpu.vector_load %arg17[%swap3A_390, %swap3A_391] {strides = array<i32>} : memref<64x144xf32, #tpu.memory_space<vmem>>, vector<1x16xf32>,
          %swap3A_393 = vector.shape_cast %swap3A_392 : vector<1x16xf32> to vector<16xf32>
          %swap3A_394 = vector.shape_cast %mul3A_389 : vector<16xf32> to vector<1x16xf32>
          tpu.vector_store %arg17[%swap3A_390, %swap3A_391], %swap3A_394 {strides = array<i32>} : memref<64x144xf32, #tpu.memory_space<vmem>>, vector<1x16xf32>,
          %get3A_395 = arith.index_cast %scan3A_300 : i32 to index
          %get3A_396 = arith.constant 112 : index
          %get3A_397 = tpu.vector_load %arg17[%get3A_395, %get3A_396] {strides = array<i32>} : memref<64x144xf32, #tpu.memory_space<vmem>>, vector<1x16xf32>,
          %get3A_398 = vector.shape_cast %get3A_397 : vector<1x16xf32> to vector<16xf32>
          %slice3A_399 = vector.extract_strided_slice %get3A_305 {offsets = [7], sizes = [1], strides = [1]} : vector<16xf32> to vector<1xf32>
          %squeeze3A_400 = vector.extract %slice3A_399[0] : f32 from vector<1xf32>
          %mul3A_401 = vector.broadcast %squeeze3A_400 : f32 to vector<16xf32>
          %mul3A_402 = arith.mulf %get3A_398, %mul3A_401 : vector<16xf32>
          %swap3A_403 = arith.index_cast %scan3A_300 : i32 to index
          %swap3A_404 = arith.constant 112 : index
          %swap3A_405 = tpu.vector_load %arg17[%swap3A_403, %swap3A_404] {strides = array<i32>} : memref<64x144xf32, #tpu.memory_space<vmem>>, vector<1x16xf32>,
          %swap3A_406 = vector.shape_cast %swap3A_405 : vector<1x16xf32> to vector<16xf32>
          %swap3A_407 = vector.shape_cast %mul3A_402 : vector<16xf32> to vector<1x16xf32>
          tpu.vector_store %arg17[%swap3A_403, %swap3A_404], %swap3A_407 {strides = array<i32>} : memref<64x144xf32, #tpu.memory_space<vmem>>, vector<1x16xf32>,
          %scan3A_408 = arith.constant 0 : i32
          scf.yield %scan3A_408 : i32
        }
        %scan3A_290 = arith.constant 64 : i32
        %add3A_291 = arith.constant 2 : i32
        %add3A_292 = arith.addi %add3A_257, %add3A_291 : i32
        %lt3A_293 = arith.cmpi slt, %add3A_292, %min3A_55 : i32
        %convert_element_type3A_294 = arith.extui %lt3A_293 : i1 to i32
        %cond3A_295 = arith.constant 0 : i32
        %cond3A_296 = arith.cmpi ne, %convert_element_type3A_294, %cond3A_295 : i32
        scf.if %cond3A_296 {
          %ge3A = arith.constant 1 : i32
          %ge3A_300 = arith.cmpi sge, %add3A_257, %ge3A : i32
          %convert_element_type3A_301 = arith.extui %ge3A_300 : i1 to i32
          %cond3A_302 = arith.constant 0 : i32
          %cond3A_303 = arith.cmpi ne, %convert_element_type3A_301, %cond3A_302 : i32
          scf.if %cond3A_303 {
            %dma_wait3A_386 = arith.constant 0 : i32
            %dma_wait3A_387 = arith.constant 0 : i32
            %dma_wait3A_388 = tpu.memref_slice %arg7[%dma_wait3A_386, %dma_wait3A_387] : memref<10112x144xf32, #tpu.memory_space<vmem_shared>> -> memref<10112x144xf32, #tpu.memory_space<vmem_shared>>
            tpu.wait_indirect_dma semaphore(%arg14 : memref<!tpu.dma_semaphore, #tpu.memory_space<semaphore_mem>>) src(%arg10 : memref<64x144xf32, #tpu.memory_space<vmem>>) dst(%dma_wait3A_388 : memref<10112x144xf32, #tpu.memory_space<vmem_shared>>)
          } else {
          }
          %add3A_304 = arith.constant 2 : i32
          %add3A_305 = arith.addi %add3A_257, %add3A_304 : i32
          %rem3A_306 = arith.constant 8 : i32
          %rem3A_307 = arith.remsi %add3A_305, %rem3A_306 : i32
          %eq3A = arith.constant 0 : i32
          %eq3A_308 = arith.cmpi eq, %rem3A_307, %eq3A : i32
          %convert_element_type3A_309 = arith.extui %eq3A_308 : i1 to i32
          %cond3A_310 = arith.constant 0 : i32
          %cond3A_311 = arith.cmpi ne, %convert_element_type3A_309, %cond3A_310 : i32
          scf.if %cond3A_311 {
            %add3A_386 = arith.constant 2 : i32
            %add3A_387 = arith.addi %add3A_257, %add3A_386 : i32
            %add3A_388 = arith.addi %mul3A_32, %add3A_387 : i32
            %multiple_of3A_389 = tpu.assume_multiple %add3A_388, 8 : i32
            "tpu.region"() ({
              %run_scoped3A = tpu.sem_alloc : memref<!tpu.dma_semaphore, #tpu.memory_space<semaphore_mem>>
              %dma_start3A_390 = arith.constant 0 : i32
              %dma_start3A_391 = tpu.memref_slice %arg2[%multiple_of3A_389, %dma_start3A_390] : memref<5000x128xi32, #tpu.memory_space<hbm>> -> memref<8x128xi32, #tpu.memory_space<hbm>>
              %dma_start3A_392 = arith.constant 0 : i32
              %dma_start3A_393 = tpu.memref_slice %arg2[%multiple_of3A_389, %dma_start3A_392] : memref<5000x128xi32, #tpu.memory_space<hbm>> -> memref<8x128xi32, #tpu.memory_space<hbm>>
              tpu.enqueue_dma source(%dma_start3A_393 : memref<8x128xi32, #tpu.memory_space<hbm>>) target(%arg6 : memref<8x128xi32, #tpu.memory_space<vmem>>) target_semaphore(%run_scoped3A : memref<!tpu.dma_semaphore, #tpu.memory_space<semaphore_mem>>)
              %dma_wait3A_394 = arith.constant 0 : i32
              %dma_wait3A_395 = tpu.memref_slice %arg2[%multiple_of3A_389, %dma_wait3A_394] : memref<5000x128xi32, #tpu.memory_space<hbm>> -> memref<8x128xi32, #tpu.memory_space<hbm>>
              %dma_wait3A_396 = arith.constant 0 : i32
              %dma_wait3A_397 = tpu.memref_slice %arg2[%multiple_of3A_389, %dma_wait3A_396] : memref<5000x128xi32, #tpu.memory_space<hbm>> -> memref<8x128xi32, #tpu.memory_space<hbm>>
              tpu.wait_dma2 semaphore(%run_scoped3A : memref<!tpu.dma_semaphore, #tpu.memory_space<semaphore_mem>>) src(%dma_wait3A_397 : memref<8x128xi32, #tpu.memory_space<hbm>>) dst(%arg6 : memref<8x128xi32, #tpu.memory_space<vmem>>)
              tpu.yield
            }) : () -> ()
          } else {
          }
          %add3A_312 = arith.constant 2 : i32
          %add3A_313 = arith.addi %add3A_257, %add3A_312 : i32
          %rem3A_314 = arith.constant 8 : i32
          %rem3A_315 = arith.remsi %add3A_313, %rem3A_314 : i32
          %get3A_316 = arith.index_cast %rem3A_315 : i32 to index
          %get3A_317 = arith.constant 0 : index
          %get3A_318 = tpu.vector_load %arg6[%get3A_316, %get3A_317] {strides = array<i32>} : memref<8x128xi32, #tpu.memory_space<vmem>>, vector<1x16xi32>,
          %get3A_319 = vector.shape_cast %get3A_318 : vector<1x16xi32> to vector<16xi32>
          %swap3A_320 = arith.constant 0 : index
          %swap3A_321 = tpu.vector_load %arg8[%swap3A_320] {strides = array<i32>} : memref<64xi32, #tpu.memory_space<vmem>>, vector<16xi32>,
          %swap3A_322 = vector.shape_cast %swap3A_321 : vector<16xi32> to vector<16xi32>
          %swap3A_323 = vector.shape_cast %get3A_319 : vector<16xi32> to vector<16xi32>
          tpu.vector_store %arg8[%swap3A_320], %swap3A_323 {strides = array<i32>} : memref<64xi32, #tpu.memory_space<vmem>>, vector<16xi32>,
          %get3A_324 = arith.index_cast %rem3A_315 : i32 to index
          %get3A_325 = arith.constant 64 : index
          %get3A_326 = tpu.vector_load %arg6[%get3A_324, %get3A_325] {strides = array<i32>} : memref<8x128xi32, #tpu.memory_space<vmem>>, vector<1x16xi32>,
          %get3A_327 = vector.shape_cast %get3A_326 : vector<1x16xi32> to vector<16xi32>
          %swap3A_328 = arith.constant 0 : index
          %swap3A_329 = tpu.vector_load %arg9[%swap3A_328] {strides = array<i32>} : memref<64xi32, #tpu.memory_space<vmem>>, vector<16xi32>,
          %swap3A_330 = vector.shape_cast %swap3A_329 : vector<16xi32> to vector<16xi32>
          %swap3A_331 = vector.shape_cast %get3A_327 : vector<16xi32> to vector<16xi32>
          tpu.vector_store %arg9[%swap3A_328], %swap3A_331 {strides = array<i32>} : memref<64xi32, #tpu.memory_space<vmem>>, vector<16xi32>,
          %get3A_332 = arith.index_cast %rem3A_315 : i32 to index
          %get3A_333 = arith.constant 16 : index
          %get3A_334 = tpu.vector_load %arg6[%get3A_332, %get3A_333] {strides = array<i32>} : memref<8x128xi32, #tpu.memory_space<vmem>>, vector<1x16xi32>,
          %get3A_335 = vector.shape_cast %get3A_334 : vector<1x16xi32> to vector<16xi32>
          %swap3A_336 = arith.constant 16 : index
          %swap3A_337 = tpu.vector_load %arg8[%swap3A_336] {strides = array<i32>} : memref<64xi32, #tpu.memory_space<vmem>>, vector<16xi32>,
          %swap3A_338 = vector.shape_cast %swap3A_337 : vector<16xi32> to vector<16xi32>
          %swap3A_339 = vector.shape_cast %get3A_335 : vector<16xi32> to vector<16xi32>
          tpu.vector_store %arg8[%swap3A_336], %swap3A_339 {strides = array<i32>} : memref<64xi32, #tpu.memory_space<vmem>>, vector<16xi32>,
          %get3A_340 = arith.index_cast %rem3A_315 : i32 to index
          %get3A_341 = arith.constant 80 : index
          %get3A_342 = tpu.vector_load %arg6[%get3A_340, %get3A_341] {strides = array<i32>} : memref<8x128xi32, #tpu.memory_space<vmem>>, vector<1x16xi32>,
          %get3A_343 = vector.shape_cast %get3A_342 : vector<1x16xi32> to vector<16xi32>
          %swap3A_344 = arith.constant 16 : index
          %swap3A_345 = tpu.vector_load %arg9[%swap3A_344] {strides = array<i32>} : memref<64xi32, #tpu.memory_space<vmem>>, vector<16xi32>,
          %swap3A_346 = vector.shape_cast %swap3A_345 : vector<16xi32> to vector<16xi32>
          %swap3A_347 = vector.shape_cast %get3A_343 : vector<16xi32> to vector<16xi32>
          tpu.vector_store %arg9[%swap3A_344], %swap3A_347 {strides = array<i32>} : memref<64xi32, #tpu.memory_space<vmem>>, vector<16xi32>,
          %get3A_348 = arith.index_cast %rem3A_315 : i32 to index
          %get3A_349 = arith.constant 32 : index
          %get3A_350 = tpu.vector_load %arg6[%get3A_348, %get3A_349] {strides = array<i32>} : memref<8x128xi32, #tpu.memory_space<vmem>>, vector<1x16xi32>,
          %get3A_351 = vector.shape_cast %get3A_350 : vector<1x16xi32> to vector<16xi32>
          %swap3A_352 = arith.constant 32 : index
          %swap3A_353 = tpu.vector_load %arg8[%swap3A_352] {strides = array<i32>} : memref<64xi32, #tpu.memory_space<vmem>>, vector<16xi32>,
          %swap3A_354 = vector.shape_cast %swap3A_353 : vector<16xi32> to vector<16xi32>
          %swap3A_355 = vector.shape_cast %get3A_351 : vector<16xi32> to vector<16xi32>
          tpu.vector_store %arg8[%swap3A_352], %swap3A_355 {strides = array<i32>} : memref<64xi32, #tpu.memory_space<vmem>>, vector<16xi32>,
          %get3A_356 = arith.index_cast %rem3A_315 : i32 to index
          %get3A_357 = arith.constant 96 : index
          %get3A_358 = tpu.vector_load %arg6[%get3A_356, %get3A_357] {strides = array<i32>} : memref<8x128xi32, #tpu.memory_space<vmem>>, vector<1x16xi32>,
          %get3A_359 = vector.shape_cast %get3A_358 : vector<1x16xi32> to vector<16xi32>
          %swap3A_360 = arith.constant 32 : index
          %swap3A_361 = tpu.vector_load %arg9[%swap3A_360] {strides = array<i32>} : memref<64xi32, #tpu.memory_space<vmem>>, vector<16xi32>,
          %swap3A_362 = vector.shape_cast %swap3A_361 : vector<16xi32> to vector<16xi32>
          %swap3A_363 = vector.shape_cast %get3A_359 : vector<16xi32> to vector<16xi32>
          tpu.vector_store %arg9[%swap3A_360], %swap3A_363 {strides = array<i32>} : memref<64xi32, #tpu.memory_space<vmem>>, vector<16xi32>,
          %get3A_364 = arith.index_cast %rem3A_315 : i32 to index
          %get3A_365 = arith.constant 48 : index
          %get3A_366 = tpu.vector_load %arg6[%get3A_364, %get3A_365] {strides = array<i32>} : memref<8x128xi32, #tpu.memory_space<vmem>>, vector<1x16xi32>,
          %get3A_367 = vector.shape_cast %get3A_366 : vector<1x16xi32> to vector<16xi32>
          %swap3A_368 = arith.constant 48 : index
          %swap3A_369 = tpu.vector_load %arg8[%swap3A_368] {strides = array<i32>} : memref<64xi32, #tpu.memory_space<vmem>>, vector<16xi32>,
          %swap3A_370 = vector.shape_cast %swap3A_369 : vector<16xi32> to vector<16xi32>
          %swap3A_371 = vector.shape_cast %get3A_367 : vector<16xi32> to vector<16xi32>
          tpu.vector_store %arg8[%swap3A_368], %swap3A_371 {strides = array<i32>} : memref<64xi32, #tpu.memory_space<vmem>>, vector<16xi32>,
          %get3A_372 = arith.index_cast %rem3A_315 : i32 to index
          %get3A_373 = arith.constant 112 : index
          %get3A_374 = tpu.vector_load %arg6[%get3A_372, %get3A_373] {strides = array<i32>} : memref<8x128xi32, #tpu.memory_space<vmem>>, vector<1x16xi32>,
          %get3A_375 = vector.shape_cast %get3A_374 : vector<1x16xi32> to vector<16xi32>
          %swap3A_376 = arith.constant 48 : index
          %swap3A_377 = tpu.vector_load %arg9[%swap3A_376] {strides = array<i32>} : memref<64xi32, #tpu.memory_space<vmem>>, vector<16xi32>,
          %swap3A_378 = vector.shape_cast %swap3A_377 : vector<16xi32> to vector<16xi32>
          %swap3A_379 = vector.shape_cast %get3A_375 : vector<16xi32> to vector<16xi32>
          tpu.vector_store %arg9[%swap3A_376], %swap3A_379 {strides = array<i32>} : memref<64xi32, #tpu.memory_space<vmem>>, vector<16xi32>,
          %dma_start3A_380 = arith.constant 0 : i32
          %dma_start3A_381 = arith.constant 0 : i32
          %dma_start3A_382 = tpu.memref_slice %arg4[%dma_start3A_380, %dma_start3A_381] : memref<10112x16xf32, #tpu.memory_space<hbm>> -> memref<10112x16xf32, #tpu.memory_space<hbm>>
          tpu.enqueue_indirect_dma source(%dma_start3A_382 : memref<10112x16xf32, #tpu.memory_space<hbm>>) target(%arg11 : memref<64x16xf32, #tpu.memory_space<vmem>>) offsets(%arg9 : memref<64xi32, #tpu.memory_space<vmem>>) semaphore(%arg12 : memref<!tpu.dma_semaphore, #tpu.memory_space<semaphore_mem>>)
          %dma_start3A_383 = arith.constant 0 : i32
          %dma_start3A_384 = arith.constant 0 : i32
          %dma_start3A_385 = tpu.memref_slice %arg3[%dma_start3A_383, %dma_start3A_384] : memref<10112x144xf32, #tpu.memory_space<hbm>> -> memref<10112x144xf32, #tpu.memory_space<hbm>>
          tpu.enqueue_indirect_dma source(%dma_start3A_385 : memref<10112x144xf32, #tpu.memory_space<hbm>>) target(%arg10 : memref<64x144xf32, #tpu.memory_space<vmem>>) offsets(%arg8 : memref<64xi32, #tpu.memory_space<vmem>>) semaphore(%arg13 : memref<!tpu.dma_semaphore, #tpu.memory_space<semaphore_mem>>)
        } else {
        }
        %dma_start3A_297 = arith.constant 0 : i32
        %dma_start3A_298 = arith.constant 0 : i32
        %dma_start3A_299 = tpu.memref_slice %arg7[%dma_start3A_297, %dma_start3A_298] : memref<10112x144xf32, #tpu.memory_space<vmem_shared>> -> memref<10112x144xf32, #tpu.memory_space<vmem_shared>>
        tpu.enqueue_indirect_dma source(%arg17 : memref<64x144xf32, #tpu.memory_space<vmem>>) target(%dma_start3A_299 : memref<10112x144xf32, #tpu.memory_space<vmem_shared>>) offsets(%arg16 : memref<64xi32, #tpu.memory_space<vmem>>) semaphore(%arg21 : memref<!tpu.dma_semaphore, #tpu.memory_space<semaphore_mem>>) {add = true}
      } else {
      }
      %mul3A_262 = arith.constant 3 : i32
      %mul3A_263 = arith.muli %mul3A_262, %while3A_247 : i32
      %add3A_264 = arith.constant 2 : i32
      %add3A_265 = arith.addi %mul3A_263, %add3A_264 : i32
      %lt3A_266 = arith.cmpi slt, %add3A_265, %min3A_55 : i32
      %convert_element_type3A_267 = arith.extui %lt3A_266 : i1 to i32
      %cond3A_268 = arith.constant 0 : i32
      %cond3A_269 = arith.cmpi ne, %convert_element_type3A_267, %cond3A_268 : i32
      scf.if %cond3A_269 {
        %dma_wait3A_271 = arith.constant 0 : i32
        %dma_wait3A_272 = arith.constant 0 : i32
        %dma_wait3A_273 = tpu.memref_slice %arg4[%dma_wait3A_271, %dma_wait3A_272] : memref<10112x16xf32, #tpu.memory_space<hbm>> -> memref<10112x16xf32, #tpu.memory_space<hbm>>
        tpu.wait_indirect_dma semaphore(%arg26 : memref<!tpu.dma_semaphore, #tpu.memory_space<semaphore_mem>>) src(%dma_wait3A_273 : memref<10112x16xf32, #tpu.memory_space<hbm>>) dst(%arg25 : memref<64x16xf32, #tpu.memory_space<vmem>>)
        %dma_wait3A_274 = arith.constant 0 : i32
        %dma_wait3A_275 = arith.constant 0 : i32
        %dma_wait3A_276 = tpu.memref_slice %arg3[%dma_wait3A_274, %dma_wait3A_275] : memref<10112x144xf32, #tpu.memory_space<hbm>> -> memref<10112x144xf32, #tpu.memory_space<hbm>>
        tpu.wait_indirect_dma semaphore(%arg27 : memref<!tpu.dma_semaphore, #tpu.memory_space<semaphore_mem>>) src(%dma_wait3A_276 : memref<10112x144xf32, #tpu.memory_space<hbm>>) dst(%arg24 : memref<64x144xf32, #tpu.memory_space<vmem>>)
        %scan3A_277 = arith.constant 0 : i32
        %scan3A_278 = arith.constant 0 : i32
        %scan3A_279 = arith.constant 64 : i32
        %scan3A_280 = arith.addi %scan3A_278, %scan3A_279 : i32
        %scan3A_281 = arith.constant 1 : i32
        %scan3A_282 = scf.for %scan3A_300 = %scan3A_278 to %scan3A_280 step %scan3A_281 iter_args(%scan3A_301 = %scan3A_277) -> (i32)  : i32 {
          %get3A_302 = arith.index_cast %scan3A_300 : i32 to index
          %get3A_303 = arith.constant 128 : index
          %get3A_304 = tpu.vector_load %arg24[%get3A_302, %get3A_303] {strides = array<i32>} : memref<64x144xf32, #tpu.memory_space<vmem>>, vector<1x16xf32>,
          %get3A_305 = vector.shape_cast %get3A_304 : vector<1x16xf32> to vector<16xf32>
          %get3A_306 = arith.index_cast %scan3A_300 : i32 to index
          %get3A_307 = arith.constant 0 : index
          %get3A_308 = tpu.vector_load %arg25[%get3A_306, %get3A_307] {strides = array<i32>} : memref<64x16xf32, #tpu.memory_space<vmem>>, vector<1x16xf32>,
          %get3A_309 = vector.shape_cast %get3A_308 : vector<1x16xf32> to vector<16xf32>
          %add3A_310 = arith.addf %get3A_305, %get3A_309 : vector<16xf32>
          %gt3A = arith.constant 0.000000e+00 : f32
          %gt3A_311 = vector.broadcast %gt3A : f32 to vector<16xf32>
          %gt3A_312 = arith.cmpf ogt, %add3A_310, %gt3A_311 : vector<16xf32>
          %mul3A_313 = arith.constant 2.000000e-01 : f32
          %mul3A_314 = vector.broadcast %mul3A_313 : f32 to vector<16xf32>
          %mul3A_315 = arith.mulf %mul3A_314, %add3A_310 : vector<16xf32>
          %select_n3A_316 = arith.select %gt3A_312, %add3A_310, %mul3A_315 : vector<16xi1>, vector<16xf32>
          %exp3A = math.exp %select_n3A_316 : vector<16xf32>
          %swap3A_317 = arith.index_cast %scan3A_300 : i32 to index
          %swap3A_318 = arith.constant 128 : index
          %swap3A_319 = tpu.vector_load %arg24[%swap3A_317, %swap3A_318] {strides = array<i32>} : memref<64x144xf32, #tpu.memory_space<vmem>>, vector<1x16xf32>,
          %swap3A_320 = vector.shape_cast %swap3A_319 : vector<1x16xf32> to vector<16xf32>
          %swap3A_321 = vector.shape_cast %exp3A : vector<16xf32> to vector<1x16xf32>
          tpu.vector_store %arg24[%swap3A_317, %swap3A_318], %swap3A_321 {strides = array<i32>} : memref<64x144xf32, #tpu.memory_space<vmem>>, vector<1x16xf32>,
          %scan3A_322 = arith.constant 0 : i32
          scf.yield %scan3A_322 : i32
        }
        %scan3A_283 = arith.constant 64 : i32
        %scan3A_284 = arith.constant 0 : i32
        %scan3A_285 = arith.constant 0 : i32
        %scan3A_286 = arith.constant 64 : i32
        %scan3A_287 = arith.addi %scan3A_285, %scan3A_286 : i32
        %scan3A_288 = arith.constant 1 : i32
        %scan3A_289 = scf.for %scan3A_300 = %scan3A_285 to %scan3A_287 step %scan3A_288 iter_args(%scan3A_301 = %scan3A_284) -> (i32)  : i32 {
          %get3A_302 = arith.index_cast %scan3A_300 : i32 to index
          %get3A_303 = arith.constant 128 : index
          %get3A_304 = tpu.vector_load %arg24[%get3A_302, %get3A_303] {strides = array<i32>} : memref<64x144xf32, #tpu.memory_space<vmem>>, vector<1x16xf32>,
          %get3A_305 = vector.shape_cast %get3A_304 : vector<1x16xf32> to vector<16xf32>
          %get3A_306 = arith.index_cast %scan3A_300 : i32 to index
          %get3A_307 = arith.constant 0 : index
          %get3A_308 = tpu.vector_load %arg24[%get3A_306, %get3A_307] {strides = array<i32>} : memref<64x144xf32, #tpu.memory_space<vmem>>, vector<1x16xf32>,
          %get3A_309 = vector.shape_cast %get3A_308 : vector<1x16xf32> to vector<16xf32>
          %slice3A = vector.extract_strided_slice %get3A_305 {offsets = [0], sizes = [1], strides = [1]} : vector<16xf32> to vector<1xf32>
          %squeeze3A = vector.extract %slice3A[0] : f32 from vector<1xf32>
          %mul3A_310 = vector.broadcast %squeeze3A : f32 to vector<16xf32>
          %mul3A_311 = arith.mulf %get3A_309, %mul3A_310 : vector<16xf32>
          %swap3A_312 = arith.index_cast %scan3A_300 : i32 to index
          %swap3A_313 = arith.constant 0 : index
          %swap3A_314 = tpu.vector_load %arg24[%swap3A_312, %swap3A_313] {strides = array<i32>} : memref<64x144xf32, #tpu.memory_space<vmem>>, vector<1x16xf32>,
          %swap3A_315 = vector.shape_cast %swap3A_314 : vector<1x16xf32> to vector<16xf32>
          %swap3A_316 = vector.shape_cast %mul3A_311 : vector<16xf32> to vector<1x16xf32>
          tpu.vector_store %arg24[%swap3A_312, %swap3A_313], %swap3A_316 {strides = array<i32>} : memref<64x144xf32, #tpu.memory_space<vmem>>, vector<1x16xf32>,
          %get3A_317 = arith.index_cast %scan3A_300 : i32 to index
          %get3A_318 = arith.constant 16 : index
          %get3A_319 = tpu.vector_load %arg24[%get3A_317, %get3A_318] {strides = array<i32>} : memref<64x144xf32, #tpu.memory_space<vmem>>, vector<1x16xf32>,
          %get3A_320 = vector.shape_cast %get3A_319 : vector<1x16xf32> to vector<16xf32>
          %slice3A_321 = vector.extract_strided_slice %get3A_305 {offsets = [1], sizes = [1], strides = [1]} : vector<16xf32> to vector<1xf32>
          %squeeze3A_322 = vector.extract %slice3A_321[0] : f32 from vector<1xf32>
          %mul3A_323 = vector.broadcast %squeeze3A_322 : f32 to vector<16xf32>
          %mul3A_324 = arith.mulf %get3A_320, %mul3A_323 : vector<16xf32>
          %swap3A_325 = arith.index_cast %scan3A_300 : i32 to index
          %swap3A_326 = arith.constant 16 : index
          %swap3A_327 = tpu.vector_load %arg24[%swap3A_325, %swap3A_326] {strides = array<i32>} : memref<64x144xf32, #tpu.memory_space<vmem>>, vector<1x16xf32>,
          %swap3A_328 = vector.shape_cast %swap3A_327 : vector<1x16xf32> to vector<16xf32>
          %swap3A_329 = vector.shape_cast %mul3A_324 : vector<16xf32> to vector<1x16xf32>
          tpu.vector_store %arg24[%swap3A_325, %swap3A_326], %swap3A_329 {strides = array<i32>} : memref<64x144xf32, #tpu.memory_space<vmem>>, vector<1x16xf32>,
          %get3A_330 = arith.index_cast %scan3A_300 : i32 to index
          %get3A_331 = arith.constant 32 : index
          %get3A_332 = tpu.vector_load %arg24[%get3A_330, %get3A_331] {strides = array<i32>} : memref<64x144xf32, #tpu.memory_space<vmem>>, vector<1x16xf32>,
          %get3A_333 = vector.shape_cast %get3A_332 : vector<1x16xf32> to vector<16xf32>
          %slice3A_334 = vector.extract_strided_slice %get3A_305 {offsets = [2], sizes = [1], strides = [1]} : vector<16xf32> to vector<1xf32>
          %squeeze3A_335 = vector.extract %slice3A_334[0] : f32 from vector<1xf32>
          %mul3A_336 = vector.broadcast %squeeze3A_335 : f32 to vector<16xf32>
          %mul3A_337 = arith.mulf %get3A_333, %mul3A_336 : vector<16xf32>
          %swap3A_338 = arith.index_cast %scan3A_300 : i32 to index
          %swap3A_339 = arith.constant 32 : index
          %swap3A_340 = tpu.vector_load %arg24[%swap3A_338, %swap3A_339] {strides = array<i32>} : memref<64x144xf32, #tpu.memory_space<vmem>>, vector<1x16xf32>,
          %swap3A_341 = vector.shape_cast %swap3A_340 : vector<1x16xf32> to vector<16xf32>
          %swap3A_342 = vector.shape_cast %mul3A_337 : vector<16xf32> to vector<1x16xf32>
          tpu.vector_store %arg24[%swap3A_338, %swap3A_339], %swap3A_342 {strides = array<i32>} : memref<64x144xf32, #tpu.memory_space<vmem>>, vector<1x16xf32>,
          %get3A_343 = arith.index_cast %scan3A_300 : i32 to index
          %get3A_344 = arith.constant 48 : index
          %get3A_345 = tpu.vector_load %arg24[%get3A_343, %get3A_344] {strides = array<i32>} : memref<64x144xf32, #tpu.memory_space<vmem>>, vector<1x16xf32>,
          %get3A_346 = vector.shape_cast %get3A_345 : vector<1x16xf32> to vector<16xf32>
          %slice3A_347 = vector.extract_strided_slice %get3A_305 {offsets = [3], sizes = [1], strides = [1]} : vector<16xf32> to vector<1xf32>
          %squeeze3A_348 = vector.extract %slice3A_347[0] : f32 from vector<1xf32>
          %mul3A_349 = vector.broadcast %squeeze3A_348 : f32 to vector<16xf32>
          %mul3A_350 = arith.mulf %get3A_346, %mul3A_349 : vector<16xf32>
          %swap3A_351 = arith.index_cast %scan3A_300 : i32 to index
          %swap3A_352 = arith.constant 48 : index
          %swap3A_353 = tpu.vector_load %arg24[%swap3A_351, %swap3A_352] {strides = array<i32>} : memref<64x144xf32, #tpu.memory_space<vmem>>, vector<1x16xf32>,
          %swap3A_354 = vector.shape_cast %swap3A_353 : vector<1x16xf32> to vector<16xf32>
          %swap3A_355 = vector.shape_cast %mul3A_350 : vector<16xf32> to vector<1x16xf32>
          tpu.vector_store %arg24[%swap3A_351, %swap3A_352], %swap3A_355 {strides = array<i32>} : memref<64x144xf32, #tpu.memory_space<vmem>>, vector<1x16xf32>,
          %get3A_356 = arith.index_cast %scan3A_300 : i32 to index
          %get3A_357 = arith.constant 64 : index
          %get3A_358 = tpu.vector_load %arg24[%get3A_356, %get3A_357] {strides = array<i32>} : memref<64x144xf32, #tpu.memory_space<vmem>>, vector<1x16xf32>,
          %get3A_359 = vector.shape_cast %get3A_358 : vector<1x16xf32> to vector<16xf32>
          %slice3A_360 = vector.extract_strided_slice %get3A_305 {offsets = [4], sizes = [1], strides = [1]} : vector<16xf32> to vector<1xf32>
          %squeeze3A_361 = vector.extract %slice3A_360[0] : f32 from vector<1xf32>
          %mul3A_362 = vector.broadcast %squeeze3A_361 : f32 to vector<16xf32>
          %mul3A_363 = arith.mulf %get3A_359, %mul3A_362 : vector<16xf32>
          %swap3A_364 = arith.index_cast %scan3A_300 : i32 to index
          %swap3A_365 = arith.constant 64 : index
          %swap3A_366 = tpu.vector_load %arg24[%swap3A_364, %swap3A_365] {strides = array<i32>} : memref<64x144xf32, #tpu.memory_space<vmem>>, vector<1x16xf32>,
          %swap3A_367 = vector.shape_cast %swap3A_366 : vector<1x16xf32> to vector<16xf32>
          %swap3A_368 = vector.shape_cast %mul3A_363 : vector<16xf32> to vector<1x16xf32>
          tpu.vector_store %arg24[%swap3A_364, %swap3A_365], %swap3A_368 {strides = array<i32>} : memref<64x144xf32, #tpu.memory_space<vmem>>, vector<1x16xf32>,
          %get3A_369 = arith.index_cast %scan3A_300 : i32 to index
          %get3A_370 = arith.constant 80 : index
          %get3A_371 = tpu.vector_load %arg24[%get3A_369, %get3A_370] {strides = array<i32>} : memref<64x144xf32, #tpu.memory_space<vmem>>, vector<1x16xf32>,
          %get3A_372 = vector.shape_cast %get3A_371 : vector<1x16xf32> to vector<16xf32>
          %slice3A_373 = vector.extract_strided_slice %get3A_305 {offsets = [5], sizes = [1], strides = [1]} : vector<16xf32> to vector<1xf32>
          %squeeze3A_374 = vector.extract %slice3A_373[0] : f32 from vector<1xf32>
          %mul3A_375 = vector.broadcast %squeeze3A_374 : f32 to vector<16xf32>
          %mul3A_376 = arith.mulf %get3A_372, %mul3A_375 : vector<16xf32>
          %swap3A_377 = arith.index_cast %scan3A_300 : i32 to index
          %swap3A_378 = arith.constant 80 : index
          %swap3A_379 = tpu.vector_load %arg24[%swap3A_377, %swap3A_378] {strides = array<i32>} : memref<64x144xf32, #tpu.memory_space<vmem>>, vector<1x16xf32>,
          %swap3A_380 = vector.shape_cast %swap3A_379 : vector<1x16xf32> to vector<16xf32>
          %swap3A_381 = vector.shape_cast %mul3A_376 : vector<16xf32> to vector<1x16xf32>
          tpu.vector_store %arg24[%swap3A_377, %swap3A_378], %swap3A_381 {strides = array<i32>} : memref<64x144xf32, #tpu.memory_space<vmem>>, vector<1x16xf32>,
          %get3A_382 = arith.index_cast %scan3A_300 : i32 to index
          %get3A_383 = arith.constant 96 : index
          %get3A_384 = tpu.vector_load %arg24[%get3A_382, %get3A_383] {strides = array<i32>} : memref<64x144xf32, #tpu.memory_space<vmem>>, vector<1x16xf32>,
          %get3A_385 = vector.shape_cast %get3A_384 : vector<1x16xf32> to vector<16xf32>
          %slice3A_386 = vector.extract_strided_slice %get3A_305 {offsets = [6], sizes = [1], strides = [1]} : vector<16xf32> to vector<1xf32>
          %squeeze3A_387 = vector.extract %slice3A_386[0] : f32 from vector<1xf32>
          %mul3A_388 = vector.broadcast %squeeze3A_387 : f32 to vector<16xf32>
          %mul3A_389 = arith.mulf %get3A_385, %mul3A_388 : vector<16xf32>
          %swap3A_390 = arith.index_cast %scan3A_300 : i32 to index
          %swap3A_391 = arith.constant 96 : index
          %swap3A_392 = tpu.vector_load %arg24[%swap3A_390, %swap3A_391] {strides = array<i32>} : memref<64x144xf32, #tpu.memory_space<vmem>>, vector<1x16xf32>,
          %swap3A_393 = vector.shape_cast %swap3A_392 : vector<1x16xf32> to vector<16xf32>
          %swap3A_394 = vector.shape_cast %mul3A_389 : vector<16xf32> to vector<1x16xf32>
          tpu.vector_store %arg24[%swap3A_390, %swap3A_391], %swap3A_394 {strides = array<i32>} : memref<64x144xf32, #tpu.memory_space<vmem>>, vector<1x16xf32>,
          %get3A_395 = arith.index_cast %scan3A_300 : i32 to index
          %get3A_396 = arith.constant 112 : index
          %get3A_397 = tpu.vector_load %arg24[%get3A_395, %get3A_396] {strides = array<i32>} : memref<64x144xf32, #tpu.memory_space<vmem>>, vector<1x16xf32>,
          %get3A_398 = vector.shape_cast %get3A_397 : vector<1x16xf32> to vector<16xf32>
          %slice3A_399 = vector.extract_strided_slice %get3A_305 {offsets = [7], sizes = [1], strides = [1]} : vector<16xf32> to vector<1xf32>
          %squeeze3A_400 = vector.extract %slice3A_399[0] : f32 from vector<1xf32>
          %mul3A_401 = vector.broadcast %squeeze3A_400 : f32 to vector<16xf32>
          %mul3A_402 = arith.mulf %get3A_398, %mul3A_401 : vector<16xf32>
          %swap3A_403 = arith.index_cast %scan3A_300 : i32 to index
          %swap3A_404 = arith.constant 112 : index
          %swap3A_405 = tpu.vector_load %arg24[%swap3A_403, %swap3A_404] {strides = array<i32>} : memref<64x144xf32, #tpu.memory_space<vmem>>, vector<1x16xf32>,
          %swap3A_406 = vector.shape_cast %swap3A_405 : vector<1x16xf32> to vector<16xf32>
          %swap3A_407 = vector.shape_cast %mul3A_402 : vector<16xf32> to vector<1x16xf32>
          tpu.vector_store %arg24[%swap3A_403, %swap3A_404], %swap3A_407 {strides = array<i32>} : memref<64x144xf32, #tpu.memory_space<vmem>>, vector<1x16xf32>,
          %scan3A_408 = arith.constant 0 : i32
          scf.yield %scan3A_408 : i32
        }
        %scan3A_290 = arith.constant 64 : i32
        %add3A_291 = arith.constant 2 : i32
        %add3A_292 = arith.addi %add3A_265, %add3A_291 : i32
        %lt3A_293 = arith.cmpi slt, %add3A_292, %min3A_55 : i32
        %convert_element_type3A_294 = arith.extui %lt3A_293 : i1 to i32
        %cond3A_295 = arith.constant 0 : i32
        %cond3A_296 = arith.cmpi ne, %convert_element_type3A_294, %cond3A_295 : i32
        scf.if %cond3A_296 {
          %ge3A = arith.constant 1 : i32
          %ge3A_300 = arith.cmpi sge, %add3A_265, %ge3A : i32
          %convert_element_type3A_301 = arith.extui %ge3A_300 : i1 to i32
          %cond3A_302 = arith.constant 0 : i32
          %cond3A_303 = arith.cmpi ne, %convert_element_type3A_301, %cond3A_302 : i32
          scf.if %cond3A_303 {
            %dma_wait3A_386 = arith.constant 0 : i32
            %dma_wait3A_387 = arith.constant 0 : i32
            %dma_wait3A_388 = tpu.memref_slice %arg7[%dma_wait3A_386, %dma_wait3A_387] : memref<10112x144xf32, #tpu.memory_space<vmem_shared>> -> memref<10112x144xf32, #tpu.memory_space<vmem_shared>>
            tpu.wait_indirect_dma semaphore(%arg21 : memref<!tpu.dma_semaphore, #tpu.memory_space<semaphore_mem>>) src(%arg17 : memref<64x144xf32, #tpu.memory_space<vmem>>) dst(%dma_wait3A_388 : memref<10112x144xf32, #tpu.memory_space<vmem_shared>>)
          } else {
          }
          %add3A_304 = arith.constant 2 : i32
          %add3A_305 = arith.addi %add3A_265, %add3A_304 : i32
          %rem3A_306 = arith.constant 8 : i32
          %rem3A_307 = arith.remsi %add3A_305, %rem3A_306 : i32
          %eq3A = arith.constant 0 : i32
          %eq3A_308 = arith.cmpi eq, %rem3A_307, %eq3A : i32
          %convert_element_type3A_309 = arith.extui %eq3A_308 : i1 to i32
          %cond3A_310 = arith.constant 0 : i32
          %cond3A_311 = arith.cmpi ne, %convert_element_type3A_309, %cond3A_310 : i32
          scf.if %cond3A_311 {
            %add3A_386 = arith.constant 2 : i32
            %add3A_387 = arith.addi %add3A_265, %add3A_386 : i32
            %add3A_388 = arith.addi %mul3A_32, %add3A_387 : i32
            %multiple_of3A_389 = tpu.assume_multiple %add3A_388, 8 : i32
            "tpu.region"() ({
              %run_scoped3A = tpu.sem_alloc : memref<!tpu.dma_semaphore, #tpu.memory_space<semaphore_mem>>
              %dma_start3A_390 = arith.constant 0 : i32
              %dma_start3A_391 = tpu.memref_slice %arg2[%multiple_of3A_389, %dma_start3A_390] : memref<5000x128xi32, #tpu.memory_space<hbm>> -> memref<8x128xi32, #tpu.memory_space<hbm>>
              %dma_start3A_392 = arith.constant 0 : i32
              %dma_start3A_393 = tpu.memref_slice %arg2[%multiple_of3A_389, %dma_start3A_392] : memref<5000x128xi32, #tpu.memory_space<hbm>> -> memref<8x128xi32, #tpu.memory_space<hbm>>
              tpu.enqueue_dma source(%dma_start3A_393 : memref<8x128xi32, #tpu.memory_space<hbm>>) target(%arg6 : memref<8x128xi32, #tpu.memory_space<vmem>>) target_semaphore(%run_scoped3A : memref<!tpu.dma_semaphore, #tpu.memory_space<semaphore_mem>>)
              %dma_wait3A_394 = arith.constant 0 : i32
              %dma_wait3A_395 = tpu.memref_slice %arg2[%multiple_of3A_389, %dma_wait3A_394] : memref<5000x128xi32, #tpu.memory_space<hbm>> -> memref<8x128xi32, #tpu.memory_space<hbm>>
              %dma_wait3A_396 = arith.constant 0 : i32
              %dma_wait3A_397 = tpu.memref_slice %arg2[%multiple_of3A_389, %dma_wait3A_396] : memref<5000x128xi32, #tpu.memory_space<hbm>> -> memref<8x128xi32, #tpu.memory_space<hbm>>
              tpu.wait_dma2 semaphore(%run_scoped3A : memref<!tpu.dma_semaphore, #tpu.memory_space<semaphore_mem>>) src(%dma_wait3A_397 : memref<8x128xi32, #tpu.memory_space<hbm>>) dst(%arg6 : memref<8x128xi32, #tpu.memory_space<vmem>>)
              tpu.yield
            }) : () -> ()
          } else {
          }
          %add3A_312 = arith.constant 2 : i32
          %add3A_313 = arith.addi %add3A_265, %add3A_312 : i32
          %rem3A_314 = arith.constant 8 : i32
          %rem3A_315 = arith.remsi %add3A_313, %rem3A_314 : i32
          %get3A_316 = arith.index_cast %rem3A_315 : i32 to index
          %get3A_317 = arith.constant 0 : index
          %get3A_318 = tpu.vector_load %arg6[%get3A_316, %get3A_317] {strides = array<i32>} : memref<8x128xi32, #tpu.memory_space<vmem>>, vector<1x16xi32>,
          %get3A_319 = vector.shape_cast %get3A_318 : vector<1x16xi32> to vector<16xi32>
          %swap3A_320 = arith.constant 0 : index
          %swap3A_321 = tpu.vector_load %arg15[%swap3A_320] {strides = array<i32>} : memref<64xi32, #tpu.memory_space<vmem>>, vector<16xi32>,
          %swap3A_322 = vector.shape_cast %swap3A_321 : vector<16xi32> to vector<16xi32>
          %swap3A_323 = vector.shape_cast %get3A_319 : vector<16xi32> to vector<16xi32>
          tpu.vector_store %arg15[%swap3A_320], %swap3A_323 {strides = array<i32>} : memref<64xi32, #tpu.memory_space<vmem>>, vector<16xi32>,
          %get3A_324 = arith.index_cast %rem3A_315 : i32 to index
          %get3A_325 = arith.constant 64 : index
          %get3A_326 = tpu.vector_load %arg6[%get3A_324, %get3A_325] {strides = array<i32>} : memref<8x128xi32, #tpu.memory_space<vmem>>, vector<1x16xi32>,
          %get3A_327 = vector.shape_cast %get3A_326 : vector<1x16xi32> to vector<16xi32>
          %swap3A_328 = arith.constant 0 : index
          %swap3A_329 = tpu.vector_load %arg16[%swap3A_328] {strides = array<i32>} : memref<64xi32, #tpu.memory_space<vmem>>, vector<16xi32>,
          %swap3A_330 = vector.shape_cast %swap3A_329 : vector<16xi32> to vector<16xi32>
          %swap3A_331 = vector.shape_cast %get3A_327 : vector<16xi32> to vector<16xi32>
          tpu.vector_store %arg16[%swap3A_328], %swap3A_331 {strides = array<i32>} : memref<64xi32, #tpu.memory_space<vmem>>, vector<16xi32>,
          %get3A_332 = arith.index_cast %rem3A_315 : i32 to index
          %get3A_333 = arith.constant 16 : index
          %get3A_334 = tpu.vector_load %arg6[%get3A_332, %get3A_333] {strides = array<i32>} : memref<8x128xi32, #tpu.memory_space<vmem>>, vector<1x16xi32>,
          %get3A_335 = vector.shape_cast %get3A_334 : vector<1x16xi32> to vector<16xi32>
          %swap3A_336 = arith.constant 16 : index
          %swap3A_337 = tpu.vector_load %arg15[%swap3A_336] {strides = array<i32>} : memref<64xi32, #tpu.memory_space<vmem>>, vector<16xi32>,
          %swap3A_338 = vector.shape_cast %swap3A_337 : vector<16xi32> to vector<16xi32>
          %swap3A_339 = vector.shape_cast %get3A_335 : vector<16xi32> to vector<16xi32>
          tpu.vector_store %arg15[%swap3A_336], %swap3A_339 {strides = array<i32>} : memref<64xi32, #tpu.memory_space<vmem>>, vector<16xi32>,
          %get3A_340 = arith.index_cast %rem3A_315 : i32 to index
          %get3A_341 = arith.constant 80 : index
          %get3A_342 = tpu.vector_load %arg6[%get3A_340, %get3A_341] {strides = array<i32>} : memref<8x128xi32, #tpu.memory_space<vmem>>, vector<1x16xi32>,
          %get3A_343 = vector.shape_cast %get3A_342 : vector<1x16xi32> to vector<16xi32>
          %swap3A_344 = arith.constant 16 : index
          %swap3A_345 = tpu.vector_load %arg16[%swap3A_344] {strides = array<i32>} : memref<64xi32, #tpu.memory_space<vmem>>, vector<16xi32>,
          %swap3A_346 = vector.shape_cast %swap3A_345 : vector<16xi32> to vector<16xi32>
          %swap3A_347 = vector.shape_cast %get3A_343 : vector<16xi32> to vector<16xi32>
          tpu.vector_store %arg16[%swap3A_344], %swap3A_347 {strides = array<i32>} : memref<64xi32, #tpu.memory_space<vmem>>, vector<16xi32>,
          %get3A_348 = arith.index_cast %rem3A_315 : i32 to index
          %get3A_349 = arith.constant 32 : index
          %get3A_350 = tpu.vector_load %arg6[%get3A_348, %get3A_349] {strides = array<i32>} : memref<8x128xi32, #tpu.memory_space<vmem>>, vector<1x16xi32>,
          %get3A_351 = vector.shape_cast %get3A_350 : vector<1x16xi32> to vector<16xi32>
          %swap3A_352 = arith.constant 32 : index
          %swap3A_353 = tpu.vector_load %arg15[%swap3A_352] {strides = array<i32>} : memref<64xi32, #tpu.memory_space<vmem>>, vector<16xi32>,
          %swap3A_354 = vector.shape_cast %swap3A_353 : vector<16xi32> to vector<16xi32>
          %swap3A_355 = vector.shape_cast %get3A_351 : vector<16xi32> to vector<16xi32>
          tpu.vector_store %arg15[%swap3A_352], %swap3A_355 {strides = array<i32>} : memref<64xi32, #tpu.memory_space<vmem>>, vector<16xi32>,
          %get3A_356 = arith.index_cast %rem3A_315 : i32 to index
          %get3A_357 = arith.constant 96 : index
          %get3A_358 = tpu.vector_load %arg6[%get3A_356, %get3A_357] {strides = array<i32>} : memref<8x128xi32, #tpu.memory_space<vmem>>, vector<1x16xi32>,
          %get3A_359 = vector.shape_cast %get3A_358 : vector<1x16xi32> to vector<16xi32>
          %swap3A_360 = arith.constant 32 : index
          %swap3A_361 = tpu.vector_load %arg16[%swap3A_360] {strides = array<i32>} : memref<64xi32, #tpu.memory_space<vmem>>, vector<16xi32>,
          %swap3A_362 = vector.shape_cast %swap3A_361 : vector<16xi32> to vector<16xi32>
          %swap3A_363 = vector.shape_cast %get3A_359 : vector<16xi32> to vector<16xi32>
          tpu.vector_store %arg16[%swap3A_360], %swap3A_363 {strides = array<i32>} : memref<64xi32, #tpu.memory_space<vmem>>, vector<16xi32>,
          %get3A_364 = arith.index_cast %rem3A_315 : i32 to index
          %get3A_365 = arith.constant 48 : index
          %get3A_366 = tpu.vector_load %arg6[%get3A_364, %get3A_365] {strides = array<i32>} : memref<8x128xi32, #tpu.memory_space<vmem>>, vector<1x16xi32>,
          %get3A_367 = vector.shape_cast %get3A_366 : vector<1x16xi32> to vector<16xi32>
          %swap3A_368 = arith.constant 48 : index
          %swap3A_369 = tpu.vector_load %arg15[%swap3A_368] {strides = array<i32>} : memref<64xi32, #tpu.memory_space<vmem>>, vector<16xi32>,
          %swap3A_370 = vector.shape_cast %swap3A_369 : vector<16xi32> to vector<16xi32>
          %swap3A_371 = vector.shape_cast %get3A_367 : vector<16xi32> to vector<16xi32>
          tpu.vector_store %arg15[%swap3A_368], %swap3A_371 {strides = array<i32>} : memref<64xi32, #tpu.memory_space<vmem>>, vector<16xi32>,
          %get3A_372 = arith.index_cast %rem3A_315 : i32 to index
          %get3A_373 = arith.constant 112 : index
          %get3A_374 = tpu.vector_load %arg6[%get3A_372, %get3A_373] {strides = array<i32>} : memref<8x128xi32, #tpu.memory_space<vmem>>, vector<1x16xi32>,
          %get3A_375 = vector.shape_cast %get3A_374 : vector<1x16xi32> to vector<16xi32>
          %swap3A_376 = arith.constant 48 : index
          %swap3A_377 = tpu.vector_load %arg16[%swap3A_376] {strides = array<i32>} : memref<64xi32, #tpu.memory_space<vmem>>, vector<16xi32>,
          %swap3A_378 = vector.shape_cast %swap3A_377 : vector<16xi32> to vector<16xi32>
          %swap3A_379 = vector.shape_cast %get3A_375 : vector<16xi32> to vector<16xi32>
          tpu.vector_store %arg16[%swap3A_376], %swap3A_379 {strides = array<i32>} : memref<64xi32, #tpu.memory_space<vmem>>, vector<16xi32>,
          %dma_start3A_380 = arith.constant 0 : i32
          %dma_start3A_381 = arith.constant 0 : i32
          %dma_start3A_382 = tpu.memref_slice %arg4[%dma_start3A_380, %dma_start3A_381] : memref<10112x16xf32, #tpu.memory_space<hbm>> -> memref<10112x16xf32, #tpu.memory_space<hbm>>
          tpu.enqueue_indirect_dma source(%dma_start3A_382 : memref<10112x16xf32, #tpu.memory_space<hbm>>) target(%arg18 : memref<64x16xf32, #tpu.memory_space<vmem>>) offsets(%arg16 : memref<64xi32, #tpu.memory_space<vmem>>) semaphore(%arg19 : memref<!tpu.dma_semaphore, #tpu.memory_space<semaphore_mem>>)
          %dma_start3A_383 = arith.constant 0 : i32
          %dma_start3A_384 = arith.constant 0 : i32
          %dma_start3A_385 = tpu.memref_slice %arg3[%dma_start3A_383, %dma_start3A_384] : memref<10112x144xf32, #tpu.memory_space<hbm>> -> memref<10112x144xf32, #tpu.memory_space<hbm>>
          tpu.enqueue_indirect_dma source(%dma_start3A_385 : memref<10112x144xf32, #tpu.memory_space<hbm>>) target(%arg17 : memref<64x144xf32, #tpu.memory_space<vmem>>) offsets(%arg15 : memref<64xi32, #tpu.memory_space<vmem>>) semaphore(%arg20 : memref<!tpu.dma_semaphore, #tpu.memory_space<semaphore_mem>>)
        } else {
        }
        %dma_start3A_297 = arith.constant 0 : i32
        %dma_start3A_298 = arith.constant 0 : i32
        %dma_start3A_299 = tpu.memref_slice %arg7[%dma_start3A_297, %dma_start3A_298] : memref<10112x144xf32, #tpu.memory_space<vmem_shared>> -> memref<10112x144xf32, #tpu.memory_space<vmem_shared>>
        tpu.enqueue_indirect_dma source(%arg24 : memref<64x144xf32, #tpu.memory_space<vmem>>) target(%dma_start3A_299 : memref<10112x144xf32, #tpu.memory_space<vmem_shared>>) offsets(%arg23 : memref<64xi32, #tpu.memory_space<vmem>>) semaphore(%arg28 : memref<!tpu.dma_semaphore, #tpu.memory_space<semaphore_mem>>) {add = true}
      } else {
      }
      %while3A_270 = arith.constant 0 : i32
      scf.yield %while3A_270 : i32
    }
    %while3A_236 = arith.constant 1 : i32
    %while3A_237 = scf.for %while3A_247 = %while3A_233 to %while3A_229 step %while3A_236 iter_args(%while3A_248 = %while3A_235) -> (i32)  : i32 {
      %mul3A_249 = arith.constant 3 : i32
      %mul3A_250 = arith.muli %mul3A_249, %while3A_247 : i32
      %add3A_251 = arith.constant 0 : i32
      %add3A_252 = arith.addi %mul3A_250, %add3A_251 : i32
      %lt3A = arith.cmpi slt, %add3A_252, %min3A_55 : i32
      %convert_element_type3A = arith.extui %lt3A : i1 to i32
      %cond3A = arith.constant 0 : i32
      %cond3A_253 = arith.cmpi ne, %convert_element_type3A, %cond3A : i32
      scf.if %cond3A_253 {
        %dma_wait3A_271 = arith.constant 0 : i32
        %dma_wait3A_272 = arith.constant 0 : i32
        %dma_wait3A_273 = tpu.memref_slice %arg4[%dma_wait3A_271, %dma_wait3A_272] : memref<10112x16xf32, #tpu.memory_space<hbm>> -> memref<10112x16xf32, #tpu.memory_space<hbm>>
        tpu.wait_indirect_dma semaphore(%arg12 : memref<!tpu.dma_semaphore, #tpu.memory_space<semaphore_mem>>) src(%dma_wait3A_273 : memref<10112x16xf32, #tpu.memory_space<hbm>>) dst(%arg11 : memref<64x16xf32, #tpu.memory_space<vmem>>)
        %dma_wait3A_274 = arith.constant 0 : i32
        %dma_wait3A_275 = arith.constant 0 : i32
        %dma_wait3A_276 = tpu.memref_slice %arg3[%dma_wait3A_274, %dma_wait3A_275] : memref<10112x144xf32, #tpu.memory_space<hbm>> -> memref<10112x144xf32, #tpu.memory_space<hbm>>
        tpu.wait_indirect_dma semaphore(%arg13 : memref<!tpu.dma_semaphore, #tpu.memory_space<semaphore_mem>>) src(%dma_wait3A_276 : memref<10112x144xf32, #tpu.memory_space<hbm>>) dst(%arg10 : memref<64x144xf32, #tpu.memory_space<vmem>>)
        %scan3A_277 = arith.constant 0 : i32
        %scan3A_278 = arith.constant 0 : i32
        %scan3A_279 = arith.constant 64 : i32
        %scan3A_280 = arith.addi %scan3A_278, %scan3A_279 : i32
        %scan3A_281 = arith.constant 1 : i32
        %scan3A_282 = scf.for %scan3A_300 = %scan3A_278 to %scan3A_280 step %scan3A_281 iter_args(%scan3A_301 = %scan3A_277) -> (i32)  : i32 {
          %get3A_302 = arith.index_cast %scan3A_300 : i32 to index
          %get3A_303 = arith.constant 128 : index
          %get3A_304 = tpu.vector_load %arg10[%get3A_302, %get3A_303] {strides = array<i32>} : memref<64x144xf32, #tpu.memory_space<vmem>>, vector<1x16xf32>,
          %get3A_305 = vector.shape_cast %get3A_304 : vector<1x16xf32> to vector<16xf32>
          %get3A_306 = arith.index_cast %scan3A_300 : i32 to index
          %get3A_307 = arith.constant 0 : index
          %get3A_308 = tpu.vector_load %arg11[%get3A_306, %get3A_307] {strides = array<i32>} : memref<64x16xf32, #tpu.memory_space<vmem>>, vector<1x16xf32>,
          %get3A_309 = vector.shape_cast %get3A_308 : vector<1x16xf32> to vector<16xf32>
          %add3A_310 = arith.addf %get3A_305, %get3A_309 : vector<16xf32>
          %gt3A = arith.constant 0.000000e+00 : f32
          %gt3A_311 = vector.broadcast %gt3A : f32 to vector<16xf32>
          %gt3A_312 = arith.cmpf ogt, %add3A_310, %gt3A_311 : vector<16xf32>
          %mul3A_313 = arith.constant 2.000000e-01 : f32
          %mul3A_314 = vector.broadcast %mul3A_313 : f32 to vector<16xf32>
          %mul3A_315 = arith.mulf %mul3A_314, %add3A_310 : vector<16xf32>
          %select_n3A_316 = arith.select %gt3A_312, %add3A_310, %mul3A_315 : vector<16xi1>, vector<16xf32>
          %exp3A = math.exp %select_n3A_316 : vector<16xf32>
          %swap3A_317 = arith.index_cast %scan3A_300 : i32 to index
          %swap3A_318 = arith.constant 128 : index
          %swap3A_319 = tpu.vector_load %arg10[%swap3A_317, %swap3A_318] {strides = array<i32>} : memref<64x144xf32, #tpu.memory_space<vmem>>, vector<1x16xf32>,
          %swap3A_320 = vector.shape_cast %swap3A_319 : vector<1x16xf32> to vector<16xf32>
          %swap3A_321 = vector.shape_cast %exp3A : vector<16xf32> to vector<1x16xf32>
          tpu.vector_store %arg10[%swap3A_317, %swap3A_318], %swap3A_321 {strides = array<i32>} : memref<64x144xf32, #tpu.memory_space<vmem>>, vector<1x16xf32>,
          %scan3A_322 = arith.constant 0 : i32
          scf.yield %scan3A_322 : i32
        }
        %scan3A_283 = arith.constant 64 : i32
        %scan3A_284 = arith.constant 0 : i32
        %scan3A_285 = arith.constant 0 : i32
        %scan3A_286 = arith.constant 64 : i32
        %scan3A_287 = arith.addi %scan3A_285, %scan3A_286 : i32
        %scan3A_288 = arith.constant 1 : i32
        %scan3A_289 = scf.for %scan3A_300 = %scan3A_285 to %scan3A_287 step %scan3A_288 iter_args(%scan3A_301 = %scan3A_284) -> (i32)  : i32 {
          %get3A_302 = arith.index_cast %scan3A_300 : i32 to index
          %get3A_303 = arith.constant 128 : index
          %get3A_304 = tpu.vector_load %arg10[%get3A_302, %get3A_303] {strides = array<i32>} : memref<64x144xf32, #tpu.memory_space<vmem>>, vector<1x16xf32>,
          %get3A_305 = vector.shape_cast %get3A_304 : vector<1x16xf32> to vector<16xf32>
          %get3A_306 = arith.index_cast %scan3A_300 : i32 to index
          %get3A_307 = arith.constant 0 : index
          %get3A_308 = tpu.vector_load %arg10[%get3A_306, %get3A_307] {strides = array<i32>} : memref<64x144xf32, #tpu.memory_space<vmem>>, vector<1x16xf32>,
          %get3A_309 = vector.shape_cast %get3A_308 : vector<1x16xf32> to vector<16xf32>
          %slice3A = vector.extract_strided_slice %get3A_305 {offsets = [0], sizes = [1], strides = [1]} : vector<16xf32> to vector<1xf32>
          %squeeze3A = vector.extract %slice3A[0] : f32 from vector<1xf32>
          %mul3A_310 = vector.broadcast %squeeze3A : f32 to vector<16xf32>
          %mul3A_311 = arith.mulf %get3A_309, %mul3A_310 : vector<16xf32>
          %swap3A_312 = arith.index_cast %scan3A_300 : i32 to index
          %swap3A_313 = arith.constant 0 : index
          %swap3A_314 = tpu.vector_load %arg10[%swap3A_312, %swap3A_313] {strides = array<i32>} : memref<64x144xf32, #tpu.memory_space<vmem>>, vector<1x16xf32>,
          %swap3A_315 = vector.shape_cast %swap3A_314 : vector<1x16xf32> to vector<16xf32>
          %swap3A_316 = vector.shape_cast %mul3A_311 : vector<16xf32> to vector<1x16xf32>
          tpu.vector_store %arg10[%swap3A_312, %swap3A_313], %swap3A_316 {strides = array<i32>} : memref<64x144xf32, #tpu.memory_space<vmem>>, vector<1x16xf32>,
          %get3A_317 = arith.index_cast %scan3A_300 : i32 to index
          %get3A_318 = arith.constant 16 : index
          %get3A_319 = tpu.vector_load %arg10[%get3A_317, %get3A_318] {strides = array<i32>} : memref<64x144xf32, #tpu.memory_space<vmem>>, vector<1x16xf32>,
          %get3A_320 = vector.shape_cast %get3A_319 : vector<1x16xf32> to vector<16xf32>
          %slice3A_321 = vector.extract_strided_slice %get3A_305 {offsets = [1], sizes = [1], strides = [1]} : vector<16xf32> to vector<1xf32>
          %squeeze3A_322 = vector.extract %slice3A_321[0] : f32 from vector<1xf32>
          %mul3A_323 = vector.broadcast %squeeze3A_322 : f32 to vector<16xf32>
          %mul3A_324 = arith.mulf %get3A_320, %mul3A_323 : vector<16xf32>
          %swap3A_325 = arith.index_cast %scan3A_300 : i32 to index
          %swap3A_326 = arith.constant 16 : index
          %swap3A_327 = tpu.vector_load %arg10[%swap3A_325, %swap3A_326] {strides = array<i32>} : memref<64x144xf32, #tpu.memory_space<vmem>>, vector<1x16xf32>,
          %swap3A_328 = vector.shape_cast %swap3A_327 : vector<1x16xf32> to vector<16xf32>
          %swap3A_329 = vector.shape_cast %mul3A_324 : vector<16xf32> to vector<1x16xf32>
          tpu.vector_store %arg10[%swap3A_325, %swap3A_326], %swap3A_329 {strides = array<i32>} : memref<64x144xf32, #tpu.memory_space<vmem>>, vector<1x16xf32>,
          %get3A_330 = arith.index_cast %scan3A_300 : i32 to index
          %get3A_331 = arith.constant 32 : index
          %get3A_332 = tpu.vector_load %arg10[%get3A_330, %get3A_331] {strides = array<i32>} : memref<64x144xf32, #tpu.memory_space<vmem>>, vector<1x16xf32>,
          %get3A_333 = vector.shape_cast %get3A_332 : vector<1x16xf32> to vector<16xf32>
          %slice3A_334 = vector.extract_strided_slice %get3A_305 {offsets = [2], sizes = [1], strides = [1]} : vector<16xf32> to vector<1xf32>
          %squeeze3A_335 = vector.extract %slice3A_334[0] : f32 from vector<1xf32>
          %mul3A_336 = vector.broadcast %squeeze3A_335 : f32 to vector<16xf32>
          %mul3A_337 = arith.mulf %get3A_333, %mul3A_336 : vector<16xf32>
          %swap3A_338 = arith.index_cast %scan3A_300 : i32 to index
          %swap3A_339 = arith.constant 32 : index
          %swap3A_340 = tpu.vector_load %arg10[%swap3A_338, %swap3A_339] {strides = array<i32>} : memref<64x144xf32, #tpu.memory_space<vmem>>, vector<1x16xf32>,
          %swap3A_341 = vector.shape_cast %swap3A_340 : vector<1x16xf32> to vector<16xf32>
          %swap3A_342 = vector.shape_cast %mul3A_337 : vector<16xf32> to vector<1x16xf32>
          tpu.vector_store %arg10[%swap3A_338, %swap3A_339], %swap3A_342 {strides = array<i32>} : memref<64x144xf32, #tpu.memory_space<vmem>>, vector<1x16xf32>,
          %get3A_343 = arith.index_cast %scan3A_300 : i32 to index
          %get3A_344 = arith.constant 48 : index
          %get3A_345 = tpu.vector_load %arg10[%get3A_343, %get3A_344] {strides = array<i32>} : memref<64x144xf32, #tpu.memory_space<vmem>>, vector<1x16xf32>,
          %get3A_346 = vector.shape_cast %get3A_345 : vector<1x16xf32> to vector<16xf32>
          %slice3A_347 = vector.extract_strided_slice %get3A_305 {offsets = [3], sizes = [1], strides = [1]} : vector<16xf32> to vector<1xf32>
          %squeeze3A_348 = vector.extract %slice3A_347[0] : f32 from vector<1xf32>
          %mul3A_349 = vector.broadcast %squeeze3A_348 : f32 to vector<16xf32>
          %mul3A_350 = arith.mulf %get3A_346, %mul3A_349 : vector<16xf32>
          %swap3A_351 = arith.index_cast %scan3A_300 : i32 to index
          %swap3A_352 = arith.constant 48 : index
          %swap3A_353 = tpu.vector_load %arg10[%swap3A_351, %swap3A_352] {strides = array<i32>} : memref<64x144xf32, #tpu.memory_space<vmem>>, vector<1x16xf32>,
          %swap3A_354 = vector.shape_cast %swap3A_353 : vector<1x16xf32> to vector<16xf32>
          %swap3A_355 = vector.shape_cast %mul3A_350 : vector<16xf32> to vector<1x16xf32>
          tpu.vector_store %arg10[%swap3A_351, %swap3A_352], %swap3A_355 {strides = array<i32>} : memref<64x144xf32, #tpu.memory_space<vmem>>, vector<1x16xf32>,
          %get3A_356 = arith.index_cast %scan3A_300 : i32 to index
          %get3A_357 = arith.constant 64 : index
          %get3A_358 = tpu.vector_load %arg10[%get3A_356, %get3A_357] {strides = array<i32>} : memref<64x144xf32, #tpu.memory_space<vmem>>, vector<1x16xf32>,
          %get3A_359 = vector.shape_cast %get3A_358 : vector<1x16xf32> to vector<16xf32>
          %slice3A_360 = vector.extract_strided_slice %get3A_305 {offsets = [4], sizes = [1], strides = [1]} : vector<16xf32> to vector<1xf32>
          %squeeze3A_361 = vector.extract %slice3A_360[0] : f32 from vector<1xf32>
          %mul3A_362 = vector.broadcast %squeeze3A_361 : f32 to vector<16xf32>
          %mul3A_363 = arith.mulf %get3A_359, %mul3A_362 : vector<16xf32>
          %swap3A_364 = arith.index_cast %scan3A_300 : i32 to index
          %swap3A_365 = arith.constant 64 : index
          %swap3A_366 = tpu.vector_load %arg10[%swap3A_364, %swap3A_365] {strides = array<i32>} : memref<64x144xf32, #tpu.memory_space<vmem>>, vector<1x16xf32>,
          %swap3A_367 = vector.shape_cast %swap3A_366 : vector<1x16xf32> to vector<16xf32>
          %swap3A_368 = vector.shape_cast %mul3A_363 : vector<16xf32> to vector<1x16xf32>
          tpu.vector_store %arg10[%swap3A_364, %swap3A_365], %swap3A_368 {strides = array<i32>} : memref<64x144xf32, #tpu.memory_space<vmem>>, vector<1x16xf32>,
          %get3A_369 = arith.index_cast %scan3A_300 : i32 to index
          %get3A_370 = arith.constant 80 : index
          %get3A_371 = tpu.vector_load %arg10[%get3A_369, %get3A_370] {strides = array<i32>} : memref<64x144xf32, #tpu.memory_space<vmem>>, vector<1x16xf32>,
          %get3A_372 = vector.shape_cast %get3A_371 : vector<1x16xf32> to vector<16xf32>
          %slice3A_373 = vector.extract_strided_slice %get3A_305 {offsets = [5], sizes = [1], strides = [1]} : vector<16xf32> to vector<1xf32>
          %squeeze3A_374 = vector.extract %slice3A_373[0] : f32 from vector<1xf32>
          %mul3A_375 = vector.broadcast %squeeze3A_374 : f32 to vector<16xf32>
          %mul3A_376 = arith.mulf %get3A_372, %mul3A_375 : vector<16xf32>
          %swap3A_377 = arith.index_cast %scan3A_300 : i32 to index
          %swap3A_378 = arith.constant 80 : index
          %swap3A_379 = tpu.vector_load %arg10[%swap3A_377, %swap3A_378] {strides = array<i32>} : memref<64x144xf32, #tpu.memory_space<vmem>>, vector<1x16xf32>,
          %swap3A_380 = vector.shape_cast %swap3A_379 : vector<1x16xf32> to vector<16xf32>
          %swap3A_381 = vector.shape_cast %mul3A_376 : vector<16xf32> to vector<1x16xf32>
          tpu.vector_store %arg10[%swap3A_377, %swap3A_378], %swap3A_381 {strides = array<i32>} : memref<64x144xf32, #tpu.memory_space<vmem>>, vector<1x16xf32>,
          %get3A_382 = arith.index_cast %scan3A_300 : i32 to index
          %get3A_383 = arith.constant 96 : index
          %get3A_384 = tpu.vector_load %arg10[%get3A_382, %get3A_383] {strides = array<i32>} : memref<64x144xf32, #tpu.memory_space<vmem>>, vector<1x16xf32>,
          %get3A_385 = vector.shape_cast %get3A_384 : vector<1x16xf32> to vector<16xf32>
          %slice3A_386 = vector.extract_strided_slice %get3A_305 {offsets = [6], sizes = [1], strides = [1]} : vector<16xf32> to vector<1xf32>
          %squeeze3A_387 = vector.extract %slice3A_386[0] : f32 from vector<1xf32>
          %mul3A_388 = vector.broadcast %squeeze3A_387 : f32 to vector<16xf32>
          %mul3A_389 = arith.mulf %get3A_385, %mul3A_388 : vector<16xf32>
          %swap3A_390 = arith.index_cast %scan3A_300 : i32 to index
          %swap3A_391 = arith.constant 96 : index
          %swap3A_392 = tpu.vector_load %arg10[%swap3A_390, %swap3A_391] {strides = array<i32>} : memref<64x144xf32, #tpu.memory_space<vmem>>, vector<1x16xf32>,
          %swap3A_393 = vector.shape_cast %swap3A_392 : vector<1x16xf32> to vector<16xf32>
          %swap3A_394 = vector.shape_cast %mul3A_389 : vector<16xf32> to vector<1x16xf32>
          tpu.vector_store %arg10[%swap3A_390, %swap3A_391], %swap3A_394 {strides = array<i32>} : memref<64x144xf32, #tpu.memory_space<vmem>>, vector<1x16xf32>,
          %get3A_395 = arith.index_cast %scan3A_300 : i32 to index
          %get3A_396 = arith.constant 112 : index
          %get3A_397 = tpu.vector_load %arg10[%get3A_395, %get3A_396] {strides = array<i32>} : memref<64x144xf32, #tpu.memory_space<vmem>>, vector<1x16xf32>,
          %get3A_398 = vector.shape_cast %get3A_397 : vector<1x16xf32> to vector<16xf32>
          %slice3A_399 = vector.extract_strided_slice %get3A_305 {offsets = [7], sizes = [1], strides = [1]} : vector<16xf32> to vector<1xf32>
          %squeeze3A_400 = vector.extract %slice3A_399[0] : f32 from vector<1xf32>
          %mul3A_401 = vector.broadcast %squeeze3A_400 : f32 to vector<16xf32>
          %mul3A_402 = arith.mulf %get3A_398, %mul3A_401 : vector<16xf32>
          %swap3A_403 = arith.index_cast %scan3A_300 : i32 to index
          %swap3A_404 = arith.constant 112 : index
          %swap3A_405 = tpu.vector_load %arg10[%swap3A_403, %swap3A_404] {strides = array<i32>} : memref<64x144xf32, #tpu.memory_space<vmem>>, vector<1x16xf32>,
          %swap3A_406 = vector.shape_cast %swap3A_405 : vector<1x16xf32> to vector<16xf32>
          %swap3A_407 = vector.shape_cast %mul3A_402 : vector<16xf32> to vector<1x16xf32>
          tpu.vector_store %arg10[%swap3A_403, %swap3A_404], %swap3A_407 {strides = array<i32>} : memref<64x144xf32, #tpu.memory_space<vmem>>, vector<1x16xf32>,
          %scan3A_408 = arith.constant 0 : i32
          scf.yield %scan3A_408 : i32
        }
        %scan3A_290 = arith.constant 64 : i32
        %add3A_291 = arith.constant 2 : i32
        %add3A_292 = arith.addi %add3A_252, %add3A_291 : i32
        %lt3A_293 = arith.cmpi slt, %add3A_292, %min3A_55 : i32
        %convert_element_type3A_294 = arith.extui %lt3A_293 : i1 to i32
        %cond3A_295 = arith.constant 0 : i32
        %cond3A_296 = arith.cmpi ne, %convert_element_type3A_294, %cond3A_295 : i32
        scf.if %cond3A_296 {
          %ge3A = arith.constant 1 : i32
          %ge3A_300 = arith.cmpi sge, %add3A_252, %ge3A : i32
          %convert_element_type3A_301 = arith.extui %ge3A_300 : i1 to i32
          %cond3A_302 = arith.constant 0 : i32
          %cond3A_303 = arith.cmpi ne, %convert_element_type3A_301, %cond3A_302 : i32
          scf.if %cond3A_303 {
            %dma_wait3A_386 = arith.constant 0 : i32
            %dma_wait3A_387 = arith.constant 0 : i32
            %dma_wait3A_388 = tpu.memref_slice %arg7[%dma_wait3A_386, %dma_wait3A_387] : memref<10112x144xf32, #tpu.memory_space<vmem_shared>> -> memref<10112x144xf32, #tpu.memory_space<vmem_shared>>
            tpu.wait_indirect_dma semaphore(%arg28 : memref<!tpu.dma_semaphore, #tpu.memory_space<semaphore_mem>>) src(%arg24 : memref<64x144xf32, #tpu.memory_space<vmem>>) dst(%dma_wait3A_388 : memref<10112x144xf32, #tpu.memory_space<vmem_shared>>)
          } else {
          }
          %add3A_304 = arith.constant 2 : i32
          %add3A_305 = arith.addi %add3A_252, %add3A_304 : i32
          %rem3A_306 = arith.constant 8 : i32
          %rem3A_307 = arith.remsi %add3A_305, %rem3A_306 : i32
          %eq3A = arith.constant 0 : i32
          %eq3A_308 = arith.cmpi eq, %rem3A_307, %eq3A : i32
          %convert_element_type3A_309 = arith.extui %eq3A_308 : i1 to i32
          %cond3A_310 = arith.constant 0 : i32
          %cond3A_311 = arith.cmpi ne, %convert_element_type3A_309, %cond3A_310 : i32
          scf.if %cond3A_311 {
            %add3A_386 = arith.constant 2 : i32
            %add3A_387 = arith.addi %add3A_252, %add3A_386 : i32
            %add3A_388 = arith.addi %mul3A_32, %add3A_387 : i32
            %multiple_of3A_389 = tpu.assume_multiple %add3A_388, 8 : i32
            "tpu.region"() ({
              %run_scoped3A = tpu.sem_alloc : memref<!tpu.dma_semaphore, #tpu.memory_space<semaphore_mem>>
              %dma_start3A_390 = arith.constant 0 : i32
              %dma_start3A_391 = tpu.memref_slice %arg2[%multiple_of3A_389, %dma_start3A_390] : memref<5000x128xi32, #tpu.memory_space<hbm>> -> memref<8x128xi32, #tpu.memory_space<hbm>>
              %dma_start3A_392 = arith.constant 0 : i32
              %dma_start3A_393 = tpu.memref_slice %arg2[%multiple_of3A_389, %dma_start3A_392] : memref<5000x128xi32, #tpu.memory_space<hbm>> -> memref<8x128xi32, #tpu.memory_space<hbm>>
              tpu.enqueue_dma source(%dma_start3A_393 : memref<8x128xi32, #tpu.memory_space<hbm>>) target(%arg6 : memref<8x128xi32, #tpu.memory_space<vmem>>) target_semaphore(%run_scoped3A : memref<!tpu.dma_semaphore, #tpu.memory_space<semaphore_mem>>)
              %dma_wait3A_394 = arith.constant 0 : i32
              %dma_wait3A_395 = tpu.memref_slice %arg2[%multiple_of3A_389, %dma_wait3A_394] : memref<5000x128xi32, #tpu.memory_space<hbm>> -> memref<8x128xi32, #tpu.memory_space<hbm>>
              %dma_wait3A_396 = arith.constant 0 : i32
              %dma_wait3A_397 = tpu.memref_slice %arg2[%multiple_of3A_389, %dma_wait3A_396] : memref<5000x128xi32, #tpu.memory_space<hbm>> -> memref<8x128xi32, #tpu.memory_space<hbm>>
              tpu.wait_dma2 semaphore(%run_scoped3A : memref<!tpu.dma_semaphore, #tpu.memory_space<semaphore_mem>>) src(%dma_wait3A_397 : memref<8x128xi32, #tpu.memory_space<hbm>>) dst(%arg6 : memref<8x128xi32, #tpu.memory_space<vmem>>)
              tpu.yield
            }) : () -> ()
          } else {
          }
          %add3A_312 = arith.constant 2 : i32
          %add3A_313 = arith.addi %add3A_252, %add3A_312 : i32
          %rem3A_314 = arith.constant 8 : i32
          %rem3A_315 = arith.remsi %add3A_313, %rem3A_314 : i32
          %get3A_316 = arith.index_cast %rem3A_315 : i32 to index
          %get3A_317 = arith.constant 0 : index
          %get3A_318 = tpu.vector_load %arg6[%get3A_316, %get3A_317] {strides = array<i32>} : memref<8x128xi32, #tpu.memory_space<vmem>>, vector<1x16xi32>,
          %get3A_319 = vector.shape_cast %get3A_318 : vector<1x16xi32> to vector<16xi32>
          %swap3A_320 = arith.constant 0 : index
          %swap3A_321 = tpu.vector_load %arg22[%swap3A_320] {strides = array<i32>} : memref<64xi32, #tpu.memory_space<vmem>>, vector<16xi32>,
          %swap3A_322 = vector.shape_cast %swap3A_321 : vector<16xi32> to vector<16xi32>
          %swap3A_323 = vector.shape_cast %get3A_319 : vector<16xi32> to vector<16xi32>
          tpu.vector_store %arg22[%swap3A_320], %swap3A_323 {strides = array<i32>} : memref<64xi32, #tpu.memory_space<vmem>>, vector<16xi32>,
          %get3A_324 = arith.index_cast %rem3A_315 : i32 to index
          %get3A_325 = arith.constant 64 : index
          %get3A_326 = tpu.vector_load %arg6[%get3A_324, %get3A_325] {strides = array<i32>} : memref<8x128xi32, #tpu.memory_space<vmem>>, vector<1x16xi32>,
          %get3A_327 = vector.shape_cast %get3A_326 : vector<1x16xi32> to vector<16xi32>
          %swap3A_328 = arith.constant 0 : index
          %swap3A_329 = tpu.vector_load %arg23[%swap3A_328] {strides = array<i32>} : memref<64xi32, #tpu.memory_space<vmem>>, vector<16xi32>,
          %swap3A_330 = vector.shape_cast %swap3A_329 : vector<16xi32> to vector<16xi32>
          %swap3A_331 = vector.shape_cast %get3A_327 : vector<16xi32> to vector<16xi32>
          tpu.vector_store %arg23[%swap3A_328], %swap3A_331 {strides = array<i32>} : memref<64xi32, #tpu.memory_space<vmem>>, vector<16xi32>,
          %get3A_332 = arith.index_cast %rem3A_315 : i32 to index
          %get3A_333 = arith.constant 16 : index
          %get3A_334 = tpu.vector_load %arg6[%get3A_332, %get3A_333] {strides = array<i32>} : memref<8x128xi32, #tpu.memory_space<vmem>>, vector<1x16xi32>,
          %get3A_335 = vector.shape_cast %get3A_334 : vector<1x16xi32> to vector<16xi32>
          %swap3A_336 = arith.constant 16 : index
          %swap3A_337 = tpu.vector_load %arg22[%swap3A_336] {strides = array<i32>} : memref<64xi32, #tpu.memory_space<vmem>>, vector<16xi32>,
          %swap3A_338 = vector.shape_cast %swap3A_337 : vector<16xi32> to vector<16xi32>
          %swap3A_339 = vector.shape_cast %get3A_335 : vector<16xi32> to vector<16xi32>
          tpu.vector_store %arg22[%swap3A_336], %swap3A_339 {strides = array<i32>} : memref<64xi32, #tpu.memory_space<vmem>>, vector<16xi32>,
          %get3A_340 = arith.index_cast %rem3A_315 : i32 to index
          %get3A_341 = arith.constant 80 : index
          %get3A_342 = tpu.vector_load %arg6[%get3A_340, %get3A_341] {strides = array<i32>} : memref<8x128xi32, #tpu.memory_space<vmem>>, vector<1x16xi32>,
          %get3A_343 = vector.shape_cast %get3A_342 : vector<1x16xi32> to vector<16xi32>
          %swap3A_344 = arith.constant 16 : index
          %swap3A_345 = tpu.vector_load %arg23[%swap3A_344] {strides = array<i32>} : memref<64xi32, #tpu.memory_space<vmem>>, vector<16xi32>,
          %swap3A_346 = vector.shape_cast %swap3A_345 : vector<16xi32> to vector<16xi32>
          %swap3A_347 = vector.shape_cast %get3A_343 : vector<16xi32> to vector<16xi32>
          tpu.vector_store %arg23[%swap3A_344], %swap3A_347 {strides = array<i32>} : memref<64xi32, #tpu.memory_space<vmem>>, vector<16xi32>,
          %get3A_348 = arith.index_cast %rem3A_315 : i32 to index
          %get3A_349 = arith.constant 32 : index
          %get3A_350 = tpu.vector_load %arg6[%get3A_348, %get3A_349] {strides = array<i32>} : memref<8x128xi32, #tpu.memory_space<vmem>>, vector<1x16xi32>,
          %get3A_351 = vector.shape_cast %get3A_350 : vector<1x16xi32> to vector<16xi32>
          %swap3A_352 = arith.constant 32 : index
          %swap3A_353 = tpu.vector_load %arg22[%swap3A_352] {strides = array<i32>} : memref<64xi32, #tpu.memory_space<vmem>>, vector<16xi32>,
          %swap3A_354 = vector.shape_cast %swap3A_353 : vector<16xi32> to vector<16xi32>
          %swap3A_355 = vector.shape_cast %get3A_351 : vector<16xi32> to vector<16xi32>
          tpu.vector_store %arg22[%swap3A_352], %swap3A_355 {strides = array<i32>} : memref<64xi32, #tpu.memory_space<vmem>>, vector<16xi32>,
          %get3A_356 = arith.index_cast %rem3A_315 : i32 to index
          %get3A_357 = arith.constant 96 : index
          %get3A_358 = tpu.vector_load %arg6[%get3A_356, %get3A_357] {strides = array<i32>} : memref<8x128xi32, #tpu.memory_space<vmem>>, vector<1x16xi32>,
          %get3A_359 = vector.shape_cast %get3A_358 : vector<1x16xi32> to vector<16xi32>
          %swap3A_360 = arith.constant 32 : index
          %swap3A_361 = tpu.vector_load %arg23[%swap3A_360] {strides = array<i32>} : memref<64xi32, #tpu.memory_space<vmem>>, vector<16xi32>,
          %swap3A_362 = vector.shape_cast %swap3A_361 : vector<16xi32> to vector<16xi32>
          %swap3A_363 = vector.shape_cast %get3A_359 : vector<16xi32> to vector<16xi32>
          tpu.vector_store %arg23[%swap3A_360], %swap3A_363 {strides = array<i32>} : memref<64xi32, #tpu.memory_space<vmem>>, vector<16xi32>,
          %get3A_364 = arith.index_cast %rem3A_315 : i32 to index
          %get3A_365 = arith.constant 48 : index
          %get3A_366 = tpu.vector_load %arg6[%get3A_364, %get3A_365] {strides = array<i32>} : memref<8x128xi32, #tpu.memory_space<vmem>>, vector<1x16xi32>,
          %get3A_367 = vector.shape_cast %get3A_366 : vector<1x16xi32> to vector<16xi32>
          %swap3A_368 = arith.constant 48 : index
          %swap3A_369 = tpu.vector_load %arg22[%swap3A_368] {strides = array<i32>} : memref<64xi32, #tpu.memory_space<vmem>>, vector<16xi32>,
          %swap3A_370 = vector.shape_cast %swap3A_369 : vector<16xi32> to vector<16xi32>
          %swap3A_371 = vector.shape_cast %get3A_367 : vector<16xi32> to vector<16xi32>
          tpu.vector_store %arg22[%swap3A_368], %swap3A_371 {strides = array<i32>} : memref<64xi32, #tpu.memory_space<vmem>>, vector<16xi32>,
          %get3A_372 = arith.index_cast %rem3A_315 : i32 to index
          %get3A_373 = arith.constant 112 : index
          %get3A_374 = tpu.vector_load %arg6[%get3A_372, %get3A_373] {strides = array<i32>} : memref<8x128xi32, #tpu.memory_space<vmem>>, vector<1x16xi32>,
          %get3A_375 = vector.shape_cast %get3A_374 : vector<1x16xi32> to vector<16xi32>
          %swap3A_376 = arith.constant 48 : index
          %swap3A_377 = tpu.vector_load %arg23[%swap3A_376] {strides = array<i32>} : memref<64xi32, #tpu.memory_space<vmem>>, vector<16xi32>,
          %swap3A_378 = vector.shape_cast %swap3A_377 : vector<16xi32> to vector<16xi32>
          %swap3A_379 = vector.shape_cast %get3A_375 : vector<16xi32> to vector<16xi32>
          tpu.vector_store %arg23[%swap3A_376], %swap3A_379 {strides = array<i32>} : memref<64xi32, #tpu.memory_space<vmem>>, vector<16xi32>,
          %dma_start3A_380 = arith.constant 0 : i32
          %dma_start3A_381 = arith.constant 0 : i32
          %dma_start3A_382 = tpu.memref_slice %arg4[%dma_start3A_380, %dma_start3A_381] : memref<10112x16xf32, #tpu.memory_space<hbm>> -> memref<10112x16xf32, #tpu.memory_space<hbm>>
          tpu.enqueue_indirect_dma source(%dma_start3A_382 : memref<10112x16xf32, #tpu.memory_space<hbm>>) target(%arg25 : memref<64x16xf32, #tpu.memory_space<vmem>>) offsets(%arg23 : memref<64xi32, #tpu.memory_space<vmem>>) semaphore(%arg26 : memref<!tpu.dma_semaphore, #tpu.memory_space<semaphore_mem>>)
          %dma_start3A_383 = arith.constant 0 : i32
          %dma_start3A_384 = arith.constant 0 : i32
          %dma_start3A_385 = tpu.memref_slice %arg3[%dma_start3A_383, %dma_start3A_384] : memref<10112x144xf32, #tpu.memory_space<hbm>> -> memref<10112x144xf32, #tpu.memory_space<hbm>>
          tpu.enqueue_indirect_dma source(%dma_start3A_385 : memref<10112x144xf32, #tpu.memory_space<hbm>>) target(%arg24 : memref<64x144xf32, #tpu.memory_space<vmem>>) offsets(%arg22 : memref<64xi32, #tpu.memory_space<vmem>>) semaphore(%arg27 : memref<!tpu.dma_semaphore, #tpu.memory_space<semaphore_mem>>)
        } else {
        }
        %dma_start3A_297 = arith.constant 0 : i32
        %dma_start3A_298 = arith.constant 0 : i32
        %dma_start3A_299 = tpu.memref_slice %arg7[%dma_start3A_297, %dma_start3A_298] : memref<10112x144xf32, #tpu.memory_space<vmem_shared>> -> memref<10112x144xf32, #tpu.memory_space<vmem_shared>>
        tpu.enqueue_indirect_dma source(%arg10 : memref<64x144xf32, #tpu.memory_space<vmem>>) target(%dma_start3A_299 : memref<10112x144xf32, #tpu.memory_space<vmem_shared>>) offsets(%arg9 : memref<64xi32, #tpu.memory_space<vmem>>) semaphore(%arg14 : memref<!tpu.dma_semaphore, #tpu.memory_space<semaphore_mem>>) {add = true}
      } else {
      }
      %mul3A_254 = arith.constant 3 : i32
      %mul3A_255 = arith.muli %mul3A_254, %while3A_247 : i32
      %add3A_256 = arith.constant 1 : i32
      %add3A_257 = arith.addi %mul3A_255, %add3A_256 : i32
      %lt3A_258 = arith.cmpi slt, %add3A_257, %min3A_55 : i32
      %convert_element_type3A_259 = arith.extui %lt3A_258 : i1 to i32
      %cond3A_260 = arith.constant 0 : i32
      %cond3A_261 = arith.cmpi ne, %convert_element_type3A_259, %cond3A_260 : i32
      scf.if %cond3A_261 {
        %dma_wait3A_271 = arith.constant 0 : i32
        %dma_wait3A_272 = arith.constant 0 : i32
        %dma_wait3A_273 = tpu.memref_slice %arg4[%dma_wait3A_271, %dma_wait3A_272] : memref<10112x16xf32, #tpu.memory_space<hbm>> -> memref<10112x16xf32, #tpu.memory_space<hbm>>
        tpu.wait_indirect_dma semaphore(%arg19 : memref<!tpu.dma_semaphore, #tpu.memory_space<semaphore_mem>>) src(%dma_wait3A_273 : memref<10112x16xf32, #tpu.memory_space<hbm>>) dst(%arg18 : memref<64x16xf32, #tpu.memory_space<vmem>>)
        %dma_wait3A_274 = arith.constant 0 : i32
        %dma_wait3A_275 = arith.constant 0 : i32
        %dma_wait3A_276 = tpu.memref_slice %arg3[%dma_wait3A_274, %dma_wait3A_275] : memref<10112x144xf32, #tpu.memory_space<hbm>> -> memref<10112x144xf32, #tpu.memory_space<hbm>>
        tpu.wait_indirect_dma semaphore(%arg20 : memref<!tpu.dma_semaphore, #tpu.memory_space<semaphore_mem>>) src(%dma_wait3A_276 : memref<10112x144xf32, #tpu.memory_space<hbm>>) dst(%arg17 : memref<64x144xf32, #tpu.memory_space<vmem>>)
        %scan3A_277 = arith.constant 0 : i32
        %scan3A_278 = arith.constant 0 : i32
        %scan3A_279 = arith.constant 64 : i32
        %scan3A_280 = arith.addi %scan3A_278, %scan3A_279 : i32
        %scan3A_281 = arith.constant 1 : i32
        %scan3A_282 = scf.for %scan3A_300 = %scan3A_278 to %scan3A_280 step %scan3A_281 iter_args(%scan3A_301 = %scan3A_277) -> (i32)  : i32 {
          %get3A_302 = arith.index_cast %scan3A_300 : i32 to index
          %get3A_303 = arith.constant 128 : index
          %get3A_304 = tpu.vector_load %arg17[%get3A_302, %get3A_303] {strides = array<i32>} : memref<64x144xf32, #tpu.memory_space<vmem>>, vector<1x16xf32>,
          %get3A_305 = vector.shape_cast %get3A_304 : vector<1x16xf32> to vector<16xf32>
          %get3A_306 = arith.index_cast %scan3A_300 : i32 to index
          %get3A_307 = arith.constant 0 : index
          %get3A_308 = tpu.vector_load %arg18[%get3A_306, %get3A_307] {strides = array<i32>} : memref<64x16xf32, #tpu.memory_space<vmem>>, vector<1x16xf32>,
          %get3A_309 = vector.shape_cast %get3A_308 : vector<1x16xf32> to vector<16xf32>
          %add3A_310 = arith.addf %get3A_305, %get3A_309 : vector<16xf32>
          %gt3A = arith.constant 0.000000e+00 : f32
          %gt3A_311 = vector.broadcast %gt3A : f32 to vector<16xf32>
          %gt3A_312 = arith.cmpf ogt, %add3A_310, %gt3A_311 : vector<16xf32>
          %mul3A_313 = arith.constant 2.000000e-01 : f32
          %mul3A_314 = vector.broadcast %mul3A_313 : f32 to vector<16xf32>
          %mul3A_315 = arith.mulf %mul3A_314, %add3A_310 : vector<16xf32>
          %select_n3A_316 = arith.select %gt3A_312, %add3A_310, %mul3A_315 : vector<16xi1>, vector<16xf32>
          %exp3A = math.exp %select_n3A_316 : vector<16xf32>
          %swap3A_317 = arith.index_cast %scan3A_300 : i32 to index
          %swap3A_318 = arith.constant 128 : index
          %swap3A_319 = tpu.vector_load %arg17[%swap3A_317, %swap3A_318] {strides = array<i32>} : memref<64x144xf32, #tpu.memory_space<vmem>>, vector<1x16xf32>,
          %swap3A_320 = vector.shape_cast %swap3A_319 : vector<1x16xf32> to vector<16xf32>
          %swap3A_321 = vector.shape_cast %exp3A : vector<16xf32> to vector<1x16xf32>
          tpu.vector_store %arg17[%swap3A_317, %swap3A_318], %swap3A_321 {strides = array<i32>} : memref<64x144xf32, #tpu.memory_space<vmem>>, vector<1x16xf32>,
          %scan3A_322 = arith.constant 0 : i32
          scf.yield %scan3A_322 : i32
        }
        %scan3A_283 = arith.constant 64 : i32
        %scan3A_284 = arith.constant 0 : i32
        %scan3A_285 = arith.constant 0 : i32
        %scan3A_286 = arith.constant 64 : i32
        %scan3A_287 = arith.addi %scan3A_285, %scan3A_286 : i32
        %scan3A_288 = arith.constant 1 : i32
        %scan3A_289 = scf.for %scan3A_300 = %scan3A_285 to %scan3A_287 step %scan3A_288 iter_args(%scan3A_301 = %scan3A_284) -> (i32)  : i32 {
          %get3A_302 = arith.index_cast %scan3A_300 : i32 to index
          %get3A_303 = arith.constant 128 : index
          %get3A_304 = tpu.vector_load %arg17[%get3A_302, %get3A_303] {strides = array<i32>} : memref<64x144xf32, #tpu.memory_space<vmem>>, vector<1x16xf32>,
          %get3A_305 = vector.shape_cast %get3A_304 : vector<1x16xf32> to vector<16xf32>
          %get3A_306 = arith.index_cast %scan3A_300 : i32 to index
          %get3A_307 = arith.constant 0 : index
          %get3A_308 = tpu.vector_load %arg17[%get3A_306, %get3A_307] {strides = array<i32>} : memref<64x144xf32, #tpu.memory_space<vmem>>, vector<1x16xf32>,
          %get3A_309 = vector.shape_cast %get3A_308 : vector<1x16xf32> to vector<16xf32>
          %slice3A = vector.extract_strided_slice %get3A_305 {offsets = [0], sizes = [1], strides = [1]} : vector<16xf32> to vector<1xf32>
          %squeeze3A = vector.extract %slice3A[0] : f32 from vector<1xf32>
          %mul3A_310 = vector.broadcast %squeeze3A : f32 to vector<16xf32>
          %mul3A_311 = arith.mulf %get3A_309, %mul3A_310 : vector<16xf32>
          %swap3A_312 = arith.index_cast %scan3A_300 : i32 to index
          %swap3A_313 = arith.constant 0 : index
          %swap3A_314 = tpu.vector_load %arg17[%swap3A_312, %swap3A_313] {strides = array<i32>} : memref<64x144xf32, #tpu.memory_space<vmem>>, vector<1x16xf32>,
          %swap3A_315 = vector.shape_cast %swap3A_314 : vector<1x16xf32> to vector<16xf32>
          %swap3A_316 = vector.shape_cast %mul3A_311 : vector<16xf32> to vector<1x16xf32>
          tpu.vector_store %arg17[%swap3A_312, %swap3A_313], %swap3A_316 {strides = array<i32>} : memref<64x144xf32, #tpu.memory_space<vmem>>, vector<1x16xf32>,
          %get3A_317 = arith.index_cast %scan3A_300 : i32 to index
          %get3A_318 = arith.constant 16 : index
          %get3A_319 = tpu.vector_load %arg17[%get3A_317, %get3A_318] {strides = array<i32>} : memref<64x144xf32, #tpu.memory_space<vmem>>, vector<1x16xf32>,
          %get3A_320 = vector.shape_cast %get3A_319 : vector<1x16xf32> to vector<16xf32>
          %slice3A_321 = vector.extract_strided_slice %get3A_305 {offsets = [1], sizes = [1], strides = [1]} : vector<16xf32> to vector<1xf32>
          %squeeze3A_322 = vector.extract %slice3A_321[0] : f32 from vector<1xf32>
          %mul3A_323 = vector.broadcast %squeeze3A_322 : f32 to vector<16xf32>
          %mul3A_324 = arith.mulf %get3A_320, %mul3A_323 : vector<16xf32>
          %swap3A_325 = arith.index_cast %scan3A_300 : i32 to index
          %swap3A_326 = arith.constant 16 : index
          %swap3A_327 = tpu.vector_load %arg17[%swap3A_325, %swap3A_326] {strides = array<i32>} : memref<64x144xf32, #tpu.memory_space<vmem>>, vector<1x16xf32>,
          %swap3A_328 = vector.shape_cast %swap3A_327 : vector<1x16xf32> to vector<16xf32>
          %swap3A_329 = vector.shape_cast %mul3A_324 : vector<16xf32> to vector<1x16xf32>
          tpu.vector_store %arg17[%swap3A_325, %swap3A_326], %swap3A_329 {strides = array<i32>} : memref<64x144xf32, #tpu.memory_space<vmem>>, vector<1x16xf32>,
          %get3A_330 = arith.index_cast %scan3A_300 : i32 to index
          %get3A_331 = arith.constant 32 : index
          %get3A_332 = tpu.vector_load %arg17[%get3A_330, %get3A_331] {strides = array<i32>} : memref<64x144xf32, #tpu.memory_space<vmem>>, vector<1x16xf32>,
          %get3A_333 = vector.shape_cast %get3A_332 : vector<1x16xf32> to vector<16xf32>
          %slice3A_334 = vector.extract_strided_slice %get3A_305 {offsets = [2], sizes = [1], strides = [1]} : vector<16xf32> to vector<1xf32>
          %squeeze3A_335 = vector.extract %slice3A_334[0] : f32 from vector<1xf32>
          %mul3A_336 = vector.broadcast %squeeze3A_335 : f32 to vector<16xf32>
          %mul3A_337 = arith.mulf %get3A_333, %mul3A_336 : vector<16xf32>
          %swap3A_338 = arith.index_cast %scan3A_300 : i32 to index
          %swap3A_339 = arith.constant 32 : index
          %swap3A_340 = tpu.vector_load %arg17[%swap3A_338, %swap3A_339] {strides = array<i32>} : memref<64x144xf32, #tpu.memory_space<vmem>>, vector<1x16xf32>,
          %swap3A_341 = vector.shape_cast %swap3A_340 : vector<1x16xf32> to vector<16xf32>
          %swap3A_342 = vector.shape_cast %mul3A_337 : vector<16xf32> to vector<1x16xf32>
          tpu.vector_store %arg17[%swap3A_338, %swap3A_339], %swap3A_342 {strides = array<i32>} : memref<64x144xf32, #tpu.memory_space<vmem>>, vector<1x16xf32>,
          %get3A_343 = arith.index_cast %scan3A_300 : i32 to index
          %get3A_344 = arith.constant 48 : index
          %get3A_345 = tpu.vector_load %arg17[%get3A_343, %get3A_344] {strides = array<i32>} : memref<64x144xf32, #tpu.memory_space<vmem>>, vector<1x16xf32>,
          %get3A_346 = vector.shape_cast %get3A_345 : vector<1x16xf32> to vector<16xf32>
          %slice3A_347 = vector.extract_strided_slice %get3A_305 {offsets = [3], sizes = [1], strides = [1]} : vector<16xf32> to vector<1xf32>
          %squeeze3A_348 = vector.extract %slice3A_347[0] : f32 from vector<1xf32>
          %mul3A_349 = vector.broadcast %squeeze3A_348 : f32 to vector<16xf32>
          %mul3A_350 = arith.mulf %get3A_346, %mul3A_349 : vector<16xf32>
          %swap3A_351 = arith.index_cast %scan3A_300 : i32 to index
          %swap3A_352 = arith.constant 48 : index
          %swap3A_353 = tpu.vector_load %arg17[%swap3A_351, %swap3A_352] {strides = array<i32>} : memref<64x144xf32, #tpu.memory_space<vmem>>, vector<1x16xf32>,
          %swap3A_354 = vector.shape_cast %swap3A_353 : vector<1x16xf32> to vector<16xf32>
          %swap3A_355 = vector.shape_cast %mul3A_350 : vector<16xf32> to vector<1x16xf32>
          tpu.vector_store %arg17[%swap3A_351, %swap3A_352], %swap3A_355 {strides = array<i32>} : memref<64x144xf32, #tpu.memory_space<vmem>>, vector<1x16xf32>,
          %get3A_356 = arith.index_cast %scan3A_300 : i32 to index
          %get3A_357 = arith.constant 64 : index
          %get3A_358 = tpu.vector_load %arg17[%get3A_356, %get3A_357] {strides = array<i32>} : memref<64x144xf32, #tpu.memory_space<vmem>>, vector<1x16xf32>,
          %get3A_359 = vector.shape_cast %get3A_358 : vector<1x16xf32> to vector<16xf32>
          %slice3A_360 = vector.extract_strided_slice %get3A_305 {offsets = [4], sizes = [1], strides = [1]} : vector<16xf32> to vector<1xf32>
          %squeeze3A_361 = vector.extract %slice3A_360[0] : f32 from vector<1xf32>
          %mul3A_362 = vector.broadcast %squeeze3A_361 : f32 to vector<16xf32>
          %mul3A_363 = arith.mulf %get3A_359, %mul3A_362 : vector<16xf32>
          %swap3A_364 = arith.index_cast %scan3A_300 : i32 to index
          %swap3A_365 = arith.constant 64 : index
          %swap3A_366 = tpu.vector_load %arg17[%swap3A_364, %swap3A_365] {strides = array<i32>} : memref<64x144xf32, #tpu.memory_space<vmem>>, vector<1x16xf32>,
          %swap3A_367 = vector.shape_cast %swap3A_366 : vector<1x16xf32> to vector<16xf32>
          %swap3A_368 = vector.shape_cast %mul3A_363 : vector<16xf32> to vector<1x16xf32>
          tpu.vector_store %arg17[%swap3A_364, %swap3A_365], %swap3A_368 {strides = array<i32>} : memref<64x144xf32, #tpu.memory_space<vmem>>, vector<1x16xf32>,
          %get3A_369 = arith.index_cast %scan3A_300 : i32 to index
          %get3A_370 = arith.constant 80 : index
          %get3A_371 = tpu.vector_load %arg17[%get3A_369, %get3A_370] {strides = array<i32>} : memref<64x144xf32, #tpu.memory_space<vmem>>, vector<1x16xf32>,
          %get3A_372 = vector.shape_cast %get3A_371 : vector<1x16xf32> to vector<16xf32>
          %slice3A_373 = vector.extract_strided_slice %get3A_305 {offsets = [5], sizes = [1], strides = [1]} : vector<16xf32> to vector<1xf32>
          %squeeze3A_374 = vector.extract %slice3A_373[0] : f32 from vector<1xf32>
          %mul3A_375 = vector.broadcast %squeeze3A_374 : f32 to vector<16xf32>
          %mul3A_376 = arith.mulf %get3A_372, %mul3A_375 : vector<16xf32>
          %swap3A_377 = arith.index_cast %scan3A_300 : i32 to index
          %swap3A_378 = arith.constant 80 : index
          %swap3A_379 = tpu.vector_load %arg17[%swap3A_377, %swap3A_378] {strides = array<i32>} : memref<64x144xf32, #tpu.memory_space<vmem>>, vector<1x16xf32>,
          %swap3A_380 = vector.shape_cast %swap3A_379 : vector<1x16xf32> to vector<16xf32>
          %swap3A_381 = vector.shape_cast %mul3A_376 : vector<16xf32> to vector<1x16xf32>
          tpu.vector_store %arg17[%swap3A_377, %swap3A_378], %swap3A_381 {strides = array<i32>} : memref<64x144xf32, #tpu.memory_space<vmem>>, vector<1x16xf32>,
          %get3A_382 = arith.index_cast %scan3A_300 : i32 to index
          %get3A_383 = arith.constant 96 : index
          %get3A_384 = tpu.vector_load %arg17[%get3A_382, %get3A_383] {strides = array<i32>} : memref<64x144xf32, #tpu.memory_space<vmem>>, vector<1x16xf32>,
          %get3A_385 = vector.shape_cast %get3A_384 : vector<1x16xf32> to vector<16xf32>
          %slice3A_386 = vector.extract_strided_slice %get3A_305 {offsets = [6], sizes = [1], strides = [1]} : vector<16xf32> to vector<1xf32>
          %squeeze3A_387 = vector.extract %slice3A_386[0] : f32 from vector<1xf32>
          %mul3A_388 = vector.broadcast %squeeze3A_387 : f32 to vector<16xf32>
          %mul3A_389 = arith.mulf %get3A_385, %mul3A_388 : vector<16xf32>
          %swap3A_390 = arith.index_cast %scan3A_300 : i32 to index
          %swap3A_391 = arith.constant 96 : index
          %swap3A_392 = tpu.vector_load %arg17[%swap3A_390, %swap3A_391] {strides = array<i32>} : memref<64x144xf32, #tpu.memory_space<vmem>>, vector<1x16xf32>,
          %swap3A_393 = vector.shape_cast %swap3A_392 : vector<1x16xf32> to vector<16xf32>
          %swap3A_394 = vector.shape_cast %mul3A_389 : vector<16xf32> to vector<1x16xf32>
          tpu.vector_store %arg17[%swap3A_390, %swap3A_391], %swap3A_394 {strides = array<i32>} : memref<64x144xf32, #tpu.memory_space<vmem>>, vector<1x16xf32>,
          %get3A_395 = arith.index_cast %scan3A_300 : i32 to index
          %get3A_396 = arith.constant 112 : index
          %get3A_397 = tpu.vector_load %arg17[%get3A_395, %get3A_396] {strides = array<i32>} : memref<64x144xf32, #tpu.memory_space<vmem>>, vector<1x16xf32>,
          %get3A_398 = vector.shape_cast %get3A_397 : vector<1x16xf32> to vector<16xf32>
          %slice3A_399 = vector.extract_strided_slice %get3A_305 {offsets = [7], sizes = [1], strides = [1]} : vector<16xf32> to vector<1xf32>
          %squeeze3A_400 = vector.extract %slice3A_399[0] : f32 from vector<1xf32>
          %mul3A_401 = vector.broadcast %squeeze3A_400 : f32 to vector<16xf32>
          %mul3A_402 = arith.mulf %get3A_398, %mul3A_401 : vector<16xf32>
          %swap3A_403 = arith.index_cast %scan3A_300 : i32 to index
          %swap3A_404 = arith.constant 112 : index
          %swap3A_405 = tpu.vector_load %arg17[%swap3A_403, %swap3A_404] {strides = array<i32>} : memref<64x144xf32, #tpu.memory_space<vmem>>, vector<1x16xf32>,
          %swap3A_406 = vector.shape_cast %swap3A_405 : vector<1x16xf32> to vector<16xf32>
          %swap3A_407 = vector.shape_cast %mul3A_402 : vector<16xf32> to vector<1x16xf32>
          tpu.vector_store %arg17[%swap3A_403, %swap3A_404], %swap3A_407 {strides = array<i32>} : memref<64x144xf32, #tpu.memory_space<vmem>>, vector<1x16xf32>,
          %scan3A_408 = arith.constant 0 : i32
          scf.yield %scan3A_408 : i32
        }
        %scan3A_290 = arith.constant 64 : i32
        %add3A_291 = arith.constant 2 : i32
        %add3A_292 = arith.addi %add3A_257, %add3A_291 : i32
        %lt3A_293 = arith.cmpi slt, %add3A_292, %min3A_55 : i32
        %convert_element_type3A_294 = arith.extui %lt3A_293 : i1 to i32
        %cond3A_295 = arith.constant 0 : i32
        %cond3A_296 = arith.cmpi ne, %convert_element_type3A_294, %cond3A_295 : i32
        scf.if %cond3A_296 {
          %ge3A = arith.constant 1 : i32
          %ge3A_300 = arith.cmpi sge, %add3A_257, %ge3A : i32
          %convert_element_type3A_301 = arith.extui %ge3A_300 : i1 to i32
          %cond3A_302 = arith.constant 0 : i32
          %cond3A_303 = arith.cmpi ne, %convert_element_type3A_301, %cond3A_302 : i32
          scf.if %cond3A_303 {
            %dma_wait3A_386 = arith.constant 0 : i32
            %dma_wait3A_387 = arith.constant 0 : i32
            %dma_wait3A_388 = tpu.memref_slice %arg7[%dma_wait3A_386, %dma_wait3A_387] : memref<10112x144xf32, #tpu.memory_space<vmem_shared>> -> memref<10112x144xf32, #tpu.memory_space<vmem_shared>>
            tpu.wait_indirect_dma semaphore(%arg14 : memref<!tpu.dma_semaphore, #tpu.memory_space<semaphore_mem>>) src(%arg10 : memref<64x144xf32, #tpu.memory_space<vmem>>) dst(%dma_wait3A_388 : memref<10112x144xf32, #tpu.memory_space<vmem_shared>>)
          } else {
          }
          %add3A_304 = arith.constant 2 : i32
          %add3A_305 = arith.addi %add3A_257, %add3A_304 : i32
          %rem3A_306 = arith.constant 8 : i32
          %rem3A_307 = arith.remsi %add3A_305, %rem3A_306 : i32
          %eq3A = arith.constant 0 : i32
          %eq3A_308 = arith.cmpi eq, %rem3A_307, %eq3A : i32
          %convert_element_type3A_309 = arith.extui %eq3A_308 : i1 to i32
          %cond3A_310 = arith.constant 0 : i32
          %cond3A_311 = arith.cmpi ne, %convert_element_type3A_309, %cond3A_310 : i32
          scf.if %cond3A_311 {
            %add3A_386 = arith.constant 2 : i32
            %add3A_387 = arith.addi %add3A_257, %add3A_386 : i32
            %add3A_388 = arith.addi %mul3A_32, %add3A_387 : i32
            %multiple_of3A_389 = tpu.assume_multiple %add3A_388, 8 : i32
            "tpu.region"() ({
              %run_scoped3A = tpu.sem_alloc : memref<!tpu.dma_semaphore, #tpu.memory_space<semaphore_mem>>
              %dma_start3A_390 = arith.constant 0 : i32
              %dma_start3A_391 = tpu.memref_slice %arg2[%multiple_of3A_389, %dma_start3A_390] : memref<5000x128xi32, #tpu.memory_space<hbm>> -> memref<8x128xi32, #tpu.memory_space<hbm>>
              %dma_start3A_392 = arith.constant 0 : i32
              %dma_start3A_393 = tpu.memref_slice %arg2[%multiple_of3A_389, %dma_start3A_392] : memref<5000x128xi32, #tpu.memory_space<hbm>> -> memref<8x128xi32, #tpu.memory_space<hbm>>
              tpu.enqueue_dma source(%dma_start3A_393 : memref<8x128xi32, #tpu.memory_space<hbm>>) target(%arg6 : memref<8x128xi32, #tpu.memory_space<vmem>>) target_semaphore(%run_scoped3A : memref<!tpu.dma_semaphore, #tpu.memory_space<semaphore_mem>>)
              %dma_wait3A_394 = arith.constant 0 : i32
              %dma_wait3A_395 = tpu.memref_slice %arg2[%multiple_of3A_389, %dma_wait3A_394] : memref<5000x128xi32, #tpu.memory_space<hbm>> -> memref<8x128xi32, #tpu.memory_space<hbm>>
              %dma_wait3A_396 = arith.constant 0 : i32
              %dma_wait3A_397 = tpu.memref_slice %arg2[%multiple_of3A_389, %dma_wait3A_396] : memref<5000x128xi32, #tpu.memory_space<hbm>> -> memref<8x128xi32, #tpu.memory_space<hbm>>
              tpu.wait_dma2 semaphore(%run_scoped3A : memref<!tpu.dma_semaphore, #tpu.memory_space<semaphore_mem>>) src(%dma_wait3A_397 : memref<8x128xi32, #tpu.memory_space<hbm>>) dst(%arg6 : memref<8x128xi32, #tpu.memory_space<vmem>>)
              tpu.yield
            }) : () -> ()
          } else {
          }
          %add3A_312 = arith.constant 2 : i32
          %add3A_313 = arith.addi %add3A_257, %add3A_312 : i32
          %rem3A_314 = arith.constant 8 : i32
          %rem3A_315 = arith.remsi %add3A_313, %rem3A_314 : i32
          %get3A_316 = arith.index_cast %rem3A_315 : i32 to index
          %get3A_317 = arith.constant 0 : index
          %get3A_318 = tpu.vector_load %arg6[%get3A_316, %get3A_317] {strides = array<i32>} : memref<8x128xi32, #tpu.memory_space<vmem>>, vector<1x16xi32>,
          %get3A_319 = vector.shape_cast %get3A_318 : vector<1x16xi32> to vector<16xi32>
          %swap3A_320 = arith.constant 0 : index
          %swap3A_321 = tpu.vector_load %arg8[%swap3A_320] {strides = array<i32>} : memref<64xi32, #tpu.memory_space<vmem>>, vector<16xi32>,
          %swap3A_322 = vector.shape_cast %swap3A_321 : vector<16xi32> to vector<16xi32>
          %swap3A_323 = vector.shape_cast %get3A_319 : vector<16xi32> to vector<16xi32>
          tpu.vector_store %arg8[%swap3A_320], %swap3A_323 {strides = array<i32>} : memref<64xi32, #tpu.memory_space<vmem>>, vector<16xi32>,
          %get3A_324 = arith.index_cast %rem3A_315 : i32 to index
          %get3A_325 = arith.constant 64 : index
          %get3A_326 = tpu.vector_load %arg6[%get3A_324, %get3A_325] {strides = array<i32>} : memref<8x128xi32, #tpu.memory_space<vmem>>, vector<1x16xi32>,
          %get3A_327 = vector.shape_cast %get3A_326 : vector<1x16xi32> to vector<16xi32>
          %swap3A_328 = arith.constant 0 : index
          %swap3A_329 = tpu.vector_load %arg9[%swap3A_328] {strides = array<i32>} : memref<64xi32, #tpu.memory_space<vmem>>, vector<16xi32>,
          %swap3A_330 = vector.shape_cast %swap3A_329 : vector<16xi32> to vector<16xi32>
          %swap3A_331 = vector.shape_cast %get3A_327 : vector<16xi32> to vector<16xi32>
          tpu.vector_store %arg9[%swap3A_328], %swap3A_331 {strides = array<i32>} : memref<64xi32, #tpu.memory_space<vmem>>, vector<16xi32>,
          %get3A_332 = arith.index_cast %rem3A_315 : i32 to index
          %get3A_333 = arith.constant 16 : index
          %get3A_334 = tpu.vector_load %arg6[%get3A_332, %get3A_333] {strides = array<i32>} : memref<8x128xi32, #tpu.memory_space<vmem>>, vector<1x16xi32>,
          %get3A_335 = vector.shape_cast %get3A_334 : vector<1x16xi32> to vector<16xi32>
          %swap3A_336 = arith.constant 16 : index
          %swap3A_337 = tpu.vector_load %arg8[%swap3A_336] {strides = array<i32>} : memref<64xi32, #tpu.memory_space<vmem>>, vector<16xi32>,
          %swap3A_338 = vector.shape_cast %swap3A_337 : vector<16xi32> to vector<16xi32>
          %swap3A_339 = vector.shape_cast %get3A_335 : vector<16xi32> to vector<16xi32>
          tpu.vector_store %arg8[%swap3A_336], %swap3A_339 {strides = array<i32>} : memref<64xi32, #tpu.memory_space<vmem>>, vector<16xi32>,
          %get3A_340 = arith.index_cast %rem3A_315 : i32 to index
          %get3A_341 = arith.constant 80 : index
          %get3A_342 = tpu.vector_load %arg6[%get3A_340, %get3A_341] {strides = array<i32>} : memref<8x128xi32, #tpu.memory_space<vmem>>, vector<1x16xi32>,
          %get3A_343 = vector.shape_cast %get3A_342 : vector<1x16xi32> to vector<16xi32>
          %swap3A_344 = arith.constant 16 : index
          %swap3A_345 = tpu.vector_load %arg9[%swap3A_344] {strides = array<i32>} : memref<64xi32, #tpu.memory_space<vmem>>, vector<16xi32>,
          %swap3A_346 = vector.shape_cast %swap3A_345 : vector<16xi32> to vector<16xi32>
          %swap3A_347 = vector.shape_cast %get3A_343 : vector<16xi32> to vector<16xi32>
          tpu.vector_store %arg9[%swap3A_344], %swap3A_347 {strides = array<i32>} : memref<64xi32, #tpu.memory_space<vmem>>, vector<16xi32>,
          %get3A_348 = arith.index_cast %rem3A_315 : i32 to index
          %get3A_349 = arith.constant 32 : index
          %get3A_350 = tpu.vector_load %arg6[%get3A_348, %get3A_349] {strides = array<i32>} : memref<8x128xi32, #tpu.memory_space<vmem>>, vector<1x16xi32>,
          %get3A_351 = vector.shape_cast %get3A_350 : vector<1x16xi32> to vector<16xi32>
          %swap3A_352 = arith.constant 32 : index
          %swap3A_353 = tpu.vector_load %arg8[%swap3A_352] {strides = array<i32>} : memref<64xi32, #tpu.memory_space<vmem>>, vector<16xi32>,
          %swap3A_354 = vector.shape_cast %swap3A_353 : vector<16xi32> to vector<16xi32>
          %swap3A_355 = vector.shape_cast %get3A_351 : vector<16xi32> to vector<16xi32>
          tpu.vector_store %arg8[%swap3A_352], %swap3A_355 {strides = array<i32>} : memref<64xi32, #tpu.memory_space<vmem>>, vector<16xi32>,
          %get3A_356 = arith.index_cast %rem3A_315 : i32 to index
          %get3A_357 = arith.constant 96 : index
          %get3A_358 = tpu.vector_load %arg6[%get3A_356, %get3A_357] {strides = array<i32>} : memref<8x128xi32, #tpu.memory_space<vmem>>, vector<1x16xi32>,
          %get3A_359 = vector.shape_cast %get3A_358 : vector<1x16xi32> to vector<16xi32>
          %swap3A_360 = arith.constant 32 : index
          %swap3A_361 = tpu.vector_load %arg9[%swap3A_360] {strides = array<i32>} : memref<64xi32, #tpu.memory_space<vmem>>, vector<16xi32>,
          %swap3A_362 = vector.shape_cast %swap3A_361 : vector<16xi32> to vector<16xi32>
          %swap3A_363 = vector.shape_cast %get3A_359 : vector<16xi32> to vector<16xi32>
          tpu.vector_store %arg9[%swap3A_360], %swap3A_363 {strides = array<i32>} : memref<64xi32, #tpu.memory_space<vmem>>, vector<16xi32>,
          %get3A_364 = arith.index_cast %rem3A_315 : i32 to index
          %get3A_365 = arith.constant 48 : index
          %get3A_366 = tpu.vector_load %arg6[%get3A_364, %get3A_365] {strides = array<i32>} : memref<8x128xi32, #tpu.memory_space<vmem>>, vector<1x16xi32>,
          %get3A_367 = vector.shape_cast %get3A_366 : vector<1x16xi32> to vector<16xi32>
          %swap3A_368 = arith.constant 48 : index
          %swap3A_369 = tpu.vector_load %arg8[%swap3A_368] {strides = array<i32>} : memref<64xi32, #tpu.memory_space<vmem>>, vector<16xi32>,
          %swap3A_370 = vector.shape_cast %swap3A_369 : vector<16xi32> to vector<16xi32>
          %swap3A_371 = vector.shape_cast %get3A_367 : vector<16xi32> to vector<16xi32>
          tpu.vector_store %arg8[%swap3A_368], %swap3A_371 {strides = array<i32>} : memref<64xi32, #tpu.memory_space<vmem>>, vector<16xi32>,
          %get3A_372 = arith.index_cast %rem3A_315 : i32 to index
          %get3A_373 = arith.constant 112 : index
          %get3A_374 = tpu.vector_load %arg6[%get3A_372, %get3A_373] {strides = array<i32>} : memref<8x128xi32, #tpu.memory_space<vmem>>, vector<1x16xi32>,
          %get3A_375 = vector.shape_cast %get3A_374 : vector<1x16xi32> to vector<16xi32>
          %swap3A_376 = arith.constant 48 : index
          %swap3A_377 = tpu.vector_load %arg9[%swap3A_376] {strides = array<i32>} : memref<64xi32, #tpu.memory_space<vmem>>, vector<16xi32>,
          %swap3A_378 = vector.shape_cast %swap3A_377 : vector<16xi32> to vector<16xi32>
          %swap3A_379 = vector.shape_cast %get3A_375 : vector<16xi32> to vector<16xi32>
          tpu.vector_store %arg9[%swap3A_376], %swap3A_379 {strides = array<i32>} : memref<64xi32, #tpu.memory_space<vmem>>, vector<16xi32>,
          %dma_start3A_380 = arith.constant 0 : i32
          %dma_start3A_381 = arith.constant 0 : i32
          %dma_start3A_382 = tpu.memref_slice %arg4[%dma_start3A_380, %dma_start3A_381] : memref<10112x16xf32, #tpu.memory_space<hbm>> -> memref<10112x16xf32, #tpu.memory_space<hbm>>
          tpu.enqueue_indirect_dma source(%dma_start3A_382 : memref<10112x16xf32, #tpu.memory_space<hbm>>) target(%arg11 : memref<64x16xf32, #tpu.memory_space<vmem>>) offsets(%arg9 : memref<64xi32, #tpu.memory_space<vmem>>) semaphore(%arg12 : memref<!tpu.dma_semaphore, #tpu.memory_space<semaphore_mem>>)
          %dma_start3A_383 = arith.constant 0 : i32
          %dma_start3A_384 = arith.constant 0 : i32
          %dma_start3A_385 = tpu.memref_slice %arg3[%dma_start3A_383, %dma_start3A_384] : memref<10112x144xf32, #tpu.memory_space<hbm>> -> memref<10112x144xf32, #tpu.memory_space<hbm>>
          tpu.enqueue_indirect_dma source(%dma_start3A_385 : memref<10112x144xf32, #tpu.memory_space<hbm>>) target(%arg10 : memref<64x144xf32, #tpu.memory_space<vmem>>) offsets(%arg8 : memref<64xi32, #tpu.memory_space<vmem>>) semaphore(%arg13 : memref<!tpu.dma_semaphore, #tpu.memory_space<semaphore_mem>>)
        } else {
        }
        %dma_start3A_297 = arith.constant 0 : i32
        %dma_start3A_298 = arith.constant 0 : i32
        %dma_start3A_299 = tpu.memref_slice %arg7[%dma_start3A_297, %dma_start3A_298] : memref<10112x144xf32, #tpu.memory_space<vmem_shared>> -> memref<10112x144xf32, #tpu.memory_space<vmem_shared>>
        tpu.enqueue_indirect_dma source(%arg17 : memref<64x144xf32, #tpu.memory_space<vmem>>) target(%dma_start3A_299 : memref<10112x144xf32, #tpu.memory_space<vmem_shared>>) offsets(%arg16 : memref<64xi32, #tpu.memory_space<vmem>>) semaphore(%arg21 : memref<!tpu.dma_semaphore, #tpu.memory_space<semaphore_mem>>) {add = true}
      } else {
      }
      %mul3A_262 = arith.constant 3 : i32
      %mul3A_263 = arith.muli %mul3A_262, %while3A_247 : i32
      %add3A_264 = arith.constant 2 : i32
      %add3A_265 = arith.addi %mul3A_263, %add3A_264 : i32
      %lt3A_266 = arith.cmpi slt, %add3A_265, %min3A_55 : i32
      %convert_element_type3A_267 = arith.extui %lt3A_266 : i1 to i32
      %cond3A_268 = arith.constant 0 : i32
      %cond3A_269 = arith.cmpi ne, %convert_element_type3A_267, %cond3A_268 : i32
      scf.if %cond3A_269 {
        %dma_wait3A_271 = arith.constant 0 : i32
        %dma_wait3A_272 = arith.constant 0 : i32
        %dma_wait3A_273 = tpu.memref_slice %arg4[%dma_wait3A_271, %dma_wait3A_272] : memref<10112x16xf32, #tpu.memory_space<hbm>> -> memref<10112x16xf32, #tpu.memory_space<hbm>>
        tpu.wait_indirect_dma semaphore(%arg26 : memref<!tpu.dma_semaphore, #tpu.memory_space<semaphore_mem>>) src(%dma_wait3A_273 : memref<10112x16xf32, #tpu.memory_space<hbm>>) dst(%arg25 : memref<64x16xf32, #tpu.memory_space<vmem>>)
        %dma_wait3A_274 = arith.constant 0 : i32
        %dma_wait3A_275 = arith.constant 0 : i32
        %dma_wait3A_276 = tpu.memref_slice %arg3[%dma_wait3A_274, %dma_wait3A_275] : memref<10112x144xf32, #tpu.memory_space<hbm>> -> memref<10112x144xf32, #tpu.memory_space<hbm>>
        tpu.wait_indirect_dma semaphore(%arg27 : memref<!tpu.dma_semaphore, #tpu.memory_space<semaphore_mem>>) src(%dma_wait3A_276 : memref<10112x144xf32, #tpu.memory_space<hbm>>) dst(%arg24 : memref<64x144xf32, #tpu.memory_space<vmem>>)
        %scan3A_277 = arith.constant 0 : i32
        %scan3A_278 = arith.constant 0 : i32
        %scan3A_279 = arith.constant 64 : i32
        %scan3A_280 = arith.addi %scan3A_278, %scan3A_279 : i32
        %scan3A_281 = arith.constant 1 : i32
        %scan3A_282 = scf.for %scan3A_300 = %scan3A_278 to %scan3A_280 step %scan3A_281 iter_args(%scan3A_301 = %scan3A_277) -> (i32)  : i32 {
          %get3A_302 = arith.index_cast %scan3A_300 : i32 to index
          %get3A_303 = arith.constant 128 : index
          %get3A_304 = tpu.vector_load %arg24[%get3A_302, %get3A_303] {strides = array<i32>} : memref<64x144xf32, #tpu.memory_space<vmem>>, vector<1x16xf32>,
          %get3A_305 = vector.shape_cast %get3A_304 : vector<1x16xf32> to vector<16xf32>
          %get3A_306 = arith.index_cast %scan3A_300 : i32 to index
          %get3A_307 = arith.constant 0 : index
          %get3A_308 = tpu.vector_load %arg25[%get3A_306, %get3A_307] {strides = array<i32>} : memref<64x16xf32, #tpu.memory_space<vmem>>, vector<1x16xf32>,
          %get3A_309 = vector.shape_cast %get3A_308 : vector<1x16xf32> to vector<16xf32>
          %add3A_310 = arith.addf %get3A_305, %get3A_309 : vector<16xf32>
          %gt3A = arith.constant 0.000000e+00 : f32
          %gt3A_311 = vector.broadcast %gt3A : f32 to vector<16xf32>
          %gt3A_312 = arith.cmpf ogt, %add3A_310, %gt3A_311 : vector<16xf32>
          %mul3A_313 = arith.constant 2.000000e-01 : f32
          %mul3A_314 = vector.broadcast %mul3A_313 : f32 to vector<16xf32>
          %mul3A_315 = arith.mulf %mul3A_314, %add3A_310 : vector<16xf32>
          %select_n3A_316 = arith.select %gt3A_312, %add3A_310, %mul3A_315 : vector<16xi1>, vector<16xf32>
          %exp3A = math.exp %select_n3A_316 : vector<16xf32>
          %swap3A_317 = arith.index_cast %scan3A_300 : i32 to index
          %swap3A_318 = arith.constant 128 : index
          %swap3A_319 = tpu.vector_load %arg24[%swap3A_317, %swap3A_318] {strides = array<i32>} : memref<64x144xf32, #tpu.memory_space<vmem>>, vector<1x16xf32>,
          %swap3A_320 = vector.shape_cast %swap3A_319 : vector<1x16xf32> to vector<16xf32>
          %swap3A_321 = vector.shape_cast %exp3A : vector<16xf32> to vector<1x16xf32>
          tpu.vector_store %arg24[%swap3A_317, %swap3A_318], %swap3A_321 {strides = array<i32>} : memref<64x144xf32, #tpu.memory_space<vmem>>, vector<1x16xf32>,
          %scan3A_322 = arith.constant 0 : i32
          scf.yield %scan3A_322 : i32
        }
        %scan3A_283 = arith.constant 64 : i32
        %scan3A_284 = arith.constant 0 : i32
        %scan3A_285 = arith.constant 0 : i32
        %scan3A_286 = arith.constant 64 : i32
        %scan3A_287 = arith.addi %scan3A_285, %scan3A_286 : i32
        %scan3A_288 = arith.constant 1 : i32
        %scan3A_289 = scf.for %scan3A_300 = %scan3A_285 to %scan3A_287 step %scan3A_288 iter_args(%scan3A_301 = %scan3A_284) -> (i32)  : i32 {
          %get3A_302 = arith.index_cast %scan3A_300 : i32 to index
          %get3A_303 = arith.constant 128 : index
          %get3A_304 = tpu.vector_load %arg24[%get3A_302, %get3A_303] {strides = array<i32>} : memref<64x144xf32, #tpu.memory_space<vmem>>, vector<1x16xf32>,
          %get3A_305 = vector.shape_cast %get3A_304 : vector<1x16xf32> to vector<16xf32>
          %get3A_306 = arith.index_cast %scan3A_300 : i32 to index
          %get3A_307 = arith.constant 0 : index
          %get3A_308 = tpu.vector_load %arg24[%get3A_306, %get3A_307] {strides = array<i32>} : memref<64x144xf32, #tpu.memory_space<vmem>>, vector<1x16xf32>,
          %get3A_309 = vector.shape_cast %get3A_308 : vector<1x16xf32> to vector<16xf32>
          %slice3A = vector.extract_strided_slice %get3A_305 {offsets = [0], sizes = [1], strides = [1]} : vector<16xf32> to vector<1xf32>
          %squeeze3A = vector.extract %slice3A[0] : f32 from vector<1xf32>
          %mul3A_310 = vector.broadcast %squeeze3A : f32 to vector<16xf32>
          %mul3A_311 = arith.mulf %get3A_309, %mul3A_310 : vector<16xf32>
          %swap3A_312 = arith.index_cast %scan3A_300 : i32 to index
          %swap3A_313 = arith.constant 0 : index
          %swap3A_314 = tpu.vector_load %arg24[%swap3A_312, %swap3A_313] {strides = array<i32>} : memref<64x144xf32, #tpu.memory_space<vmem>>, vector<1x16xf32>,
          %swap3A_315 = vector.shape_cast %swap3A_314 : vector<1x16xf32> to vector<16xf32>
          %swap3A_316 = vector.shape_cast %mul3A_311 : vector<16xf32> to vector<1x16xf32>
          tpu.vector_store %arg24[%swap3A_312, %swap3A_313], %swap3A_316 {strides = array<i32>} : memref<64x144xf32, #tpu.memory_space<vmem>>, vector<1x16xf32>,
          %get3A_317 = arith.index_cast %scan3A_300 : i32 to index
          %get3A_318 = arith.constant 16 : index
          %get3A_319 = tpu.vector_load %arg24[%get3A_317, %get3A_318] {strides = array<i32>} : memref<64x144xf32, #tpu.memory_space<vmem>>, vector<1x16xf32>,
          %get3A_320 = vector.shape_cast %get3A_319 : vector<1x16xf32> to vector<16xf32>
          %slice3A_321 = vector.extract_strided_slice %get3A_305 {offsets = [1], sizes = [1], strides = [1]} : vector<16xf32> to vector<1xf32>
          %squeeze3A_322 = vector.extract %slice3A_321[0] : f32 from vector<1xf32>
          %mul3A_323 = vector.broadcast %squeeze3A_322 : f32 to vector<16xf32>
          %mul3A_324 = arith.mulf %get3A_320, %mul3A_323 : vector<16xf32>
          %swap3A_325 = arith.index_cast %scan3A_300 : i32 to index
          %swap3A_326 = arith.constant 16 : index
          %swap3A_327 = tpu.vector_load %arg24[%swap3A_325, %swap3A_326] {strides = array<i32>} : memref<64x144xf32, #tpu.memory_space<vmem>>, vector<1x16xf32>,
          %swap3A_328 = vector.shape_cast %swap3A_327 : vector<1x16xf32> to vector<16xf32>
          %swap3A_329 = vector.shape_cast %mul3A_324 : vector<16xf32> to vector<1x16xf32>
          tpu.vector_store %arg24[%swap3A_325, %swap3A_326], %swap3A_329 {strides = array<i32>} : memref<64x144xf32, #tpu.memory_space<vmem>>, vector<1x16xf32>,
          %get3A_330 = arith.index_cast %scan3A_300 : i32 to index
          %get3A_331 = arith.constant 32 : index
          %get3A_332 = tpu.vector_load %arg24[%get3A_330, %get3A_331] {strides = array<i32>} : memref<64x144xf32, #tpu.memory_space<vmem>>, vector<1x16xf32>,
          %get3A_333 = vector.shape_cast %get3A_332 : vector<1x16xf32> to vector<16xf32>
          %slice3A_334 = vector.extract_strided_slice %get3A_305 {offsets = [2], sizes = [1], strides = [1]} : vector<16xf32> to vector<1xf32>
          %squeeze3A_335 = vector.extract %slice3A_334[0] : f32 from vector<1xf32>
          %mul3A_336 = vector.broadcast %squeeze3A_335 : f32 to vector<16xf32>
          %mul3A_337 = arith.mulf %get3A_333, %mul3A_336 : vector<16xf32>
          %swap3A_338 = arith.index_cast %scan3A_300 : i32 to index
          %swap3A_339 = arith.constant 32 : index
          %swap3A_340 = tpu.vector_load %arg24[%swap3A_338, %swap3A_339] {strides = array<i32>} : memref<64x144xf32, #tpu.memory_space<vmem>>, vector<1x16xf32>,
          %swap3A_341 = vector.shape_cast %swap3A_340 : vector<1x16xf32> to vector<16xf32>
          %swap3A_342 = vector.shape_cast %mul3A_337 : vector<16xf32> to vector<1x16xf32>
          tpu.vector_store %arg24[%swap3A_338, %swap3A_339], %swap3A_342 {strides = array<i32>} : memref<64x144xf32, #tpu.memory_space<vmem>>, vector<1x16xf32>,
          %get3A_343 = arith.index_cast %scan3A_300 : i32 to index
          %get3A_344 = arith.constant 48 : index
          %get3A_345 = tpu.vector_load %arg24[%get3A_343, %get3A_344] {strides = array<i32>} : memref<64x144xf32, #tpu.memory_space<vmem>>, vector<1x16xf32>,
          %get3A_346 = vector.shape_cast %get3A_345 : vector<1x16xf32> to vector<16xf32>
          %slice3A_347 = vector.extract_strided_slice %get3A_305 {offsets = [3], sizes = [1], strides = [1]} : vector<16xf32> to vector<1xf32>
          %squeeze3A_348 = vector.extract %slice3A_347[0] : f32 from vector<1xf32>
          %mul3A_349 = vector.broadcast %squeeze3A_348 : f32 to vector<16xf32>
          %mul3A_350 = arith.mulf %get3A_346, %mul3A_349 : vector<16xf32>
          %swap3A_351 = arith.index_cast %scan3A_300 : i32 to index
          %swap3A_352 = arith.constant 48 : index
          %swap3A_353 = tpu.vector_load %arg24[%swap3A_351, %swap3A_352] {strides = array<i32>} : memref<64x144xf32, #tpu.memory_space<vmem>>, vector<1x16xf32>,
          %swap3A_354 = vector.shape_cast %swap3A_353 : vector<1x16xf32> to vector<16xf32>
          %swap3A_355 = vector.shape_cast %mul3A_350 : vector<16xf32> to vector<1x16xf32>
          tpu.vector_store %arg24[%swap3A_351, %swap3A_352], %swap3A_355 {strides = array<i32>} : memref<64x144xf32, #tpu.memory_space<vmem>>, vector<1x16xf32>,
          %get3A_356 = arith.index_cast %scan3A_300 : i32 to index
          %get3A_357 = arith.constant 64 : index
          %get3A_358 = tpu.vector_load %arg24[%get3A_356, %get3A_357] {strides = array<i32>} : memref<64x144xf32, #tpu.memory_space<vmem>>, vector<1x16xf32>,
          %get3A_359 = vector.shape_cast %get3A_358 : vector<1x16xf32> to vector<16xf32>
          %slice3A_360 = vector.extract_strided_slice %get3A_305 {offsets = [4], sizes = [1], strides = [1]} : vector<16xf32> to vector<1xf32>
          %squeeze3A_361 = vector.extract %slice3A_360[0] : f32 from vector<1xf32>
          %mul3A_362 = vector.broadcast %squeeze3A_361 : f32 to vector<16xf32>
          %mul3A_363 = arith.mulf %get3A_359, %mul3A_362 : vector<16xf32>
          %swap3A_364 = arith.index_cast %scan3A_300 : i32 to index
          %swap3A_365 = arith.constant 64 : index
          %swap3A_366 = tpu.vector_load %arg24[%swap3A_364, %swap3A_365] {strides = array<i32>} : memref<64x144xf32, #tpu.memory_space<vmem>>, vector<1x16xf32>,
          %swap3A_367 = vector.shape_cast %swap3A_366 : vector<1x16xf32> to vector<16xf32>
          %swap3A_368 = vector.shape_cast %mul3A_363 : vector<16xf32> to vector<1x16xf32>
          tpu.vector_store %arg24[%swap3A_364, %swap3A_365], %swap3A_368 {strides = array<i32>} : memref<64x144xf32, #tpu.memory_space<vmem>>, vector<1x16xf32>,
          %get3A_369 = arith.index_cast %scan3A_300 : i32 to index
          %get3A_370 = arith.constant 80 : index
          %get3A_371 = tpu.vector_load %arg24[%get3A_369, %get3A_370] {strides = array<i32>} : memref<64x144xf32, #tpu.memory_space<vmem>>, vector<1x16xf32>,
          %get3A_372 = vector.shape_cast %get3A_371 : vector<1x16xf32> to vector<16xf32>
          %slice3A_373 = vector.extract_strided_slice %get3A_305 {offsets = [5], sizes = [1], strides = [1]} : vector<16xf32> to vector<1xf32>
          %squeeze3A_374 = vector.extract %slice3A_373[0] : f32 from vector<1xf32>
          %mul3A_375 = vector.broadcast %squeeze3A_374 : f32 to vector<16xf32>
          %mul3A_376 = arith.mulf %get3A_372, %mul3A_375 : vector<16xf32>
          %swap3A_377 = arith.index_cast %scan3A_300 : i32 to index
          %swap3A_378 = arith.constant 80 : index
          %swap3A_379 = tpu.vector_load %arg24[%swap3A_377, %swap3A_378] {strides = array<i32>} : memref<64x144xf32, #tpu.memory_space<vmem>>, vector<1x16xf32>,
          %swap3A_380 = vector.shape_cast %swap3A_379 : vector<1x16xf32> to vector<16xf32>
          %swap3A_381 = vector.shape_cast %mul3A_376 : vector<16xf32> to vector<1x16xf32>
          tpu.vector_store %arg24[%swap3A_377, %swap3A_378], %swap3A_381 {strides = array<i32>} : memref<64x144xf32, #tpu.memory_space<vmem>>, vector<1x16xf32>,
          %get3A_382 = arith.index_cast %scan3A_300 : i32 to index
          %get3A_383 = arith.constant 96 : index
          %get3A_384 = tpu.vector_load %arg24[%get3A_382, %get3A_383] {strides = array<i32>} : memref<64x144xf32, #tpu.memory_space<vmem>>, vector<1x16xf32>,
          %get3A_385 = vector.shape_cast %get3A_384 : vector<1x16xf32> to vector<16xf32>
          %slice3A_386 = vector.extract_strided_slice %get3A_305 {offsets = [6], sizes = [1], strides = [1]} : vector<16xf32> to vector<1xf32>
          %squeeze3A_387 = vector.extract %slice3A_386[0] : f32 from vector<1xf32>
          %mul3A_388 = vector.broadcast %squeeze3A_387 : f32 to vector<16xf32>
          %mul3A_389 = arith.mulf %get3A_385, %mul3A_388 : vector<16xf32>
          %swap3A_390 = arith.index_cast %scan3A_300 : i32 to index
          %swap3A_391 = arith.constant 96 : index
          %swap3A_392 = tpu.vector_load %arg24[%swap3A_390, %swap3A_391] {strides = array<i32>} : memref<64x144xf32, #tpu.memory_space<vmem>>, vector<1x16xf32>,
          %swap3A_393 = vector.shape_cast %swap3A_392 : vector<1x16xf32> to vector<16xf32>
          %swap3A_394 = vector.shape_cast %mul3A_389 : vector<16xf32> to vector<1x16xf32>
          tpu.vector_store %arg24[%swap3A_390, %swap3A_391], %swap3A_394 {strides = array<i32>} : memref<64x144xf32, #tpu.memory_space<vmem>>, vector<1x16xf32>,
          %get3A_395 = arith.index_cast %scan3A_300 : i32 to index
          %get3A_396 = arith.constant 112 : index
          %get3A_397 = tpu.vector_load %arg24[%get3A_395, %get3A_396] {strides = array<i32>} : memref<64x144xf32, #tpu.memory_space<vmem>>, vector<1x16xf32>,
          %get3A_398 = vector.shape_cast %get3A_397 : vector<1x16xf32> to vector<16xf32>
          %slice3A_399 = vector.extract_strided_slice %get3A_305 {offsets = [7], sizes = [1], strides = [1]} : vector<16xf32> to vector<1xf32>
          %squeeze3A_400 = vector.extract %slice3A_399[0] : f32 from vector<1xf32>
          %mul3A_401 = vector.broadcast %squeeze3A_400 : f32 to vector<16xf32>
          %mul3A_402 = arith.mulf %get3A_398, %mul3A_401 : vector<16xf32>
          %swap3A_403 = arith.index_cast %scan3A_300 : i32 to index
          %swap3A_404 = arith.constant 112 : index
          %swap3A_405 = tpu.vector_load %arg24[%swap3A_403, %swap3A_404] {strides = array<i32>} : memref<64x144xf32, #tpu.memory_space<vmem>>, vector<1x16xf32>,
          %swap3A_406 = vector.shape_cast %swap3A_405 : vector<1x16xf32> to vector<16xf32>
          %swap3A_407 = vector.shape_cast %mul3A_402 : vector<16xf32> to vector<1x16xf32>
          tpu.vector_store %arg24[%swap3A_403, %swap3A_404], %swap3A_407 {strides = array<i32>} : memref<64x144xf32, #tpu.memory_space<vmem>>, vector<1x16xf32>,
          %scan3A_408 = arith.constant 0 : i32
          scf.yield %scan3A_408 : i32
        }
        %scan3A_290 = arith.constant 64 : i32
        %add3A_291 = arith.constant 2 : i32
        %add3A_292 = arith.addi %add3A_265, %add3A_291 : i32
        %lt3A_293 = arith.cmpi slt, %add3A_292, %min3A_55 : i32
        %convert_element_type3A_294 = arith.extui %lt3A_293 : i1 to i32
        %cond3A_295 = arith.constant 0 : i32
        %cond3A_296 = arith.cmpi ne, %convert_element_type3A_294, %cond3A_295 : i32
        scf.if %cond3A_296 {
          %ge3A = arith.constant 1 : i32
          %ge3A_300 = arith.cmpi sge, %add3A_265, %ge3A : i32
          %convert_element_type3A_301 = arith.extui %ge3A_300 : i1 to i32
          %cond3A_302 = arith.constant 0 : i32
          %cond3A_303 = arith.cmpi ne, %convert_element_type3A_301, %cond3A_302 : i32
          scf.if %cond3A_303 {
            %dma_wait3A_386 = arith.constant 0 : i32
            %dma_wait3A_387 = arith.constant 0 : i32
            %dma_wait3A_388 = tpu.memref_slice %arg7[%dma_wait3A_386, %dma_wait3A_387] : memref<10112x144xf32, #tpu.memory_space<vmem_shared>> -> memref<10112x144xf32, #tpu.memory_space<vmem_shared>>
            tpu.wait_indirect_dma semaphore(%arg21 : memref<!tpu.dma_semaphore, #tpu.memory_space<semaphore_mem>>) src(%arg17 : memref<64x144xf32, #tpu.memory_space<vmem>>) dst(%dma_wait3A_388 : memref<10112x144xf32, #tpu.memory_space<vmem_shared>>)
          } else {
          }
          %add3A_304 = arith.constant 2 : i32
          %add3A_305 = arith.addi %add3A_265, %add3A_304 : i32
          %rem3A_306 = arith.constant 8 : i32
          %rem3A_307 = arith.remsi %add3A_305, %rem3A_306 : i32
          %eq3A = arith.constant 0 : i32
          %eq3A_308 = arith.cmpi eq, %rem3A_307, %eq3A : i32
          %convert_element_type3A_309 = arith.extui %eq3A_308 : i1 to i32
          %cond3A_310 = arith.constant 0 : i32
          %cond3A_311 = arith.cmpi ne, %convert_element_type3A_309, %cond3A_310 : i32
          scf.if %cond3A_311 {
            %add3A_386 = arith.constant 2 : i32
            %add3A_387 = arith.addi %add3A_265, %add3A_386 : i32
            %add3A_388 = arith.addi %mul3A_32, %add3A_387 : i32
            %multiple_of3A_389 = tpu.assume_multiple %add3A_388, 8 : i32
            "tpu.region"() ({
              %run_scoped3A = tpu.sem_alloc : memref<!tpu.dma_semaphore, #tpu.memory_space<semaphore_mem>>
              %dma_start3A_390 = arith.constant 0 : i32
              %dma_start3A_391 = tpu.memref_slice %arg2[%multiple_of3A_389, %dma_start3A_390] : memref<5000x128xi32, #tpu.memory_space<hbm>> -> memref<8x128xi32, #tpu.memory_space<hbm>>
              %dma_start3A_392 = arith.constant 0 : i32
              %dma_start3A_393 = tpu.memref_slice %arg2[%multiple_of3A_389, %dma_start3A_392] : memref<5000x128xi32, #tpu.memory_space<hbm>> -> memref<8x128xi32, #tpu.memory_space<hbm>>
              tpu.enqueue_dma source(%dma_start3A_393 : memref<8x128xi32, #tpu.memory_space<hbm>>) target(%arg6 : memref<8x128xi32, #tpu.memory_space<vmem>>) target_semaphore(%run_scoped3A : memref<!tpu.dma_semaphore, #tpu.memory_space<semaphore_mem>>)
              %dma_wait3A_394 = arith.constant 0 : i32
              %dma_wait3A_395 = tpu.memref_slice %arg2[%multiple_of3A_389, %dma_wait3A_394] : memref<5000x128xi32, #tpu.memory_space<hbm>> -> memref<8x128xi32, #tpu.memory_space<hbm>>
              %dma_wait3A_396 = arith.constant 0 : i32
              %dma_wait3A_397 = tpu.memref_slice %arg2[%multiple_of3A_389, %dma_wait3A_396] : memref<5000x128xi32, #tpu.memory_space<hbm>> -> memref<8x128xi32, #tpu.memory_space<hbm>>
              tpu.wait_dma2 semaphore(%run_scoped3A : memref<!tpu.dma_semaphore, #tpu.memory_space<semaphore_mem>>) src(%dma_wait3A_397 : memref<8x128xi32, #tpu.memory_space<hbm>>) dst(%arg6 : memref<8x128xi32, #tpu.memory_space<vmem>>)
              tpu.yield
            }) : () -> ()
          } else {
          }
          %add3A_312 = arith.constant 2 : i32
          %add3A_313 = arith.addi %add3A_265, %add3A_312 : i32
          %rem3A_314 = arith.constant 8 : i32
          %rem3A_315 = arith.remsi %add3A_313, %rem3A_314 : i32
          %get3A_316 = arith.index_cast %rem3A_315 : i32 to index
          %get3A_317 = arith.constant 0 : index
          %get3A_318 = tpu.vector_load %arg6[%get3A_316, %get3A_317] {strides = array<i32>} : memref<8x128xi32, #tpu.memory_space<vmem>>, vector<1x16xi32>,
          %get3A_319 = vector.shape_cast %get3A_318 : vector<1x16xi32> to vector<16xi32>
          %swap3A_320 = arith.constant 0 : index
          %swap3A_321 = tpu.vector_load %arg15[%swap3A_320] {strides = array<i32>} : memref<64xi32, #tpu.memory_space<vmem>>, vector<16xi32>,
          %swap3A_322 = vector.shape_cast %swap3A_321 : vector<16xi32> to vector<16xi32>
          %swap3A_323 = vector.shape_cast %get3A_319 : vector<16xi32> to vector<16xi32>
          tpu.vector_store %arg15[%swap3A_320], %swap3A_323 {strides = array<i32>} : memref<64xi32, #tpu.memory_space<vmem>>, vector<16xi32>,
          %get3A_324 = arith.index_cast %rem3A_315 : i32 to index
          %get3A_325 = arith.constant 64 : index
          %get3A_326 = tpu.vector_load %arg6[%get3A_324, %get3A_325] {strides = array<i32>} : memref<8x128xi32, #tpu.memory_space<vmem>>, vector<1x16xi32>,
          %get3A_327 = vector.shape_cast %get3A_326 : vector<1x16xi32> to vector<16xi32>
          %swap3A_328 = arith.constant 0 : index
          %swap3A_329 = tpu.vector_load %arg16[%swap3A_328] {strides = array<i32>} : memref<64xi32, #tpu.memory_space<vmem>>, vector<16xi32>,
          %swap3A_330 = vector.shape_cast %swap3A_329 : vector<16xi32> to vector<16xi32>
          %swap3A_331 = vector.shape_cast %get3A_327 : vector<16xi32> to vector<16xi32>
          tpu.vector_store %arg16[%swap3A_328], %swap3A_331 {strides = array<i32>} : memref<64xi32, #tpu.memory_space<vmem>>, vector<16xi32>,
          %get3A_332 = arith.index_cast %rem3A_315 : i32 to index
          %get3A_333 = arith.constant 16 : index
          %get3A_334 = tpu.vector_load %arg6[%get3A_332, %get3A_333] {strides = array<i32>} : memref<8x128xi32, #tpu.memory_space<vmem>>, vector<1x16xi32>,
          %get3A_335 = vector.shape_cast %get3A_334 : vector<1x16xi32> to vector<16xi32>
          %swap3A_336 = arith.constant 16 : index
          %swap3A_337 = tpu.vector_load %arg15[%swap3A_336] {strides = array<i32>} : memref<64xi32, #tpu.memory_space<vmem>>, vector<16xi32>,
          %swap3A_338 = vector.shape_cast %swap3A_337 : vector<16xi32> to vector<16xi32>
          %swap3A_339 = vector.shape_cast %get3A_335 : vector<16xi32> to vector<16xi32>
          tpu.vector_store %arg15[%swap3A_336], %swap3A_339 {strides = array<i32>} : memref<64xi32, #tpu.memory_space<vmem>>, vector<16xi32>,
          %get3A_340 = arith.index_cast %rem3A_315 : i32 to index
          %get3A_341 = arith.constant 80 : index
          %get3A_342 = tpu.vector_load %arg6[%get3A_340, %get3A_341] {strides = array<i32>} : memref<8x128xi32, #tpu.memory_space<vmem>>, vector<1x16xi32>,
          %get3A_343 = vector.shape_cast %get3A_342 : vector<1x16xi32> to vector<16xi32>
          %swap3A_344 = arith.constant 16 : index
          %swap3A_345 = tpu.vector_load %arg16[%swap3A_344] {strides = array<i32>} : memref<64xi32, #tpu.memory_space<vmem>>, vector<16xi32>,
          %swap3A_346 = vector.shape_cast %swap3A_345 : vector<16xi32> to vector<16xi32>
          %swap3A_347 = vector.shape_cast %get3A_343 : vector<16xi32> to vector<16xi32>
          tpu.vector_store %arg16[%swap3A_344], %swap3A_347 {strides = array<i32>} : memref<64xi32, #tpu.memory_space<vmem>>, vector<16xi32>,
          %get3A_348 = arith.index_cast %rem3A_315 : i32 to index
          %get3A_349 = arith.constant 32 : index
          %get3A_350 = tpu.vector_load %arg6[%get3A_348, %get3A_349] {strides = array<i32>} : memref<8x128xi32, #tpu.memory_space<vmem>>, vector<1x16xi32>,
          %get3A_351 = vector.shape_cast %get3A_350 : vector<1x16xi32> to vector<16xi32>
          %swap3A_352 = arith.constant 32 : index
          %swap3A_353 = tpu.vector_load %arg15[%swap3A_352] {strides = array<i32>} : memref<64xi32, #tpu.memory_space<vmem>>, vector<16xi32>,
          %swap3A_354 = vector.shape_cast %swap3A_353 : vector<16xi32> to vector<16xi32>
          %swap3A_355 = vector.shape_cast %get3A_351 : vector<16xi32> to vector<16xi32>
          tpu.vector_store %arg15[%swap3A_352], %swap3A_355 {strides = array<i32>} : memref<64xi32, #tpu.memory_space<vmem>>, vector<16xi32>,
          %get3A_356 = arith.index_cast %rem3A_315 : i32 to index
          %get3A_357 = arith.constant 96 : index
          %get3A_358 = tpu.vector_load %arg6[%get3A_356, %get3A_357] {strides = array<i32>} : memref<8x128xi32, #tpu.memory_space<vmem>>, vector<1x16xi32>,
          %get3A_359 = vector.shape_cast %get3A_358 : vector<1x16xi32> to vector<16xi32>
          %swap3A_360 = arith.constant 32 : index
          %swap3A_361 = tpu.vector_load %arg16[%swap3A_360] {strides = array<i32>} : memref<64xi32, #tpu.memory_space<vmem>>, vector<16xi32>,
          %swap3A_362 = vector.shape_cast %swap3A_361 : vector<16xi32> to vector<16xi32>
          %swap3A_363 = vector.shape_cast %get3A_359 : vector<16xi32> to vector<16xi32>
          tpu.vector_store %arg16[%swap3A_360], %swap3A_363 {strides = array<i32>} : memref<64xi32, #tpu.memory_space<vmem>>, vector<16xi32>,
          %get3A_364 = arith.index_cast %rem3A_315 : i32 to index
          %get3A_365 = arith.constant 48 : index
          %get3A_366 = tpu.vector_load %arg6[%get3A_364, %get3A_365] {strides = array<i32>} : memref<8x128xi32, #tpu.memory_space<vmem>>, vector<1x16xi32>,
          %get3A_367 = vector.shape_cast %get3A_366 : vector<1x16xi32> to vector<16xi32>
          %swap3A_368 = arith.constant 48 : index
          %swap3A_369 = tpu.vector_load %arg15[%swap3A_368] {strides = array<i32>} : memref<64xi32, #tpu.memory_space<vmem>>, vector<16xi32>,
          %swap3A_370 = vector.shape_cast %swap3A_369 : vector<16xi32> to vector<16xi32>
          %swap3A_371 = vector.shape_cast %get3A_367 : vector<16xi32> to vector<16xi32>
          tpu.vector_store %arg15[%swap3A_368], %swap3A_371 {strides = array<i32>} : memref<64xi32, #tpu.memory_space<vmem>>, vector<16xi32>,
          %get3A_372 = arith.index_cast %rem3A_315 : i32 to index
          %get3A_373 = arith.constant 112 : index
          %get3A_374 = tpu.vector_load %arg6[%get3A_372, %get3A_373] {strides = array<i32>} : memref<8x128xi32, #tpu.memory_space<vmem>>, vector<1x16xi32>,
          %get3A_375 = vector.shape_cast %get3A_374 : vector<1x16xi32> to vector<16xi32>
          %swap3A_376 = arith.constant 48 : index
          %swap3A_377 = tpu.vector_load %arg16[%swap3A_376] {strides = array<i32>} : memref<64xi32, #tpu.memory_space<vmem>>, vector<16xi32>,
          %swap3A_378 = vector.shape_cast %swap3A_377 : vector<16xi32> to vector<16xi32>
          %swap3A_379 = vector.shape_cast %get3A_375 : vector<16xi32> to vector<16xi32>
          tpu.vector_store %arg16[%swap3A_376], %swap3A_379 {strides = array<i32>} : memref<64xi32, #tpu.memory_space<vmem>>, vector<16xi32>,
          %dma_start3A_380 = arith.constant 0 : i32
          %dma_start3A_381 = arith.constant 0 : i32
          %dma_start3A_382 = tpu.memref_slice %arg4[%dma_start3A_380, %dma_start3A_381] : memref<10112x16xf32, #tpu.memory_space<hbm>> -> memref<10112x16xf32, #tpu.memory_space<hbm>>
          tpu.enqueue_indirect_dma source(%dma_start3A_382 : memref<10112x16xf32, #tpu.memory_space<hbm>>) target(%arg18 : memref<64x16xf32, #tpu.memory_space<vmem>>) offsets(%arg16 : memref<64xi32, #tpu.memory_space<vmem>>) semaphore(%arg19 : memref<!tpu.dma_semaphore, #tpu.memory_space<semaphore_mem>>)
          %dma_start3A_383 = arith.constant 0 : i32
          %dma_start3A_384 = arith.constant 0 : i32
          %dma_start3A_385 = tpu.memref_slice %arg3[%dma_start3A_383, %dma_start3A_384] : memref<10112x144xf32, #tpu.memory_space<hbm>> -> memref<10112x144xf32, #tpu.memory_space<hbm>>
          tpu.enqueue_indirect_dma source(%dma_start3A_385 : memref<10112x144xf32, #tpu.memory_space<hbm>>) target(%arg17 : memref<64x144xf32, #tpu.memory_space<vmem>>) offsets(%arg15 : memref<64xi32, #tpu.memory_space<vmem>>) semaphore(%arg20 : memref<!tpu.dma_semaphore, #tpu.memory_space<semaphore_mem>>)
        } else {
        }
        %dma_start3A_297 = arith.constant 0 : i32
        %dma_start3A_298 = arith.constant 0 : i32
        %dma_start3A_299 = tpu.memref_slice %arg7[%dma_start3A_297, %dma_start3A_298] : memref<10112x144xf32, #tpu.memory_space<vmem_shared>> -> memref<10112x144xf32, #tpu.memory_space<vmem_shared>>
        tpu.enqueue_indirect_dma source(%arg24 : memref<64x144xf32, #tpu.memory_space<vmem>>) target(%dma_start3A_299 : memref<10112x144xf32, #tpu.memory_space<vmem_shared>>) offsets(%arg23 : memref<64xi32, #tpu.memory_space<vmem>>) semaphore(%arg28 : memref<!tpu.dma_semaphore, #tpu.memory_space<semaphore_mem>>) {add = true}
      } else {
      }
      %while3A_270 = arith.constant 0 : i32
      scf.yield %while3A_270 : i32
    }
    %dma_wait3A = arith.constant 0 : i32
    %dma_wait3A_238 = arith.constant 0 : i32
    %dma_wait3A_239 = tpu.memref_slice %arg7[%dma_wait3A, %dma_wait3A_238] : memref<10112x144xf32, #tpu.memory_space<vmem_shared>> -> memref<10112x144xf32, #tpu.memory_space<vmem_shared>>
    tpu.wait_indirect_dma semaphore(%arg14 : memref<!tpu.dma_semaphore, #tpu.memory_space<semaphore_mem>>) src(%arg10 : memref<64x144xf32, #tpu.memory_space<vmem>>) dst(%dma_wait3A_239 : memref<10112x144xf32, #tpu.memory_space<vmem_shared>>)
    %dma_wait3A_240 = arith.constant 0 : i32
    %dma_wait3A_241 = arith.constant 0 : i32
    %dma_wait3A_242 = tpu.memref_slice %arg7[%dma_wait3A_240, %dma_wait3A_241] : memref<10112x144xf32, #tpu.memory_space<vmem_shared>> -> memref<10112x144xf32, #tpu.memory_space<vmem_shared>>
    tpu.wait_indirect_dma semaphore(%arg21 : memref<!tpu.dma_semaphore, #tpu.memory_space<semaphore_mem>>) src(%arg17 : memref<64x144xf32, #tpu.memory_space<vmem>>) dst(%dma_wait3A_242 : memref<10112x144xf32, #tpu.memory_space<vmem_shared>>)
    %dma_wait3A_243 = arith.constant 0 : i32
    %dma_wait3A_244 = arith.constant 0 : i32
    %dma_wait3A_245 = tpu.memref_slice %arg7[%dma_wait3A_243, %dma_wait3A_244] : memref<10112x144xf32, #tpu.memory_space<vmem_shared>> -> memref<10112x144xf32, #tpu.memory_space<vmem_shared>>
    tpu.wait_indirect_dma semaphore(%arg28 : memref<!tpu.dma_semaphore, #tpu.memory_space<semaphore_mem>>) src(%arg24 : memref<64x144xf32, #tpu.memory_space<vmem>>) dst(%dma_wait3A_245 : memref<10112x144xf32, #tpu.memory_space<vmem_shared>>)
    %barrier3A_246 = arith.constant 0 : index
    tpu.barrier barrier_id(%barrier3A_246)
    "tpu.region"() ({
      %run_scoped3A = tpu.sem_alloc : memref<!tpu.dma_semaphore, #tpu.memory_space<semaphore_mem>>
      %dma_start3A_247 = arith.constant 0 : i32
      %dma_start3A_248 = tpu.memref_slice %arg5[%arg0, %mul3A_9, %dma_start3A_247] : memref<2x10112x144xf32, #tpu.memory_space<hbm>> -> memref<1x632x144xf32, #tpu.memory_space<hbm>>
      %dma_start3A_249 = tpu.memref_squeeze %dma_start3A_248 : memref<1x632x144xf32, #tpu.memory_space<hbm>> -> memref<632x144xf32, #tpu.memory_space<hbm>>
      %dma_start3A_250 = arith.constant 0 : i32
      %dma_start3A_251 = tpu.memref_slice %arg7[%mul3A_9, %dma_start3A_250] : memref<10112x144xf32, #tpu.memory_space<vmem_shared>> -> memref<632x144xf32, #tpu.memory_space<vmem_shared>>
      tpu.enqueue_dma source(%dma_start3A_251 : memref<632x144xf32, #tpu.memory_space<vmem_shared>>) target(%dma_start3A_249 : memref<632x144xf32, #tpu.memory_space<hbm>>) target_semaphore(%run_scoped3A : memref<!tpu.dma_semaphore, #tpu.memory_space<semaphore_mem>>)
      %dma_wait3A_252 = arith.constant 0 : i32
      %dma_wait3A_253 = tpu.memref_slice %arg5[%arg0, %mul3A_9, %dma_wait3A_252] : memref<2x10112x144xf32, #tpu.memory_space<hbm>> -> memref<1x632x144xf32, #tpu.memory_space<hbm>>
      %dma_wait3A_254 = tpu.memref_squeeze %dma_wait3A_253 : memref<1x632x144xf32, #tpu.memory_space<hbm>> -> memref<632x144xf32, #tpu.memory_space<hbm>>
      %dma_wait3A_255 = arith.constant 0 : i32
      %dma_wait3A_256 = tpu.memref_slice %arg7[%mul3A_9, %dma_wait3A_255] : memref<10112x144xf32, #tpu.memory_space<vmem_shared>> -> memref<632x144xf32, #tpu.memory_space<vmem_shared>>
      tpu.wait_dma2 semaphore(%run_scoped3A : memref<!tpu.dma_semaphore, #tpu.memory_space<semaphore_mem>>) src(%dma_wait3A_256 : memref<632x144xf32, #tpu.memory_space<vmem_shared>>) dst(%dma_wait3A_254 : memref<632x144xf32, #tpu.memory_space<hbm>>)
      tpu.yield
    }) : () -> ()
    return
  }
}

module attributes {stable_mosaic.version = 14 : i64} {
  func.func @_dense_body(%arg0: i32, %arg1: memref<128x128xf32, #tpu.memory_space<vmem>>, %arg2: memref<128x144xf32, #tpu.memory_space<vmem>>, %arg3: memref<128x16xf32, #tpu.memory_space<vmem>>, %arg4: memref<128x144xf32, #tpu.memory_space<vmem>>, %arg5: memref<128x16xf32, #tpu.memory_space<vmem>>) attributes {dimension_semantics = [#tpu.dimension_semantics<arbitrary>], iteration_bounds = array<i64: 79>, scalar_prefetch = 0 : i64, scratch_operands = 0 : i64, tpu.core_type = #tpu.core_type<tc>, window_params = [{transform_indices = @transform_0, window_bounds = array<i64: 128, 128>}, {pipeline_mode = #tpu.pipeline_mode<synchronous>, transform_indices = @transform_1, window_bounds = array<i64: 128, 144>}, {pipeline_mode = #tpu.pipeline_mode<synchronous>, transform_indices = @transform_2, window_bounds = array<i64: 128, 16>}, {transform_indices = @transform_3, window_bounds = array<i64: 128, 144>}, {transform_indices = @transform_4, window_bounds = array<i64: 128, 16>}]} {
    %get3A = arith.constant 0 : index
    %get3A_0 = arith.constant 0 : index
    %get3A_1 = vector.load %arg1[%get3A, %get3A_0] : memref<128x128xf32, #tpu.memory_space<vmem>>, vector<128x128xf32>
    %get3A_2 = arith.constant 0 : index
    %get3A_3 = arith.constant 0 : index
    %get3A_4 = vector.load %arg2[%get3A_2, %get3A_3] : memref<128x144xf32, #tpu.memory_space<vmem>>, vector<128x144xf32>
    %dot_general3A = arith.constant dense<0.000000e+00> : vector<128x144xf32>
    %dot_general3A_5 = tpu.matmul %get3A_1, %get3A_4, %dot_general3A {dimension_numbers = #tpu.dot_dimension_numbers<[1], [0], [0], [1], [0, 0, 1, 1], [], []>, transpose_lhs_hint = false} : vector<128x128xf32>, vector<128x144xf32>, vector<128x144xf32> -> vector<128x144xf32>
    %swap3A = arith.constant 0 : index
    %swap3A_6 = arith.constant 0 : index
    %swap3A_7 = vector.load %arg4[%swap3A, %swap3A_6] : memref<128x144xf32, #tpu.memory_space<vmem>>, vector<128x144xf32>
    tpu.vector_store %arg4[%swap3A, %swap3A_6], %dot_general3A_5 {strides = array<i32>} : memref<128x144xf32, #tpu.memory_space<vmem>>, vector<128x144xf32>,
    %get3A_8 = arith.constant 0 : index
    %get3A_9 = arith.constant 0 : index
    %get3A_10 = vector.load %arg3[%get3A_8, %get3A_9] : memref<128x16xf32, #tpu.memory_space<vmem>>, vector<128x16xf32>
    %dot_general3A_11 = arith.constant dense<0.000000e+00> : vector<128x16xf32>
    %dot_general3A_12 = tpu.matmul %get3A_1, %get3A_10, %dot_general3A_11 {dimension_numbers = #tpu.dot_dimension_numbers<[1], [0], [0], [1], [0, 0, 1, 1], [], []>, transpose_lhs_hint = false} : vector<128x128xf32>, vector<128x16xf32>, vector<128x16xf32> -> vector<128x16xf32>
    %swap3A_13 = arith.constant 0 : index
    %swap3A_14 = arith.constant 0 : index
    %swap3A_15 = vector.load %arg5[%swap3A_13, %swap3A_14] : memref<128x16xf32, #tpu.memory_space<vmem>>, vector<128x16xf32>
    tpu.vector_store %arg5[%swap3A_13, %swap3A_14], %dot_general3A_12 {strides = array<i32>} : memref<128x16xf32, #tpu.memory_space<vmem>>, vector<128x16xf32>,
    return
  }
  func.func @transform_0(%arg0: i32) -> (i32, i32) {
    %c0_i32 = arith.constant 0 : i32
    %c0_i32_0 = arith.constant 0 : i32
    return %arg0, %c0_i32 : i32, i32
  }
  func.func @transform_1(%arg0: i32) -> (i32, i32) {
    %c0_i32 = arith.constant 0 : i32
    %c0_i32_0 = arith.constant 0 : i32
    %c0_i32_1 = arith.constant 0 : i32
    return %c0_i32, %c0_i32_0 : i32, i32
  }
  func.func @transform_2(%arg0: i32) -> (i32, i32) {
    %c0_i32 = arith.constant 0 : i32
    %c0_i32_0 = arith.constant 0 : i32
    %c0_i32_1 = arith.constant 0 : i32
    return %c0_i32, %c0_i32_0 : i32, i32
  }
  func.func @transform_3(%arg0: i32) -> (i32, i32) {
    %c0_i32 = arith.constant 0 : i32
    %c0_i32_0 = arith.constant 0 : i32
    return %arg0, %c0_i32 : i32, i32
  }
  func.func @transform_4(%arg0: i32) -> (i32, i32) {
    %c0_i32 = arith.constant 0 : i32
    %c0_i32_0 = arith.constant 0 : i32
    return %arg0, %c0_i32 : i32, i32
  }
}

module attributes {stable_mosaic.version = 14 : i64} {
  func.func @_mid_body(%arg0: i32, %arg1: memref<2x128x144xf32, #tpu.memory_space<vmem>>, %arg2: memref<1x128xf32, #tpu.memory_space<vmem>>, %arg3: memref<16x128xf32, #tpu.memory_space<vmem>>, %arg4: memref<128x144xf32, #tpu.memory_space<vmem>>, %arg5: memref<128x16xf32, #tpu.memory_space<vmem>>, %arg6: memref<128x144xf32, #tpu.memory_space<vmem>>, %arg7: memref<128x16xf32, #tpu.memory_space<vmem>>) attributes {dimension_semantics = [#tpu.dimension_semantics<arbitrary>], iteration_bounds = array<i64: 79>, scalar_prefetch = 0 : i64, scratch_operands = 0 : i64, tpu.core_type = #tpu.core_type<tc>, window_params = [{transform_indices = @transform_0, window_bounds = array<i64: 2, 128, 144>}, {pipeline_mode = #tpu.pipeline_mode<synchronous>, transform_indices = @transform_1, window_bounds = array<i64: 1, 128>}, {pipeline_mode = #tpu.pipeline_mode<synchronous>, transform_indices = @transform_2, window_bounds = array<i64: 16, 128>}, {pipeline_mode = #tpu.pipeline_mode<synchronous>, transform_indices = @transform_3, window_bounds = array<i64: 128, 144>}, {pipeline_mode = #tpu.pipeline_mode<synchronous>, transform_indices = @transform_4, window_bounds = array<i64: 128, 16>}, {transform_indices = @transform_5, window_bounds = array<i64: 128, 144>}, {transform_indices = @transform_6, window_bounds = array<i64: 128, 16>}]} {
    %get3A = arith.constant 0 : index
    %get3A_0 = arith.constant 0 : index
    %get3A_1 = arith.constant 0 : index
    %get3A_2 = vector.load %arg1[%get3A, %get3A_0, %get3A_1] : memref<2x128x144xf32, #tpu.memory_space<vmem>>, vector<1x128x128xf32>
    %get3A_3 = vector.shape_cast %get3A_2 : vector<1x128x128xf32> to vector<128x128xf32>
    %get3A_4 = arith.constant 1 : index
    %get3A_5 = arith.constant 0 : index
    %get3A_6 = arith.constant 0 : index
    %get3A_7 = vector.load %arg1[%get3A_4, %get3A_5, %get3A_6] : memref<2x128x144xf32, #tpu.memory_space<vmem>>, vector<1x128x128xf32>
    %get3A_8 = vector.shape_cast %get3A_7 : vector<1x128x128xf32> to vector<128x128xf32>
    %add3A = arith.addf %get3A_3, %get3A_8 : vector<128x128xf32>
    %get3A_9 = arith.constant 0 : index
    %get3A_10 = arith.constant 0 : index
    %get3A_11 = arith.constant 128 : index
    %get3A_12 = vector.load %arg1[%get3A_9, %get3A_10, %get3A_11] : memref<2x128x144xf32, #tpu.memory_space<vmem>>, vector<1x128x16xf32>
    %get3A_13 = vector.shape_cast %get3A_12 : vector<1x128x16xf32> to vector<128x16xf32>
    %get3A_14 = arith.constant 1 : index
    %get3A_15 = arith.constant 0 : index
    %get3A_16 = arith.constant 128 : index
    %get3A_17 = vector.load %arg1[%get3A_14, %get3A_15, %get3A_16] : memref<2x128x144xf32, #tpu.memory_space<vmem>>, vector<1x128x16xf32>
    %get3A_18 = vector.shape_cast %get3A_17 : vector<1x128x16xf32> to vector<128x16xf32>
    %add3A_19 = arith.addf %get3A_13, %get3A_18 : vector<128x16xf32>
    %get3A_20 = arith.constant 0 : index
    %get3A_21 = arith.constant 0 : index
    %get3A_22 = vector.load %arg3[%get3A_20, %get3A_21] : memref<16x128xf32, #tpu.memory_space<vmem>>, vector<16x128xf32>
    %dot_general3A = arith.constant dense<0.000000e+00> : vector<128x128xf32>
    %dot_general3A_23 = tpu.matmul %add3A_19, %get3A_22, %dot_general3A {dimension_numbers = #tpu.dot_dimension_numbers<[1], [0], [0], [1], [0, 0, 1, 1], [], []>, transpose_lhs_hint = false} : vector<128x16xf32>, vector<16x128xf32>, vector<128x128xf32> -> vector<128x128xf32>
    %add3A_24 = arith.constant 1.000000e-16 : f32
    %add3A_25 = vector.broadcast %add3A_24 : f32 to vector<128x128xf32>
    %add3A_26 = arith.addf %dot_general3A_23, %add3A_25 : vector<128x128xf32>
    %div3A = arith.divf %add3A, %add3A_26 : vector<128x128xf32>
    %get3A_27 = arith.constant 0 : index
    %get3A_28 = arith.constant 0 : index
    %get3A_29 = vector.load %arg2[%get3A_27, %get3A_28] : memref<1x128xf32, #tpu.memory_space<vmem>>, vector<1x128xf32>
    %add3A_30 = vector.broadcast %get3A_29 : vector<1x128xf32> to vector<128x128xf32>
    %add3A_31 = arith.addf %div3A, %add3A_30 : vector<128x128xf32>
    %max3A = arith.constant 0.000000e+00 : f32
    %max3A_32 = vector.broadcast %max3A : f32 to vector<128x128xf32>
    %max3A_33 = arith.maximumf %add3A_31, %max3A_32 : vector<128x128xf32>
    %get3A_34 = arith.constant 0 : index
    %get3A_35 = arith.constant 0 : index
    %get3A_36 = vector.load %arg4[%get3A_34, %get3A_35] : memref<128x144xf32, #tpu.memory_space<vmem>>, vector<128x144xf32>
    %dot_general3A_37 = arith.constant dense<0.000000e+00> : vector<128x144xf32>
    %dot_general3A_38 = tpu.matmul %max3A_33, %get3A_36, %dot_general3A_37 {dimension_numbers = #tpu.dot_dimension_numbers<[1], [0], [0], [1], [0, 0, 1, 1], [], []>, transpose_lhs_hint = false} : vector<128x128xf32>, vector<128x144xf32>, vector<128x144xf32> -> vector<128x144xf32>
    %swap3A = arith.constant 0 : index
    %swap3A_39 = arith.constant 0 : index
    %swap3A_40 = vector.load %arg6[%swap3A, %swap3A_39] : memref<128x144xf32, #tpu.memory_space<vmem>>, vector<128x144xf32>
    tpu.vector_store %arg6[%swap3A, %swap3A_39], %dot_general3A_38 {strides = array<i32>} : memref<128x144xf32, #tpu.memory_space<vmem>>, vector<128x144xf32>,
    %get3A_41 = arith.constant 0 : index
    %get3A_42 = arith.constant 0 : index
    %get3A_43 = vector.load %arg5[%get3A_41, %get3A_42] : memref<128x16xf32, #tpu.memory_space<vmem>>, vector<128x16xf32>
    %dot_general3A_44 = arith.constant dense<0.000000e+00> : vector<128x16xf32>
    %dot_general3A_45 = tpu.matmul %max3A_33, %get3A_43, %dot_general3A_44 {dimension_numbers = #tpu.dot_dimension_numbers<[1], [0], [0], [1], [0, 0, 1, 1], [], []>, transpose_lhs_hint = false} : vector<128x128xf32>, vector<128x16xf32>, vector<128x16xf32> -> vector<128x16xf32>
    %swap3A_46 = arith.constant 0 : index
    %swap3A_47 = arith.constant 0 : index
    %swap3A_48 = vector.load %arg7[%swap3A_46, %swap3A_47] : memref<128x16xf32, #tpu.memory_space<vmem>>, vector<128x16xf32>
    tpu.vector_store %arg7[%swap3A_46, %swap3A_47], %dot_general3A_45 {strides = array<i32>} : memref<128x16xf32, #tpu.memory_space<vmem>>, vector<128x16xf32>,
    return
  }
  func.func @transform_0(%arg0: i32) -> (i32, i32, i32) {
    %c0_i32 = arith.constant 0 : i32
    %c0_i32_0 = arith.constant 0 : i32
    %c0_i32_1 = arith.constant 0 : i32
    return %c0_i32, %arg0, %c0_i32_0 : i32, i32, i32
  }
  func.func @transform_1(%arg0: i32) -> (i32, i32) {
    %c0_i32 = arith.constant 0 : i32
    %c0_i32_0 = arith.constant 0 : i32
    %c0_i32_1 = arith.constant 0 : i32
    return %c0_i32, %c0_i32_0 : i32, i32
  }
  func.func @transform_2(%arg0: i32) -> (i32, i32) {
    %c0_i32 = arith.constant 0 : i32
    %c0_i32_0 = arith.constant 0 : i32
    %c0_i32_1 = arith.constant 0 : i32
    return %c0_i32, %c0_i32_0 : i32, i32
  }
  func.func @transform_3(%arg0: i32) -> (i32, i32) {
    %c0_i32 = arith.constant 0 : i32
    %c0_i32_0 = arith.constant 0 : i32
    %c0_i32_1 = arith.constant 0 : i32
    return %c0_i32, %c0_i32_0 : i32, i32
  }
  func.func @transform_4(%arg0: i32) -> (i32, i32) {
    %c0_i32 = arith.constant 0 : i32
    %c0_i32_0 = arith.constant 0 : i32
    %c0_i32_1 = arith.constant 0 : i32
    return %c0_i32, %c0_i32_0 : i32, i32
  }
  func.func @transform_5(%arg0: i32) -> (i32, i32) {
    %c0_i32 = arith.constant 0 : i32
    %c0_i32_0 = arith.constant 0 : i32
    return %arg0, %c0_i32 : i32, i32
  }
  func.func @transform_6(%arg0: i32) -> (i32, i32) {
    %c0_i32 = arith.constant 0 : i32
    %c0_i32_0 = arith.constant 0 : i32
    return %arg0, %c0_i32 : i32, i32
  }
}

module attributes {stable_mosaic.version = 14 : i64} {
  func.func @_pool_body(%arg0: i32, %arg1: memref<2x128x144xf32, #tpu.memory_space<vmem>>, %arg2: memref<1x128xf32, #tpu.memory_space<vmem>>, %arg3: memref<16x128xf32, #tpu.memory_space<vmem>>, %arg4: memref<1x1x128xi32, #tpu.memory_space<vmem>>, %arg5: memref<1x128xf32, #tpu.memory_space<vmem>>, %arg6: memref<1x1xf32, #tpu.memory_space<vmem>>, %arg7: memref<64x1xf32, #tpu.memory_space<vmem>>, %arg8: memref<64x128xf32, #tpu.memory_space<vmem>>, %arg9: memref<64x1xf32, #tpu.memory_space<vmem>>) attributes {dimension_semantics = [#tpu.dimension_semantics<arbitrary>], iteration_bounds = array<i64: 79>, scalar_prefetch = 0 : i64, scratch_operands = 2 : i64, tpu.core_type = #tpu.core_type<tc>, window_params = [{transform_indices = @transform_0, window_bounds = array<i64: 2, 128, 144>}, {pipeline_mode = #tpu.pipeline_mode<synchronous>, transform_indices = @transform_1, window_bounds = array<i64: 1, 128>}, {pipeline_mode = #tpu.pipeline_mode<synchronous>, transform_indices = @transform_2, window_bounds = array<i64: 16, 128>}, {transform_indices = @transform_3, window_bounds = array<i64: 1, 1, 128>}, {pipeline_mode = #tpu.pipeline_mode<synchronous>, transform_indices = @transform_4, window_bounds = array<i64: 1, 128>}, {pipeline_mode = #tpu.pipeline_mode<synchronous>, transform_indices = @transform_5, window_bounds = array<i64: 1, 1>}, {pipeline_mode = #tpu.pipeline_mode<synchronous>, transform_indices = @transform_6, window_bounds = array<i64: 64, 1>}]} {
    %eq3A = arith.constant 0 : i32
    %eq3A_0 = arith.cmpi eq, %arg0, %eq3A : i32
    %convert_element_type3A = arith.extui %eq3A_0 : i1 to i32
    %cond3A = arith.constant 0 : i32
    %cond3A_1 = arith.cmpi ne, %convert_element_type3A, %cond3A : i32
    scf.if %cond3A_1 {
      %broadcast_in_dim3A_64 = arith.constant 0.000000e+00 : f32
      %broadcast_in_dim3A_65 = vector.broadcast %broadcast_in_dim3A_64 : f32 to vector<64x128xf32>
      %swap3A_66 = arith.constant 0 : index
      %swap3A_67 = arith.constant 0 : index
      %swap3A_68 = vector.load %arg8[%swap3A_66, %swap3A_67] : memref<64x128xf32, #tpu.memory_space<vmem>>, vector<64x128xf32>
      tpu.vector_store %arg8[%swap3A_66, %swap3A_67], %broadcast_in_dim3A_65 {strides = array<i32>} : memref<64x128xf32, #tpu.memory_space<vmem>>, vector<64x128xf32>,
      %broadcast_in_dim3A_69 = arith.constant 0.000000e+00 : f32
      %broadcast_in_dim3A_70 = vector.broadcast %broadcast_in_dim3A_69 : f32 to vector<64x1xf32>
      %swap3A_71 = arith.constant 0 : index
      %swap3A_72 = arith.constant 0 : index
      %swap3A_73 = vector.load %arg9[%swap3A_71, %swap3A_72] : memref<64x1xf32, #tpu.memory_space<vmem>>, vector<64x1xf32>
      tpu.vector_store %arg9[%swap3A_71, %swap3A_72], %broadcast_in_dim3A_70 {strides = array<i32>} : memref<64x1xf32, #tpu.memory_space<vmem>>, vector<64x1xf32>,
    } else {
    }
    %get3A = arith.constant 0 : index
    %get3A_2 = arith.constant 0 : index
    %get3A_3 = arith.constant 0 : index
    %get3A_4 = vector.load %arg1[%get3A, %get3A_2, %get3A_3] : memref<2x128x144xf32, #tpu.memory_space<vmem>>, vector<1x128x128xf32>
    %get3A_5 = vector.shape_cast %get3A_4 : vector<1x128x128xf32> to vector<128x128xf32>
    %get3A_6 = arith.constant 1 : index
    %get3A_7 = arith.constant 0 : index
    %get3A_8 = arith.constant 0 : index
    %get3A_9 = vector.load %arg1[%get3A_6, %get3A_7, %get3A_8] : memref<2x128x144xf32, #tpu.memory_space<vmem>>, vector<1x128x128xf32>
    %get3A_10 = vector.shape_cast %get3A_9 : vector<1x128x128xf32> to vector<128x128xf32>
    %add3A = arith.addf %get3A_5, %get3A_10 : vector<128x128xf32>
    %get3A_11 = arith.constant 0 : index
    %get3A_12 = arith.constant 0 : index
    %get3A_13 = arith.constant 128 : index
    %get3A_14 = vector.load %arg1[%get3A_11, %get3A_12, %get3A_13] : memref<2x128x144xf32, #tpu.memory_space<vmem>>, vector<1x128x16xf32>
    %get3A_15 = vector.shape_cast %get3A_14 : vector<1x128x16xf32> to vector<128x16xf32>
    %get3A_16 = arith.constant 1 : index
    %get3A_17 = arith.constant 0 : index
    %get3A_18 = arith.constant 128 : index
    %get3A_19 = vector.load %arg1[%get3A_16, %get3A_17, %get3A_18] : memref<2x128x144xf32, #tpu.memory_space<vmem>>, vector<1x128x16xf32>
    %get3A_20 = vector.shape_cast %get3A_19 : vector<1x128x16xf32> to vector<128x16xf32>
    %add3A_21 = arith.addf %get3A_15, %get3A_20 : vector<128x16xf32>
    %get3A_22 = arith.constant 0 : index
    %get3A_23 = arith.constant 0 : index
    %get3A_24 = vector.load %arg3[%get3A_22, %get3A_23] : memref<16x128xf32, #tpu.memory_space<vmem>>, vector<16x128xf32>
    %dot_general3A = arith.constant dense<0.000000e+00> : vector<128x128xf32>
    %dot_general3A_25 = tpu.matmul %add3A_21, %get3A_24, %dot_general3A {dimension_numbers = #tpu.dot_dimension_numbers<[1], [0], [0], [1], [0, 0, 1, 1], [], []>, transpose_lhs_hint = false} : vector<128x16xf32>, vector<16x128xf32>, vector<128x128xf32> -> vector<128x128xf32>
    %add3A_26 = arith.constant 1.000000e-16 : f32
    %add3A_27 = vector.broadcast %add3A_26 : f32 to vector<128x128xf32>
    %add3A_28 = arith.addf %dot_general3A_25, %add3A_27 : vector<128x128xf32>
    %div3A = arith.divf %add3A, %add3A_28 : vector<128x128xf32>
    %get3A_29 = arith.constant 0 : index
    %get3A_30 = arith.constant 0 : index
    %get3A_31 = vector.load %arg2[%get3A_29, %get3A_30] : memref<1x128xf32, #tpu.memory_space<vmem>>, vector<1x128xf32>
    %add3A_32 = vector.broadcast %get3A_31 : vector<1x128xf32> to vector<128x128xf32>
    %add3A_33 = arith.addf %div3A, %add3A_32 : vector<128x128xf32>
    %get3A_34 = arith.constant 0 : index
    %get3A_35 = arith.constant 0 : index
    %get3A_36 = arith.constant 0 : index
    %get3A_37 = vector.load %arg4[%get3A_34, %get3A_35, %get3A_36] : memref<1x1x128xi32, #tpu.memory_space<vmem>>, vector<1x1x128xi32>
    %get3A_38 = vector.shape_cast %get3A_37 : vector<1x1x128xi32> to vector<1x128xi32>
    %iota3A = tpu.iota {dimensions = array<i32: 0>} : vector<64x128xi32>
    %eq3A_39 = vector.broadcast %get3A_38 : vector<1x128xi32> to vector<64x128xi32>
    %eq3A_40 = arith.cmpi eq, %eq3A_39, %iota3A : vector<64x128xi32>
    %convert_element_type3A_41 = arith.extui %eq3A_40 : vector<64x128xi1> to vector<64x128xi32>
    %convert_element_type3A_42 = arith.sitofp %convert_element_type3A_41 : vector<64x128xi32> to vector<64x128xf32>
    %get3A_43 = arith.constant 0 : index
    %get3A_44 = arith.constant 0 : index
    %get3A_45 = vector.load %arg8[%get3A_43, %get3A_44] : memref<64x128xf32, #tpu.memory_space<vmem>>, vector<64x128xf32>
    %dot_general3A_46 = arith.constant dense<0.000000e+00> : vector<64x128xf32>
    %dot_general3A_47 = tpu.matmul %convert_element_type3A_42, %add3A_33, %dot_general3A_46 {dimension_numbers = #tpu.dot_dimension_numbers<[1], [0], [0], [1], [0, 0, 1, 1], [], []>, transpose_lhs_hint = false} : vector<64x128xf32>, vector<128x128xf32>, vector<64x128xf32> -> vector<64x128xf32>
    %add3A_48 = arith.addf %get3A_45, %dot_general3A_47 : vector<64x128xf32>
    %swap3A = arith.constant 0 : index
    %swap3A_49 = arith.constant 0 : index
    %swap3A_50 = vector.load %arg8[%swap3A, %swap3A_49] : memref<64x128xf32, #tpu.memory_space<vmem>>, vector<64x128xf32>
    tpu.vector_store %arg8[%swap3A, %swap3A_49], %add3A_48 {strides = array<i32>} : memref<64x128xf32, #tpu.memory_space<vmem>>, vector<64x128xf32>,
    %get3A_51 = arith.constant 0 : index
    %get3A_52 = arith.constant 0 : index
    %get3A_53 = vector.load %arg9[%get3A_51, %get3A_52] : memref<64x1xf32, #tpu.memory_space<vmem>>, vector<64x1xf32>
    %reduce_sum3A = arith.constant dense<0.000000e+00> : vector<64xf32>
    %reduce_sum3A_54 = vector.multi_reduction <add>, %convert_element_type3A_42, %reduce_sum3A [1] : vector<64x128xf32> to vector<64xf32>
    %broadcast_in_dim3A = vector.shape_cast %reduce_sum3A_54 : vector<64xf32> to vector<64x1xf32>
    %add3A_55 = arith.addf %get3A_53, %broadcast_in_dim3A : vector<64x1xf32>
    %swap3A_56 = arith.constant 0 : index
    %swap3A_57 = arith.constant 0 : index
    %swap3A_58 = vector.load %arg9[%swap3A_56, %swap3A_57] : memref<64x1xf32, #tpu.memory_space<vmem>>, vector<64x1xf32>
    tpu.vector_store %arg9[%swap3A_56, %swap3A_57], %add3A_55 {strides = array<i32>} : memref<64x1xf32, #tpu.memory_space<vmem>>, vector<64x1xf32>,
    %eq3A_59 = arith.constant 78 : i32
    %eq3A_60 = arith.cmpi eq, %arg0, %eq3A_59 : i32
    %convert_element_type3A_61 = arith.extui %eq3A_60 : i1 to i32
    %cond3A_62 = arith.constant 0 : i32
    %cond3A_63 = arith.cmpi ne, %convert_element_type3A_61, %cond3A_62 : i32
    scf.if %cond3A_63 {
      %get3A_64 = arith.constant 0 : index
      %get3A_65 = arith.constant 0 : index
      %get3A_66 = vector.load %arg8[%get3A_64, %get3A_65] : memref<64x128xf32, #tpu.memory_space<vmem>>, vector<64x128xf32>
      %get3A_67 = arith.constant 0 : index
      %get3A_68 = arith.constant 0 : index
      %get3A_69 = vector.load %arg9[%get3A_67, %get3A_68] : memref<64x1xf32, #tpu.memory_space<vmem>>, vector<64x1xf32>
      %max3A = arith.constant 1.000000e+00 : f32
      %max3A_70 = vector.broadcast %max3A : f32 to vector<64x1xf32>
      %max3A_71 = arith.maximumf %get3A_69, %max3A_70 : vector<64x1xf32>
      %div3A_72 = vector.broadcast %max3A_71 : vector<64x1xf32> to vector<64x128xf32>
      %div3A_73 = arith.divf %get3A_66, %div3A_72 : vector<64x128xf32>
      %get3A_74 = arith.constant 0 : index
      %get3A_75 = arith.constant 0 : index
      %get3A_76 = vector.load %arg5[%get3A_74, %get3A_75] : memref<1x128xf32, #tpu.memory_space<vmem>>, vector<1x128xf32>
      %mul3A = vector.broadcast %get3A_76 : vector<1x128xf32> to vector<64x128xf32>
      %mul3A_77 = arith.mulf %div3A_73, %mul3A : vector<64x128xf32>
      %reduce_sum3A_78 = arith.constant dense<0.000000e+00> : vector<64xf32>
      %reduce_sum3A_79 = vector.multi_reduction <add>, %mul3A_77, %reduce_sum3A_78 [1] : vector<64x128xf32> to vector<64xf32>
      %broadcast_in_dim3A_80 = vector.shape_cast %reduce_sum3A_79 : vector<64xf32> to vector<64x1xf32>
      %get3A_81 = arith.constant 0 : index
      %get3A_82 = arith.constant 0 : index
      %get3A_83 = vector.load %arg6[%get3A_81, %get3A_82] : memref<1x1xf32, #tpu.memory_space<vmem>>, vector<1x1xf32>
      %get3A_84 = vector.extract %get3A_83[0, 0] : f32 from vector<1x1xf32>
      %add3A_85 = vector.broadcast %get3A_84 : f32 to vector<64x1xf32>
      %add3A_86 = arith.addf %broadcast_in_dim3A_80, %add3A_85 : vector<64x1xf32>
      %swap3A_87 = arith.constant 0 : index
      %swap3A_88 = arith.constant 0 : index
      %swap3A_89 = vector.load %arg7[%swap3A_87, %swap3A_88] : memref<64x1xf32, #tpu.memory_space<vmem>>, vector<64x1xf32>
      tpu.vector_store %arg7[%swap3A_87, %swap3A_88], %add3A_86 {strides = array<i32>} : memref<64x1xf32, #tpu.memory_space<vmem>>, vector<64x1xf32>,
    } else {
    }
    return
  }
  func.func @transform_0(%arg0: i32) -> (i32, i32, i32) {
    %c0_i32 = arith.constant 0 : i32
    %c0_i32_0 = arith.constant 0 : i32
    %c0_i32_1 = arith.constant 0 : i32
    return %c0_i32, %arg0, %c0_i32_0 : i32, i32, i32
  }
  func.func @transform_1(%arg0: i32) -> (i32, i32) {
    %c0_i32 = arith.constant 0 : i32
    %c0_i32_0 = arith.constant 0 : i32
    %c0_i32_1 = arith.constant 0 : i32
    return %c0_i32, %c0_i32_0 : i32, i32
  }
  func.func @transform_2(%arg0: i32) -> (i32, i32) {
    %c0_i32 = arith.constant 0 : i32
    %c0_i32_0 = arith.constant 0 : i32
    %c0_i32_1 = arith.constant 0 : i32
    return %c0_i32, %c0_i32_0 : i32, i32
  }
  func.func @transform_3(%arg0: i32) -> (i32, i32, i32) {
    %c0_i32 = arith.constant 0 : i32
    %c0_i32_0 = arith.constant 0 : i32
    %c0_i32_1 = arith.constant 0 : i32
    return %arg0, %c0_i32, %c0_i32_0 : i32, i32, i32
  }
  func.func @transform_4(%arg0: i32) -> (i32, i32) {
    %c0_i32 = arith.constant 0 : i32
    %c0_i32_0 = arith.constant 0 : i32
    %c0_i32_1 = arith.constant 0 : i32
    return %c0_i32, %c0_i32_0 : i32, i32
  }
  func.func @transform_5(%arg0: i32) -> (i32, i32) {
    %c0_i32 = arith.constant 0 : i32
    %c0_i32_0 = arith.constant 0 : i32
    %c0_i32_1 = arith.constant 0 : i32
    return %c0_i32, %c0_i32_0 : i32, i32
  }
  func.func @transform_6(%arg0: i32) -> (i32, i32) {
    %c0_i32 = arith.constant 0 : i32
    %c0_i32_0 = arith.constant 0 : i32
    %c0_i32_1 = arith.constant 0 : i32
    return %c0_i32, %c0_i32_0 : i32, i32
  }
}

</mosaic_0001>

<sc_bundles>
// kernel: closed_call.6.cloned.1.call-start
scs
__scs_entry_jumppad:
0x0: {  	(pc) =	sbr.rel $0x88, $3  }
0x1: {  	(tag) =	ssettag $0x0;
	lr =	simm.s32 $0x1  }
0x2: {  	[smem:$0x3F90] =	sst lr;
	_ =	strace $0xD0000000  }
0x3: {  	_ = 	snop  }
0x4: {  	_ = 	snop  }
0x5: {  	_ = 	snop  }
0x6: {  	_ = 	snop  }
0x7: {  	_ = 	snop  }
__scs_overlays_trampoline_lowered:
0x8: {  	[smem:$0x3F9F] =	sst s0  }
0x9: {  	[smem:$0x3FA0] =	sst s1  }
0xa: {  	[smem:$0x3FA1] =	sst s2  }
0xb: {  	[smem:$0x3FA2] =	sst s3  }
0xc: {  	[smem:$0x3FA3] =	sst s4  }
0xd: {  	[smem:$0x3FA4] =	sst s5  }
0xe: {  	[smem:$0x3FA5] =	sst s6  }
0xf: {  	[smem:$0x3FA6] =	sst s7  }
0x10: {  	[smem:$0x3FA7] =	sst s8  }
0x11: {  	[smem:$0x3FA8] =	sst s9;
	s0 =	simm.s32 @!p0 $0x0  }
0x12: {  	s1 =	sld [smem:$0x3F8E];
	s0 =	simm.s32 @p0 $0x1  }
0x13: {  	[smem:$0x3FA9] =	sst s0;
	s0 =	simm.s32 @!p1 $0x0  }
0x14: {  	s2 =	sld [smem:$0x3F8D];
	s0 =	simm.s32 @p1 $0x1  }
0x15: {  	[smem:$0x3FAA] =	sst s0;
	s0 =	simm.s32 @!p2 $0x0  }
0x16: {  	s3 =	sld [smem:$0x3FDB];
	s0 =	simm.s32 @p2 $0x1  }
0x17: {  	s4 =	simm.s32 $0x1BF5;
	[smem:$0x3FAC] =	sst s0  }
0x18: {  	s0 =	sld [smem:$0x3F8F];
	_ =	swait.ge [sflag:s4], $0x0  }
0x19: {  	s7 =	sld [smem:$0x3F90]  }
0x1a: {  	s8 =	sadd.s32 $0xFFFFE003, lr  }
0x1b: {  	s9 =	sadd.s32 $0xFFFFFEF7, lr;
	s5 =	simm.s32 $0xFFFFFFFF;
	p2 =	slt.u32 s8, $0xFFFFF086  }
0x1c: {  	p1 =	slt.u32 s9, $0xF7A;
	s5 =	simm.s32 @!p2 $0x0  }
0x1d: {  	s5 =	simm.s32 @p1 $0x1;
	p0 =	seq.s32 s7, s2  }
0x1e: {  	s7 =	smul.u32 @!p0 $0xF7A, s2;
	p2 =	seq.s32 @!p0 s5, $0x0  }
0x1f: {  	s9 =	smul.u32 $0xF7A, s1;
	s8 =	simm.s32 @!p0 $0x1BF5;
	p2 =	por !p2, p0  }
0x20: {  	[sflag:s8] =	ssyncset.s32 @!p0 $0xFFFFF086;
	s6 =	sadd.s32 @!p0 s3, s7;
	s7 =	simm.s32 @!p0 $0x108  }
0x21: {  	s3 =	sadd.s32 s3, s9;
	s6 =	sadd.s32 @!p0 $0x88, s6;
	s7 =	simm.s32 @p2 $0x1082  }
0x22: {  	[simem:s7], [sflag:s8] =	dma.local @!p0 [hbm:s6], $0xF7A  }
0x23: {  	s9 =	sor.u32 $0xD0000000, s2;
	s6 =	simm.s32 $0x108;
	_ =	swait.ge @!p0 [sflag:s8], $0x0  }
0x24: {  	s3 =	sadd.s32 $0x88, s3;
	s6 =	simm.s32 @!p1 $0x1082;
	[sflag:s4] =	ssyncset.s32 $0xFFFFF086  }
0x25: {  	[simem:s6], [sflag:s4] =	dma.local [hbm:s3], $0xF7A  }
0x26: {  	[smem:$0x3F90] =	sst s1;
	(tag) =	ssettag s2;
	_ =	strace s9  }
0x27: {  	s1 =	sld [smem:$0x3FA0]  }
0x28: {  	s2 =	sld [smem:$0x3FA1]  }
0x29: {  	s4 =	sld [smem:$0x3FA3]  }
0x2a: {  	p0 =	seq.s32 s5, $0x0;
	s5 =	sld [smem:$0x3FA4]  }
0x2b: {  	s6 =	sld [smem:$0x3FA5]  }
0x2c: {  	s7 =	sld [smem:$0x3FA6]  }
0x2d: {  	s3 =	simm.s32 $0x108;
	s8 =	sld [smem:$0x3FA7]  }
0x2e: {  	s3 =	simm.s32 @!p0 $0x1082;
	s9 =	sld [smem:$0x3FA8]  }
0x2f: {  	lr =	sadd.s32 s0, s3;
	s0 =	sld [smem:$0x3F9F]  }
0x30: {  	s3 =	sld [smem:$0x3FA2]  }
0x31: {  	[smem:$0x3FAB] =	sst s10  }
0x32: {  	s10 =	sld [smem:$0x3FA9];
	_ =	sdelay $0x3  }
0x33: {  	p0 =	seq.s32 s10, $0x1;
	s10 =	sld [smem:$0x3FAB];
	_ =	sdelay $0x3  }
0x34: {  	[smem:$0x3FAB] =	sst s10  }
0x35: {  	s10 =	sld [smem:$0x3FAA];
	_ =	sdelay $0x3  }
0x36: {  	p1 =	seq.s32 s10, $0x1;
	s10 =	sld [smem:$0x3FAB];
	_ =	sdelay $0x3  }
0x37: {  	[smem:$0x3FAB] =	sst s10  }
0x38: {  	s10 =	sld [smem:$0x3FAC]  }
0x39: {  	_ = 	snop;
	(pc) =	sbr.ind lr, $3  }
0x3a: {  	_ = 	snop  }
0x3b: {  	_ = 	snop  }
0x3c: {  	p2 =	seq.s32 s10, $0x1;
	s10 =	sld [smem:$0x3FAB]  }
0x3d: {  	_ =	shalt  }
0x3e: {  	_ =	shalt  }
0x3f: {  	_ =	shalt  }
0x40: {  	_ =	shalt  }
0x41: {  	_ =	shalt  }
0x42: {  	_ =	shalt  }
0x43: {  	_ =	shalt  }
0x44: {  	_ =	shalt  }
0x45: {  	_ =	shalt  }
0x46: {  	_ =	shalt  }
0x47: {  	_ =	shalt  }
0x48: {  	_ =	shalt  }
0x49: {  	_ =	shalt  }
0x4a: {  	_ =	shalt  }
0x4b: {  	_ =	shalt  }
0x4c: {  	_ =	shalt  }
0x4d: {  	_ =	shalt  }
0x4e: {  	_ =	shalt  }
0x4f: {  	_ =	shalt  }
0x50: {  	_ =	shalt  }
0x51: {  	_ =	shalt  }
0x52: {  	_ =	shalt  }
0x53: {  	_ =	shalt  }
0x54: {  	_ =	shalt  }
0x55: {  	_ =	shalt  }
0x56: {  	_ =	shalt  }
0x57: {  	_ =	shalt  }
0x58: {  	_ =	shalt  }
0x59: {  	_ =	shalt  }
0x5a: {  	_ =	shalt  }
0x5b: {  	_ =	shalt  }
0x5c: {  	_ =	shalt  }
0x5d: {  	_ =	shalt  }
0x5e: {  	_ =	shalt  }
0x5f: {  	_ =	shalt  }
0x60: {  	_ =	shalt  }
0x61: {  	_ =	shalt  }
0x62: {  	_ =	shalt  }
0x63: {  	_ =	shalt  }
0x64: {  	_ =	shalt  }
0x65: {  	_ =	shalt  }
0x66: {  	_ =	shalt  }
0x67: {  	_ =	shalt  }
0x68: {  	_ =	shalt  }
0x69: {  	_ =	shalt  }
0x6a: {  	_ =	shalt  }
0x6b: {  	_ =	shalt  }
0x6c: {  	_ =	shalt  }
0x6d: {  	_ =	shalt  }
0x6e: {  	_ =	shalt  }
0x6f: {  	_ =	shalt  }
0x70: {  	_ =	shalt  }
0x71: {  	_ =	shalt  }
0x72: {  	_ =	shalt  }
0x73: {  	_ =	shalt  }
0x74: {  	_ =	shalt  }
0x75: {  	_ =	shalt  }
0x76: {  	_ =	shalt  }
0x77: {  	_ =	shalt  }
0x78: {  	_ =	shalt  }
0x79: {  	_ =	shalt  }
0x7a: {  	_ =	shalt  }
0x7b: {  	_ =	shalt  }
0x7c: {  	_ =	shalt  }
0x7d: {  	_ =	shalt  }
0x7e: {  	_ =	shalt  }
0x7f: {  	_ =	shalt  }
0x80: {  	_ =	shalt  }
0x81: {  	_ =	shalt  }
0x82: {  	_ =	shalt  }
0x83: {  	_ =	shalt  }
0x84: {  	_ =	shalt  }
0x85: {  	_ =	shalt  }
0x86: {  	_ =	shalt  }
0x87: {  	_ =	shalt  }
.Lfunc_end0:
.L_simem_size_0:
called_computation_lowered:
.L_overlay_start_0:
0x88: {  	s2 =	sld [smem:$0x3FD9]  }
0x89: {  	s3 =	sld [smem:$0x3FFE];
	_ =	sdelay $0x1  }
0x8a: {  	s1 =	srdreg.scid  }
0x8b: {  	s0 =	sand.u32 $0x1, s1  }
0x8c: {  	s16 =	sshll.u32 s0, $0xA;
	s2 =	sadd.s32 s3, s2  }
0x8d: {  	s2 =	sadd.s32 s2, s16  }
0x8e: {  	[smem:$0x3FB7] =	sst s2  }
0x8f: {  	_ = 	snop  }
0x90: {  	(tm) =	ssettm $0x1  }
0x91: {  	s17 =	sld [smem:$0x3FFB];
	_ =	sdelay $0x3  }
0x92: {  	_ =	strace s17  }
0x93: {  	s2 =	sld [smem:$0x3FFC];
	_ =	sdelay $0x3  }
0x94: {  	_ =	strace s2  }
0x95: {  	s2 =	sld [smem:$0x3FFD];
	_ =	sdelay $0x3  }
0x96: {  	_ =	strace s2  }
0x97: {  	_ =	strace $0x8FFFFFFF  }
0x98: {  	s18 =	sld [smem:$0x3FDB];
	_ =	sdelay $0x1  }
0x99: {  	s19 =	simm.s32 $_scs_section_size  }
0x9a: {  	s4 =	simm.s32 $_size__tile_overlayer_lowered;
	s5 =	simm.s32 $_tile_overlayer_lowered  }
0x9b: {  	s22 =	simm.s32 $0x1BFF;
	s21 =	sshll.u32 s5, $0x1;
	s2 =	sadd.s32 s19, s18  }
0x9c: {  	s6 =	simm.s32 $0x0;
	s20 =	sshll.u32 s4, $0x1;
	s4 =	sadd.s32 s21, s2  }
0x9d: {  	[timem:s6], [sflag:s22] =	dma.local [hbm:s4], s20  }
0x9e: {  	_ =	swait.ge [sflag:s22], s20  }
0x9f: {  	s3 =	ssub.s32 $0x0, s20;
	[sflag:s22] =	ssyncset.done $0x0  }
0xa0: {  	[sflag:s22] =	ssyncadd.s32 s3;
	_ =	sdelay $0x1  }
0xa1: {  	s23 =	simm.s32 $0x1B8B  }
0xa2: {  	_ =	swait.ge [sflag:s23], $0x1  }
0xa3: {  	[sflag:s23] =	ssyncset.done $0x0  }
0xa4: {  	s25 =	simm.s32 $0x1B8E;
	s24 =	sld [smem:$0x3FFE];
	[sflag:s23] =	ssyncadd.s32 $0xFFFFFFFF  }
0xa5: {  	s26 =	simm.s32 $execute0_lowered;
	[smem:$0x3FD2] =	sst s25  }
0xa6: {  	s4 =	sshll.u32 s26, $0x1;
	_ =	strace $0x80000046;
	[dreg:$0x1] =	wrdreg $0xFFFFFFFF  }
0xa7: {  	s28 =	simm.s32 $_size_execute0_lowered;
	s2 =	sadd.s32 s2, s4;
	[dreg:$0x0] =	wrdreg $0x0  }
0xa8: {  	s4 =	sshll.u32 s28, $0x1;
	[dreg:$0x2] =	wrdreg s2  }
0xa9: {  	[dreg:$0x3] =	wrdreg s4  }
0xaa: {  	[dreg:$0x4] =	wrdreg $0xC0  }
0xab: {  	_ =	task [dreg:s6], $0x5FFFF  }
0xac: {  	[dreg:$0x1] =	wrdreg $0xFFFFFFFF  }
0xad: {  	[dreg:$0x0] =	wrdreg $0x60  }
0xae: {  	[dreg:$0x2] =	wrdreg s24  }
0xaf: {  	[dreg:$0x3] =	wrdreg $0x4000  }
0xb0: {  	[dreg:$0x4] =	wrdreg $0x9  }
0xb1: {  	_ =	task.clear_ibuf [dreg:s6], $0x5FFFF;
	_ =	strace $0x90000046  }
0xb2: {  	s29 =	simm.s32 $0x9;
	_ =	strace $0x80000048  }
0xb3: {  	_ =	swait.ge [sflag:s29], $0x1  }
0xb4: {  	[sflag:s29] =	ssyncadd.s32 $0xFFFFFFFF  }
0xb5: {  	_ =	strace $0x90000048  }
0xb6: {  	_ =	sfence  }
0xb7: {  	s30 =	sld [smem:$0x0];
	_ =	sdelay $0x2  }
0xb8: {  	s31 =	sshll.u32 s1, $0xD;
	s1 =	sshrl.u32 s1, $0x2  }
0xb9: {  	s3 =	sand.u32 $0x4000, s31;
	s1 =	sadd.s32 s1, s30  }
0xba: {  	s0 =	sor.u32 s3, s0;
	s1 =	sshll.u32 s1, $0x11  }
0xbb: {  	s0 =	sor.u32 s1, s0  }
0xbc: {  	s0 =	sadd.s32 $0x8F2B, s0  }
0xbd: {  	[sflag:s0] =	ssyncadd.remote.s32 $0x1  }
0xbe: {  	_ =	sfence.sel $0xFFFF  }
0xbf: {  	[dreg:$0x0] =	wrdreg $0xFFFFFFFF;
	(pc) =	sbr.abs _section_cstart, $3  }
0xc0: {  	[dreg:$0x1] =	wrdreg $0xFFFFFFFF  }
0xc1: {  	_ =	task.clear_ibuf [dreg:s6], $0x2FFFF;
	_ =	strace $0x9FFFFFFF  }
0xc2: {  	(tm) =	ssettm $0x7FFFFFFF  }
0xc3: {  	_ =	shalt  }
tec
execute0_lowered:
.L_overlay_start_1:
0x0: {  	(tag) =	ssettag $0x1  }
0x1: {  	s0 =	rddreg [dreg:$0x0]  }
0x2: {  	s2 =	rddreg [dreg:$0x1];
	s1 =	srdreg.scid  }
0x3: {  	s12 =	stileid.u32;
	s3 =	simm.s32 $0x0;
	s30 =	simm.s32 $0x19040  }
0x4: {  	s28 =	simm.s32 $0x19080;
	s29 =	simm.s32 $0x1;
	s7 =	smul.u32 $0x16380, s12  }
0x5: {  	s31 =	simm.s32 $0x2;
	s1 =	sand.u32 $0x1, s1;
	s10 =	smul.u32 $0x58E00, s12  }
0x6: {  	[smem:$0x7FF] =	sst s3;
	s11 =	sshll.u32 s12, $0x1;
	s12 =	smul.u32 $0xFFFFB000, s12  }
0x7: {  	s4 =	sadd.s32 $0x3000, s0;
	s5 =	sadd.s32 $0xB4E00, s0;
	s6 =	smul.u32 $0x163800, s1  }
0x8: {  	s9 =	ssub.s32 $0x2, s1;
	s13 =	smul.u32 $0xFFFFD800, s1;
	s1 =	sor.u32 s1, s11  }
0x9: {  	_ =	strace $0x80000047;
	s26 =	sshrl.u32 s9, $0x1;
	s20 =	smul.u32 $0xFFFFD800, s1  }
0xa: {  	s10 =	sshrl.u32 s10, $0x2;
	s23 =	smul.u32 $0xA00, s1;
	s6 =	sadd.s32 s7, s6  }
0xb: {  	s7 =	sadd.s32 s7, s2;
	s8 =	sshrl.u32 s6, $0x3;
	s6 =	sadd.s32 $0x3E200, s0  }
0xc: {  	s11 =	sadd.s32 $0x4E200, s20;
	s25 =	sadd.s32 s4, s23;
	s23 =	simm.s32 $0x16800  }
0xd: {  	s0 =	sadd.s32 s8, s0;
	s8 =	ssub.s32 s9, s26;
	s9 =	sadd.s32 s10, s2  }
0xe: {  	s10 =	sadd.s32 s12, s13;
	[dreg:$0xc] =	wrdreg s25;
	s14 =	sadd.s32 $0x2400, s9  }
0xf: {  	s24 =	sshrl.u32 s11, $0x6;
	s15 =	sadd.s32 $0x4800, s9;
	[dreg:$0x3] =	wrdreg s14  }
0x10: {  	s25 =	simm.s32 $0x40;
	s16 =	sadd.s32 $0x6C00, s9;
	[dreg:$0x4] =	wrdreg s15  }
0x11: {  	s11 =	simm.s32 $0x1B900;
	s17 =	sadd.s32 $0x9000, s9;
	[dreg:$0x5] =	wrdreg s16  }
0x12: {  	s13 =	simm.s32 $0x6;
	s18 =	sadd.s32 $0xB400, s9;
	[dreg:$0x6] =	wrdreg s17  }
0x13: {  	s10 =	sadd.s32 $0x4E200, s10;
	s19 =	sadd.s32 $0xD800, s9;
	[dreg:$0x7] =	wrdreg s18  }
0x14: {  	s21 =	sadd.s32 $0xFC00, s9;
	s22 =	sadd.s32 $0x12000, s9;
	[dreg:$0x8] =	wrdreg s19  }
0x15: {  	s9 =	sadd.s32 $0x14400, s9;
	s0 =	sadd.s32 $0x43200, s0;
	[dreg:$0x9] =	wrdreg s21  }
0x16: {  	s26 =	smax.u32 s8, $0x1;
	s8 =	simm.s32 $0x7;
	[dreg:$0xa] =	wrdreg s22  }
0x17: {  	s10 =	sshrl.u32 s10, $0x6;
	[dreg:$0xb] =	wrdreg s9;
	s17 =	smul.u32 $0xA0, s1  }
.Ltmp0:
0x18: {  	[dreg:$0xd] =	wrdreg s0;
	s10 =	smin.u32 s10, $0xA0;
	(pc) =	sbr.rel .LBB2_1-.Ltmp0, $4  }
0x19: {  	s18 =	smin.u32 s24, $0xA0;
	[dreg:$0xe] =	wrdreg s26;
	s10 =	sor.u32 $0x2, s10  }
0x1a: {  	s24 =	simm.s32 $0xA;
	s26 =	simm.s32 $0x167C0;
	s10 =	smul.u32 $0xAB, s10  }
0x1b: {  	s0 =	simm.s32 $0x4;
	s1 =	simm.s32 $0x5;
	s9 =	simm.s32 $0x8  }
0x1c: {  	v0 =	vimm.f32 $0.0e+00;
	s14 =	simm.s32 $0x9;
	s21 =	sshrl.u32 s10, $0x9;
	s10 =	simm.s32 $0x1B8C0  }
.LBB2_23:
0x1d: {  	s12 =	simm.s32 $0x3  }
0x1e: {  	_ =	swait.ge [sflag:s12], $0x2400  }
0x1f: {  	[sflag:s12] =	ssyncset.done $0x0  }
0x20: {  	[sflag:s12] =	ssyncadd.s32 $0xFFFFDC00  }
0x21: {  	_ =	swait.ge [sflag:s13], $0x2400  }
0x22: {  	[sflag:s13] =	ssyncset.done $0x0  }
0x23: {  	[sflag:s13] =	ssyncadd.s32 $0xFFFFDC00  }
0x24: {  	_ =	swait.ge [sflag:s14], $0x2400  }
0x25: {  	[sflag:s14] =	ssyncset.done $0x0  }
0x26: {  	s20 =	stileid.u32;
	[sflag:s14] =	ssyncadd.s32 $0xFFFFDC00  }
0x27: {  	s12 =	sshll.u32 s20, $0x6;
	[bflag:$0x0] =	sbarrier.arrive $0xFFFF  }
0x28: {  	s15 =	sshrl.u32 s7, $0x3;
	s12 =	sor.u32 $0x1C0A, s12;
	s16 =	rddreg [dreg:$0xd]  }
0x29: {  	[hbm:s16], [sflag:s12] =	dma.local [spmem:s15], $0x2C70  }
0x2a: {  	_ =	swait.ge [sflag:s24], $0x2C70  }
0x2b: {  	s3 =	sadd.s32 $0x1, s3;
	s22 =	rddreg [dreg:$0xe]  }
0x2c: {  	p0 =	sne.s32 s3, s22  }
.Ltmp1:
0x2d: {  	_ = 	snop;
	(pc) =	sbr.rel @!p0 .LBB2_24-.Ltmp1, $3  }
0x2e: {  	_ =	sdelay $0x1  }
0x2f: {  	[sflag:s24] =	ssyncset.done $0x0  }
0x30: {  	[sflag:s24] =	ssyncadd.s32 $0xFFFFD390  }
.LBB2_1:
0x31: {  	s15 =	simm.s32 $0x0;
	s16 =	simm.s32 $0x240  }
.LBB2_2:
0x32: {  	p0 =	sne.s32 s16, $0x8DC0;
	[tilespmem:s15+$0x16880] =	vst v0  }
0x33: {  	[tilespmem:s15+$0x16800] =	vst v0  }
0x34: {  	[tilespmem:s15+$0x16810] =	vst v0  }
0x35: {  	[tilespmem:s15+$0x16820] =	vst v0  }
.Ltmp2:
0x36: {  	[tilespmem:s15+$0x16830] =	vst v0;
	(pc) =	sbr.rel @p0 .LBB2_2-.Ltmp2, $4  }
0x37: {  	[tilespmem:s15+$0x16840] =	vst v0  }
0x38: {  	[tilespmem:s15+$0x16850] =	vst v0  }
0x39: {  	[tilespmem:s15+$0x16860] =	vst v0  }
0x3a: {  	[tilespmem:s15+$0x16870] =	vst v0;
	s15 =	sshra.s32 s16, $0x2;
	s16 =	sadd.s32 $0x240, s16  }
0x3b: {  	[tilespmem:s15+$0x16880] =	vst v0  }
0x3c: {  	[tilespmem:s15+$0x16800] =	vst v0  }
0x3d: {  	[tilespmem:s15+$0x16810] =	vst v0  }
0x3e: {  	[tilespmem:s15+$0x16820] =	vst v0  }
0x3f: {  	[tilespmem:s15+$0x16830] =	vst v0  }
0x40: {  	[tilespmem:s15+$0x16840] =	vst v0  }
0x41: {  	[tilespmem:s15+$0x16850] =	vst v0  }
0x42: {  	[tilespmem:s15+$0x16860] =	vst v0  }
0x43: {  	[tilespmem:s15+$0x16870] =	vst v0  }
0x44: {  	[spmem:s7] =	stream.linear.scatter [tilespmem:s23], [sflag:$0xA], $0x2400, $0x38;
	[tilespmem:$0x1E100] =	vst v63  }
0x45: {  	_ =	swait.ge [sflag:s24], $0x2400  }
0x46: {  	[sflag:s24] =	ssyncset.done $0x0  }
0x47: {  	s12 =	rddreg [dreg:$0x3];
	[sflag:s24] =	ssyncadd.s32 $0xFFFFDC00  }
0x48: {  	[spmem:s12] =	stream.linear.scatter [tilespmem:s23], [sflag:$0xA], $0x2400, $0x38;
	[tilespmem:$0x1E100] =	vst v63  }
0x49: {  	_ =	swait.ge [sflag:s24], $0x2400  }
0x4a: {  	[sflag:s24] =	ssyncset.done $0x0  }
0x4b: {  	s16 =	rddreg [dreg:$0x4];
	[sflag:s24] =	ssyncadd.s32 $0xFFFFDC00  }
0x4c: {  	[spmem:s16] =	stream.linear.scatter [tilespmem:s23], [sflag:$0xA], $0x2400, $0x38;
	[tilespmem:$0x1E100] =	vst v63  }
0x4d: {  	_ =	swait.ge [sflag:s24], $0x2400  }
0x4e: {  	[sflag:s24] =	ssyncset.done $0x0  }
0x4f: {  	s19 =	rddreg [dreg:$0x5];
	[sflag:s24] =	ssyncadd.s32 $0xFFFFDC00  }
0x50: {  	[spmem:s19] =	stream.linear.scatter [tilespmem:s23], [sflag:$0xA], $0x2400, $0x38;
	[tilespmem:$0x1E100] =	vst v63  }
0x51: {  	_ =	swait.ge [sflag:s24], $0x2400  }
0x52: {  	[sflag:s24] =	ssyncset.done $0x0  }
0x53: {  	s20 =	rddreg [dreg:$0x6];
	[sflag:s24] =	ssyncadd.s32 $0xFFFFDC00  }
0x54: {  	[spmem:s20] =	stream.linear.scatter [tilespmem:s23], [sflag:$0xA], $0x2400, $0x38;
	[tilespmem:$0x1E100] =	vst v63  }
0x55: {  	_ =	swait.ge [sflag:s24], $0x2400  }
0x56: {  	[sflag:s24] =	ssyncset.done $0x0  }
0x57: {  	s22 =	rddreg [dreg:$0x7];
	[sflag:s24] =	ssyncadd.s32 $0xFFFFDC00  }
0x58: {  	[spmem:s22] =	stream.linear.scatter [tilespmem:s23], [sflag:$0xA], $0x2400, $0x38;
	[tilespmem:$0x1E100] =	vst v63  }
0x59: {  	_ =	swait.ge [sflag:s24], $0x2400  }
0x5a: {  	[sflag:s24] =	ssyncset.done $0x0  }
0x5b: {  	s15 =	rddreg [dreg:$0x8];
	[sflag:s24] =	ssyncadd.s32 $0xFFFFDC00  }
0x5c: {  	[spmem:s15] =	stream.linear.scatter [tilespmem:s23], [sflag:$0xA], $0x2400, $0x38;
	[tilespmem:$0x1E100] =	vst v63  }
0x5d: {  	_ =	swait.ge [sflag:s24], $0x2400  }
0x5e: {  	[sflag:s24] =	ssyncset.done $0x0  }
0x5f: {  	s16 =	rddreg [dreg:$0x9];
	[sflag:s24] =	ssyncadd.s32 $0xFFFFDC00  }
0x60: {  	[spmem:s16] =	stream.linear.scatter [tilespmem:s23], [sflag:$0xA], $0x2400, $0x38;
	[tilespmem:$0x1E100] =	vst v63  }
0x61: {  	_ =	swait.ge [sflag:s24], $0x2400  }
0x62: {  	[sflag:s24] =	ssyncset.done $0x0  }
0x63: {  	s19 =	rddreg [dreg:$0xa];
	[sflag:s24] =	ssyncadd.s32 $0xFFFFDC00  }
0x64: {  	[spmem:s19] =	stream.linear.scatter [tilespmem:s23], [sflag:$0xA], $0x2400, $0x38;
	[tilespmem:$0x1E100] =	vst v63  }
0x65: {  	_ =	swait.ge [sflag:s24], $0x2400  }
0x66: {  	[sflag:s24] =	ssyncset.done $0x0  }
0x67: {  	s20 =	rddreg [dreg:$0xb];
	[sflag:s24] =	ssyncadd.s32 $0xFFFFDC00  }
0x68: {  	[spmem:s20] =	stream.linear.scatter [tilespmem:s23], [sflag:$0xA], $0x1F80, $0x38;
	[tilespmem:$0x1E100] =	vst v63  }
0x69: {  	_ =	swait.ge [sflag:s24], $0x1F80  }
0x6a: {  	[sflag:s24] =	ssyncset.done $0x0  }
0x6b: {  	[sflag:s24] =	ssyncadd.s32 $0xFFFFE080  }
0x6c: {  	[bflag:$0x0] =	sbarrier.arrive $0xFFFF  }
0x6d: {  	s15 =	simm.s32 $0x0;
	s22 =	rddreg [dreg:$0xc]  }
0x6e: {  	[tilespmem:s15], [sflag:$0xA] =	stream.linear.gather [hbm4b:s22+s15], $0x400, $0x38;
	[tilespmem:$0x1E100] =	vst v63  }
0x6f: {  	_ =	swait.ge [sflag:s24], $0x400  }
0x70: {  	[sflag:s24] =	ssyncset.done $0x0  }
0x71: {  	[sflag:s24] =	ssyncadd.s32 $0xFFFFFC00  }
0x72: {  	v1 =	vld [tilespmem:$0x0]  }
0x73: {  	v2 =	vld [tilespmem:$0x40]  }
0x74: {  	v3 =	vld [tilespmem:$0x10]  }
0x75: {  	v4 =	vld [tilespmem:$0x50]  }
0x76: {  	v5 =	vld [tilespmem:$0x20]  }
0x77: {  	[tilespmem:$0x16780] =	vst v1;
	v1 =	vld [tilespmem:$0x60]  }
0x78: {  	[tilespmem:$0x167C0] =	vst v2;
	v2 =	vld [tilespmem:$0x30]  }
0x79: {  	[tilespmem:$0x16790] =	vst v3;
	v3 =	vld [tilespmem:$0x70]  }
0x7a: {  	[tilespmem:$0x167D0] =	vst v4  }
0x7b: {  	[tilespmem:$0x167A0] =	vst v5  }
0x7c: {  	[tilespmem:$0x167E0] =	vst v1  }
0x7d: {  	[tilespmem:$0x167B0] =	vst v2  }
0x7e: {  	s16 =	simm.s32 $0x18C00;
	[tilespmem:$0x167F0] =	vst v3  }
0x7f: {  	[tilespmem:s16], [sflag:$0x1] =	stream.indirect.gather [hbm4b:s6+s25], $0x10, s26, s25, $0xb8;
	[tilespmem:$0x1E100] =	vst v63  }
0x80: {  	s19 =	simm.s32 $0x16780  }
0x81: {  	[tilespmem:s23], [sflag:$0x2] =	stream.indirect.gather [hbm4b:s5+s25], $0x90, s19, s25, $0xb8;
	[tilespmem:$0x1E100] =	vst v63  }
0x82: {  	v1 =	vld [tilespmem:$0x80]  }
0x83: {  	v2 =	vld [tilespmem:$0xC0]  }
0x84: {  	v3 =	vld [tilespmem:$0x90]  }
0x85: {  	v62 =	vld [tilespmem:$0xD0]  }
0x86: {  	v63 =	vld [tilespmem:$0xA0]  }
0x87: {  	[tilespmem:$0x19000] =	vst v1;
	v1 =	vld [tilespmem:$0xE0]  }
0x88: {  	[tilespmem:$0x19040] =	vst v2;
	v2 =	vld [tilespmem:$0xB0]  }
0x89: {  	[tilespmem:$0x19010] =	vst v3;
	v3 =	vld [tilespmem:$0xF0]  }
0x8a: {  	[tilespmem:$0x19050] =	vst v62  }
0x8b: {  	[tilespmem:$0x19020] =	vst v63  }
0x8c: {  	[tilespmem:$0x19060] =	vst v1  }
.Ltmp3:
0x8d: {  	[tilespmem:$0x19030] =	vst v2;
	(pc) =	sbr.rel .LBB2_4-.Ltmp3, $4  }
0x8e: {  	s20 =	simm.s32 $0x1B480;
	[tilespmem:$0x19070] =	vst v3  }
0x8f: {  	[tilespmem:s20], [sflag:$0x4] =	stream.indirect.gather [hbm4b:s6+s25], $0x10, s30, s25, $0xb8;
	[tilespmem:$0x1E100] =	vst v63  }
0x90: {  	s22 =	simm.s32 $0x19000  }
0x91: {  	[tilespmem:s28], [sflag:$0x5] =	stream.indirect.gather [hbm4b:s5+s25], $0x90, s22, s25, $0xb8;
	[tilespmem:$0x1E100] =	vst v63  }
.LBB2_22:
0x92: {  	s15 =	sadd.s32 $0x1, s15  }
0x93: {  	p0 =	sne.s32 s15, s21  }
.Ltmp4:
0x94: {  	_ = 	snop;
	(pc) =	sbr.rel @!p0 .LBB2_23-.Ltmp4, $1  }
0x95: {  	_ =	sdelay $0x3  }
.LBB2_4:
0x96: {  	s16 =	smul.u32 $0x3, s15;
	_ =	sdelay $0x1  }
0x97: {  	p0 =	sge.u32 s16, s18  }
.Ltmp5:
0x98: {  	_ = 	snop;
	(pc) =	sbr.rel @p0 .LBB2_10-.Ltmp5, $1  }
0x99: {  	_ =	sdelay $0x3  }
0x9a: {  	_ =	swait.ge [sflag:s29], $0x400  }
0x9b: {  	[sflag:s29] =	ssyncset.done $0x0  }
0x9c: {  	[sflag:s29] =	ssyncadd.s32 $0xFFFFFC00  }
0x9d: {  	_ =	swait.ge [sflag:s31], $0x2400  }
0x9e: {  	[sflag:s31] =	ssyncset.done $0x0  }
0x9f: {  	s19 =	simm.s32 $0x0;
	[sflag:s31] =	ssyncadd.s32 $0xFFFFDC00  }
0xa0: {  	s20 =	simm.s32 $0x16880;
	s22 =	simm.s32 $0x40;
	v1 =	vld [tilespmem:s19+$0x18C00]  }
.LBB2_6:
0xa1: {  	p0 =	sne.s32 s22, $0xFC0;
	v2 =	vld [tilespmem:s20+$0x0];
	_ =	sdelay $0x4  }
0xa2: {  	v1 =	vadd.f32 v1, v2;
	_ =	sdelay $0x1  }
0xa3: {  	v2 =	vmul.f32 $2.000000030e-01, v1  }
0xa4: {  	vm0 =	vgt.f32 v1, $0.0e+00  }
0xa5: {  	v1 =	vsel vm0, v1, v2  }
0xa6: {  	v1 =	vmul.f32 $1.442695020e+00, v1;
	_ =	sdelay $0x1  }
0xa7: {  	(erf) = vpow2.f32 v1;
	_ =	sdelay $0x6  }
.Ltmp6:
0xa8: {  	(pc) =	sbr.rel @p0 .LBB2_6-.Ltmp6, $4  }
0xa9: {  	_ = 	snop  }
0xaa: {  	v1 =	vpop (erf)  }
0xab: {  	s12 =	sshra.s32 s22, $0x2;
	[tilespmem:s20+$0x0] =	vst v1  }
0xac: {  	s22 =	sadd.s32 $0x40, s22;
	s20 =	sadd.s32 $0x90, s20;
	v1 =	vld [tilespmem:s12+$0x18C00]  }
0xad: {  	v2 =	vld [tilespmem:s20+$0x0];
	_ =	sdelay $0x4  }
0xae: {  	v1 =	vadd.f32 v1, v2;
	_ =	sdelay $0x1  }
0xaf: {  	v2 =	vmul.f32 $2.000000030e-01, v1  }
0xb0: {  	vm0 =	vgt.f32 v1, $0.0e+00  }
0xb1: {  	v1 =	vsel vm0, v1, v2  }
0xb2: {  	v1 =	vmul.f32 $1.442695020e+00, v1;
	_ =	sdelay $0x1  }
0xb3: {  	(erf) = vpow2.f32 v1;
	_ =	sdelay $0x8  }
0xb4: {  	v1 =	vpop (erf)  }
0xb5: {  	[tilespmem:s20+$0x0] =	vst v1  }
0xb6: {  	v1 =	vld [tilespmem:s19+$0x16880]  }
0xb7: {  	v7 =	vld [tilespmem:s19+$0x16800]  }
0xb8: {  	v4 =	vld [tilespmem:s19+$0x16820]  }
0xb9: {  	v2 =	vld [tilespmem:s19+$0x16810]  }
0xba: {  	v3 =	vld [tilespmem:s19+$0x16830]  }
0xbb: {  	v5 =	vld [tilespmem:s19+$0x16840];
	v10 =	vbroadcast v1, $0x0;
	v8 =	vbroadcast v1, $0x1  }
0xbc: {  	v6 =	vld [tilespmem:s19+$0x16850];
	v11 =	vbroadcast v1, $0x2;
	v9 =	vbroadcast v1, $0x4  }
0xbd: {  	s20 =	simm.s32 $0x240;
	v12 =	vmul.f32 v10, v7;
	v10 =	vbroadcast v1, $0x3;
	v7 =	vld [tilespmem:s19+$0x16860]  }
.LBB2_8:
0xbe: {  	s12 =	sshra.s32 s20, $0x2;
	p0 =	sne.s32 s20, $0x8DC0;
	s20 =	sadd.s32 $0x240, s20;
	v4 =	vmul.f32 v4, v11;
	v11 =	vbroadcast v1, $0x5;
	v13 =	vld [tilespmem:s19+$0x16870]  }
0xbf: {  	v2 =	vmul.f32 v2, v8;
	v14 =	vld [tilespmem:s12+$0x16880];
	[tilespmem:s19+$0x16800] =	vst v12;
	v3 =	vmul.f32 v3, v10  }
0xc0: {  	v8 =	vbroadcast v1, $0x6;
	v10 =	vld [tilespmem:s12+$0x16800];
	[tilespmem:s19+$0x16820] =	vst v4;
	v5 =	vmul.f32 v5, v9  }
0xc1: {  	v9 =	vbroadcast v1, $0x7;
	v4 =	vld [tilespmem:s12+$0x16820];
	[tilespmem:s19+$0x16810] =	vst v2;
	v6 =	vmul.f32 v6, v11  }
.Ltmp7:
0xc2: {  	v2 =	vld [tilespmem:s12+$0x16810];
	[tilespmem:s19+$0x16830] =	vst v3;
	v7 =	vmul.f32 v7, v8;
	(pc) =	sbr.rel @p0 .LBB2_8-.Ltmp7, $4  }
0xc3: {  	v3 =	vld [tilespmem:s12+$0x16830];
	[tilespmem:s19+$0x16840] =	vst v5;
	v13 =	vmul.f32 v13, v9  }
0xc4: {  	v12 =	vbroadcast v14, $0x0;
	v8 =	vbroadcast v14, $0x1;
	v5 =	vld [tilespmem:s12+$0x16840];
	[tilespmem:s19+$0x16850] =	vst v6;
	v1 =	vmov v14  }
0xc5: {  	v11 =	vbroadcast v1, $0x2;
	v9 =	vbroadcast v1, $0x4;
	v6 =	vld [tilespmem:s12+$0x16850];
	[tilespmem:s19+$0x16860] =	vst v7  }
0xc6: {  	v12 =	vmul.f32 v12, v10;
	v10 =	vbroadcast v1, $0x3;
	v7 =	vld [tilespmem:s12+$0x16860];
	[tilespmem:s19+$0x16870] =	vst v13;
	s19 =	smov.u32 s12  }
0xc7: {  	v4 =	vmul.f32 v4, v11  }
0xc8: {  	v60 =	vld [tilespmem:s19+$0x16870];
	v2 =	vmul.f32 v2, v8;
	[tilespmem:s19+$0x16800] =	vst v12  }
0xc9: {  	v61 =	vbroadcast v1, $0x5;
	v3 =	vmul.f32 v3, v10;
	[tilespmem:s19+$0x16820] =	vst v4  }
0xca: {  	v63 =	vbroadcast v1, $0x6;
	s12 =	sadd.s32 $0x2, s16;
	v62 =	vmul.f32 v5, v9;
	[tilespmem:s19+$0x16810] =	vst v2  }
0xcb: {  	v1 =	vbroadcast v1, $0x7;
	p0 =	sge.u32 s12, s18;
	v2 =	vmul.f32 v6, v61;
	[tilespmem:s19+$0x16830] =	vst v3  }
0xcc: {  	s20 =	sand.u32 @!p0 $0x7, s12;
	v3 =	vmul.f32 v7, v63;
	[tilespmem:s19+$0x16840] =	vst v62  }
0xcd: {  	p1 =	seq.s32 @!p0 s15, $0x0;
	p2 =	sne.s32 @!p0 s20, $0x0;
	v1 =	vmul.f32 v60, v1;
	[tilespmem:s19+$0x16850] =	vst v2  }
0xce: {  	p3 =	por p1, p0;
	p1 =	por p2, p0;
	[tilespmem:s19+$0x16860] =	vst v3  }
0xcf: {  	s12 =	sadd.s32 @!p1 s17, s12;
	[tilespmem:s19+$0x16870] =	vst v1;
	s19 =	simm.s32 @!p3 $0x9  }
0xd0: {  	s12 =	sshll.u32 @!p1 s12, $0x4;
	_ =	swait.ge @!p3 [sflag:s19], $0x2400  }
0xd1: {  	s12 =	sand.u32 @!p1 $0x1FFFFF80, s12;
	[sflag:s19] =	ssyncset.done @!p3 $0x0  }
0xd2: {  	s12 =	sadd.s32 @!p1 s4, s12;
	[sflag:s19] =	ssyncadd.s32 @!p3 $0xFFFFDC00;
	s19 =	simm.s32 @!p1 $0x0  }
0xd3: {  	[tilespmem:s19], [sflag:$0xA] =	stream.linear.gather @!p1 [hbm4b:s12+s19], $0x400, $0x38;
	[tilespmem:$0x1E100] =	vst v63  }
0xd4: {  	s12 =	simm.s32 @!p1 $0xA  }
0xd5: {  	_ =	swait.ge @!p1 [sflag:s12], $0x400  }
0xd6: {  	[sflag:s12] =	ssyncset.done @!p1 $0x0  }
0xd7: {  	[sflag:s12] =	ssyncadd.s32 @!p1 $0xFFFFFC00;
	s12 =	sshll.u32 @!p0 s20, $0x7  }
0xd8: {  	v1 =	vld @!p0 [tilespmem:s12+$0x0];
	_ =	sdelay $0x4  }
0xd9: {  	[tilespmem:$0x1B880] =	vst @!p0 v1  }
0xda: {  	v1 =	vld @!p0 [tilespmem:s12+$0x40];
	_ =	sdelay $0x4  }
0xdb: {  	[tilespmem:$0x1B8C0] =	vst @!p0 v1  }
0xdc: {  	v1 =	vld @!p0 [tilespmem:s12+$0x10];
	_ =	sdelay $0x4  }
0xdd: {  	[tilespmem:$0x1B890] =	vst @!p0 v1  }
0xde: {  	v1 =	vld @!p0 [tilespmem:s12+$0x50];
	_ =	sdelay $0x4  }
0xdf: {  	[tilespmem:$0x1B8D0] =	vst @!p0 v1  }
0xe0: {  	v1 =	vld @!p0 [tilespmem:s12+$0x20];
	_ =	sdelay $0x4  }
0xe1: {  	[tilespmem:$0x1B8A0] =	vst @!p0 v1  }
0xe2: {  	v1 =	vld @!p0 [tilespmem:s12+$0x60];
	_ =	sdelay $0x4  }
0xe3: {  	[tilespmem:$0x1B8E0] =	vst @!p0 v1  }
0xe4: {  	v1 =	vld @!p0 [tilespmem:s12+$0x30];
	_ =	sdelay $0x4  }
0xe5: {  	[tilespmem:$0x1B8B0] =	vst @!p0 v1  }
0xe6: {  	v1 =	vld @!p0 [tilespmem:s12+$0x70];
	_ =	sdelay $0x4  }
0xe7: {  	s19 =	simm.s32 @!p0 $0x1B8C0;
	s20 =	simm.s32 @!p0 $0x1DD00;
	s12 =	simm.s32 @!p0 $0x40;
	[tilespmem:$0x1B8F0] =	vst @!p0 v1  }
0xe8: {  	[tilespmem:s20], [sflag:$0x7] =	stream.indirect.gather @!p0 [hbm4b:s6+s12], $0x10, s19, s12, $0xb8;
	[tilespmem:$0x1E100] =	vst v63  }
0xe9: {  	s19 =	simm.s32 @!p0 $0x1B880;
	s20 =	simm.s32 @!p0 $0x1B900  }
0xea: {  	[tilespmem:s20], [sflag:$0x8] =	stream.indirect.gather @!p0 [hbm4b:s5+s12], $0x90, s19, s12, $0xb8;
	[tilespmem:$0x1E100] =	vst v63  }
0xeb: {  	_ = 	snop  }
0xec: {  	[spmem:s2] =	stream.indirect.scatter.add.f32 [tilespmem:s23], [sflag:$0x3], $0x90, s26, s25, $0xb8;
	[tilespmem:$0x1E100] =	vst v63  }
.LBB2_10:
0xed: {  	s12 =	sadd.s32 $0x1, s16  }
0xee: {  	p0 =	sge.u32 s12, s18  }
.Ltmp8:
0xef: {  	_ = 	snop;
	(pc) =	sbr.rel @p0 .LBB2_16-.Ltmp8, $1  }
0xf0: {  	_ =	sdelay $0x3  }
0xf1: {  	_ =	swait.ge [sflag:s0], $0x400  }
0xf2: {  	[sflag:s0] =	ssyncset.done $0x0  }
0xf3: {  	[sflag:s0] =	ssyncadd.s32 $0xFFFFFC00  }
0xf4: {  	_ =	swait.ge [sflag:s1], $0x2400  }
0xf5: {  	[sflag:s1] =	ssyncset.done $0x0  }
0xf6: {  	s19 =	simm.s32 $0x0;
	[sflag:s1] =	ssyncadd.s32 $0xFFFFDC00  }
0xf7: {  	s20 =	simm.s32 $0x19100;
	s22 =	simm.s32 $0x40;
	v1 =	vld [tilespmem:s19+$0x1B480]  }
.LBB2_12:
0xf8: {  	p0 =	sne.s32 s22, $0xFC0;
	v2 =	vld [tilespmem:s20+$0x0];
	_ =	sdelay $0x4  }
0xf9: {  	v1 =	vadd.f32 v1, v2;
	_ =	sdelay $0x1  }
0xfa: {  	v2 =	vmul.f32 $2.000000030e-01, v1  }
0xfb: {  	vm0 =	vgt.f32 v1, $0.0e+00  }
0xfc: {  	v1 =	vsel vm0, v1, v2  }
0xfd: {  	v1 =	vmul.f32 $1.442695020e+00, v1;
	_ =	sdelay $0x1  }
0xfe: {  	(erf) = vpow2.f32 v1;
	_ =	sdelay $0x6  }
.Ltmp9:
0xff: {  	(pc) =	sbr.rel @p0 .LBB2_12-.Ltmp9, $4  }
0x100: {  	_ = 	snop  }
0x101: {  	v1 =	vpop (erf)  }
0x102: {  	s12 =	sshra.s32 s22, $0x2;
	[tilespmem:s20+$0x0] =	vst v1  }
0x103: {  	s22 =	sadd.s32 $0x40, s22;
	s20 =	sadd.s32 $0x90, s20;
	v1 =	vld [tilespmem:s12+$0x1B480]  }
0x104: {  	v2 =	vld [tilespmem:s20+$0x0];
	_ =	sdelay $0x4  }
0x105: {  	v1 =	vadd.f32 v1, v2;
	_ =	sdelay $0x1  }
0x106: {  	v2 =	vmul.f32 $2.000000030e-01, v1  }
0x107: {  	vm0 =	vgt.f32 v1, $0.0e+00  }
0x108: {  	v1 =	vsel vm0, v1, v2  }
0x109: {  	v1 =	vmul.f32 $1.442695020e+00, v1;
	_ =	sdelay $0x1  }
0x10a: {  	(erf) = vpow2.f32 v1;
	_ =	sdelay $0x8  }
0x10b: {  	v1 =	vpop (erf)  }
0x10c: {  	[tilespmem:s20+$0x0] =	vst v1  }
0x10d: {  	v1 =	vld [tilespmem:s19+$0x19100]  }
0x10e: {  	v7 =	vld [tilespmem:s19+$0x19080]  }
0x10f: {  	v4 =	vld [tilespmem:s19+$0x190A0]  }
0x110: {  	v2 =	vld [tilespmem:s19+$0x19090]  }
0x111: {  	v3 =	vld [tilespmem:s19+$0x190B0]  }
0x112: {  	v5 =	vld [tilespmem:s19+$0x190C0];
	v10 =	vbroadcast v1, $0x0;
	v8 =	vbroadcast v1, $0x1  }
0x113: {  	v6 =	vld [tilespmem:s19+$0x190D0];
	v11 =	vbroadcast v1, $0x2;
	v9 =	vbroadcast v1, $0x4  }
0x114: {  	s20 =	simm.s32 $0x240;
	v12 =	vmul.f32 v10, v7;
	v10 =	vbroadcast v1, $0x3;
	v7 =	vld [tilespmem:s19+$0x190E0]  }
.LBB2_14:
0x115: {  	s12 =	sshra.s32 s20, $0x2;
	p0 =	sne.s32 s20, $0x8DC0;
	s20 =	sadd.s32 $0x240, s20;
	v4 =	vmul.f32 v4, v11;
	v11 =	vbroadcast v1, $0x5;
	v13 =	vld [tilespmem:s19+$0x190F0]  }
0x116: {  	v2 =	vmul.f32 v2, v8;
	v14 =	vld [tilespmem:s12+$0x19100];
	[tilespmem:s19+$0x19080] =	vst v12;
	v3 =	vmul.f32 v3, v10  }
0x117: {  	v8 =	vbroadcast v1, $0x6;
	v10 =	vld [tilespmem:s12+$0x19080];
	[tilespmem:s19+$0x190A0] =	vst v4;
	v5 =	vmul.f32 v5, v9  }
0x118: {  	v9 =	vbroadcast v1, $0x7;
	v4 =	vld [tilespmem:s12+$0x190A0];
	[tilespmem:s19+$0x19090] =	vst v2;
	v6 =	vmul.f32 v6, v11  }
.Ltmp10:
0x119: {  	v2 =	vld [tilespmem:s12+$0x19090];
	[tilespmem:s19+$0x190B0] =	vst v3;
	v7 =	vmul.f32 v7, v8;
	(pc) =	sbr.rel @p0 .LBB2_14-.Ltmp10, $4  }
0x11a: {  	v3 =	vld [tilespmem:s12+$0x190B0];
	[tilespmem:s19+$0x190C0] =	vst v5;
	v13 =	vmul.f32 v13, v9  }
0x11b: {  	v12 =	vbroadcast v14, $0x0;
	v8 =	vbroadcast v14, $0x1;
	v5 =	vld [tilespmem:s12+$0x190C0];
	[tilespmem:s19+$0x190D0] =	vst v6;
	v1 =	vmov v14  }
0x11c: {  	v11 =	vbroadcast v1, $0x2;
	v9 =	vbroadcast v1, $0x4;
	v6 =	vld [tilespmem:s12+$0x190D0];
	[tilespmem:s19+$0x190E0] =	vst v7  }
0x11d: {  	v12 =	vmul.f32 v12, v10;
	v10 =	vbroadcast v1, $0x3;
	v7 =	vld [tilespmem:s12+$0x190E0];
	[tilespmem:s19+$0x190F0] =	vst v13;
	s19 =	smov.u32 s12  }
0x11e: {  	v4 =	vmul.f32 v4, v11  }
0x11f: {  	v60 =	vld [tilespmem:s19+$0x190F0];
	v2 =	vmul.f32 v2, v8;
	[tilespmem:s19+$0x19080] =	vst v12  }
0x120: {  	v61 =	vbroadcast v1, $0x5;
	v3 =	vmul.f32 v3, v10;
	[tilespmem:s19+$0x190A0] =	vst v4  }
0x121: {  	v63 =	vbroadcast v1, $0x6;
	s12 =	sadd.s32 $0x3, s16;
	v62 =	vmul.f32 v5, v9;
	[tilespmem:s19+$0x19090] =	vst v2  }
0x122: {  	v1 =	vbroadcast v1, $0x7;
	p0 =	sge.u32 s12, s18;
	v2 =	vmul.f32 v6, v61;
	[tilespmem:s19+$0x190B0] =	vst v3  }
0x123: {  	s20 =	sand.u32 @!p0 $0x7, s12;
	v3 =	vmul.f32 v7, v63;
	[tilespmem:s19+$0x190C0] =	vst v62  }
0x124: {  	p1 =	sne.s32 @!p0 s20, $0x0;
	v1 =	vmul.f32 v60, v1;
	[tilespmem:s19+$0x190D0] =	vst v2  }
0x125: {  	p1 =	por p1, p0;
	[tilespmem:s19+$0x190E0] =	vst v3  }
0x126: {  	s12 =	sadd.s32 @!p1 s17, s12;
	[tilespmem:s19+$0x190F0] =	vst v1;
	s19 =	simm.s32 @!p0 $0x3  }
0x127: {  	s12 =	sshll.u32 @!p1 s12, $0x4;
	_ =	swait.ge @!p0 [sflag:s19], $0x2400  }
0x128: {  	s12 =	sand.u32 @!p1 $0x1FFFFF80, s12;
	[sflag:s19] =	ssyncset.done @!p0 $0x0  }
0x129: {  	s12 =	sadd.s32 @!p1 s4, s12;
	[sflag:s19] =	ssyncadd.s32 @!p0 $0xFFFFDC00;
	s19 =	simm.s32 @!p1 $0x0  }
0x12a: {  	[tilespmem:s19], [sflag:$0xA] =	stream.linear.gather @!p1 [hbm4b:s12+s19], $0x400, $0x38;
	[tilespmem:$0x1E100] =	vst v63  }
0x12b: {  	s12 =	simm.s32 @!p1 $0xA  }
0x12c: {  	_ =	swait.ge @!p1 [sflag:s12], $0x400  }
0x12d: {  	[sflag:s12] =	ssyncset.done @!p1 $0x0  }
0x12e: {  	[sflag:s12] =	ssyncadd.s32 @!p1 $0xFFFFFC00;
	s12 =	sshll.u32 @!p0 s20, $0x7  }
0x12f: {  	v1 =	vld @!p0 [tilespmem:s12+$0x0];
	_ =	sdelay $0x4  }
0x130: {  	[tilespmem:$0x16780] =	vst @!p0 v1  }
0x131: {  	v1 =	vld @!p0 [tilespmem:s12+$0x40];
	_ =	sdelay $0x4  }
0x132: {  	[tilespmem:$0x167C0] =	vst @!p0 v1  }
0x133: {  	v1 =	vld @!p0 [tilespmem:s12+$0x10];
	_ =	sdelay $0x4  }
0x134: {  	[tilespmem:$0x16790] =	vst @!p0 v1  }
0x135: {  	v1 =	vld @!p0 [tilespmem:s12+$0x50];
	_ =	sdelay $0x4  }
0x136: {  	[tilespmem:$0x167D0] =	vst @!p0 v1  }
0x137: {  	v1 =	vld @!p0 [tilespmem:s12+$0x20];
	_ =	sdelay $0x4  }
0x138: {  	[tilespmem:$0x167A0] =	vst @!p0 v1  }
0x139: {  	v1 =	vld @!p0 [tilespmem:s12+$0x60];
	_ =	sdelay $0x4  }
0x13a: {  	[tilespmem:$0x167E0] =	vst @!p0 v1  }
0x13b: {  	v1 =	vld @!p0 [tilespmem:s12+$0x30];
	_ =	sdelay $0x4  }
0x13c: {  	[tilespmem:$0x167B0] =	vst @!p0 v1  }
0x13d: {  	v1 =	vld @!p0 [tilespmem:s12+$0x70];
	_ =	sdelay $0x4  }
0x13e: {  	s19 =	simm.s32 @!p0 $0x167C0;
	s20 =	simm.s32 @!p0 $0x18C00;
	s12 =	simm.s32 @!p0 $0x40;
	[tilespmem:$0x167F0] =	vst @!p0 v1  }
0x13f: {  	[tilespmem:s20], [sflag:$0x1] =	stream.indirect.gather @!p0 [hbm4b:s6+s12], $0x10, s19, s12, $0xb8;
	[tilespmem:$0x1E100] =	vst v63  }
0x140: {  	s19 =	simm.s32 @!p0 $0x16780;
	s20 =	simm.s32 @!p0 $0x16800  }
0x141: {  	[tilespmem:s20], [sflag:$0x2] =	stream.indirect.gather @!p0 [hbm4b:s5+s12], $0x90, s19, s12, $0xb8;
	[tilespmem:$0x1E100] =	vst v63  }
0x142: {  	_ = 	snop  }
0x143: {  	[spmem:s2] =	stream.indirect.scatter.add.f32 [tilespmem:s28], [sflag:$0x6], $0x90, s30, s25, $0xb8;
	[tilespmem:$0x1E100] =	vst v63  }
.LBB2_16:
0x144: {  	s12 =	sadd.s32 $0x2, s16  }
0x145: {  	p0 =	sge.u32 s12, s18  }
.Ltmp11:
0x146: {  	_ = 	snop;
	(pc) =	sbr.rel @p0 .LBB2_22-.Ltmp11, $1  }
0x147: {  	_ =	sdelay $0x3  }
0x148: {  	_ =	swait.ge [sflag:s8], $0x400  }
0x149: {  	[sflag:s8] =	ssyncset.done $0x0  }
0x14a: {  	[sflag:s8] =	ssyncadd.s32 $0xFFFFFC00  }
0x14b: {  	_ =	swait.ge [sflag:s9], $0x2400  }
0x14c: {  	[sflag:s9] =	ssyncset.done $0x0  }
0x14d: {  	s19 =	simm.s32 $0x0;
	[sflag:s9] =	ssyncadd.s32 $0xFFFFDC00  }
0x14e: {  	s20 =	simm.s32 $0x1B980;
	s22 =	simm.s32 $0x40;
	v1 =	vld [tilespmem:s19+$0x1DD00]  }
.LBB2_18:
0x14f: {  	p0 =	sne.s32 s22, $0xFC0;
	v2 =	vld [tilespmem:s20+$0x0];
	_ =	sdelay $0x4  }
0x150: {  	v1 =	vadd.f32 v1, v2;
	_ =	sdelay $0x1  }
0x151: {  	v2 =	vmul.f32 $2.000000030e-01, v1  }
0x152: {  	vm0 =	vgt.f32 v1, $0.0e+00  }
0x153: {  	v1 =	vsel vm0, v1, v2  }
0x154: {  	v1 =	vmul.f32 $1.442695020e+00, v1;
	_ =	sdelay $0x1  }
0x155: {  	(erf) = vpow2.f32 v1;
	_ =	sdelay $0x6  }
.Ltmp12:
0x156: {  	(pc) =	sbr.rel @p0 .LBB2_18-.Ltmp12, $4  }
0x157: {  	_ = 	snop  }
0x158: {  	v1 =	vpop (erf)  }
0x159: {  	s12 =	sshra.s32 s22, $0x2;
	[tilespmem:s20+$0x0] =	vst v1  }
0x15a: {  	s22 =	sadd.s32 $0x40, s22;
	s20 =	sadd.s32 $0x90, s20;
	v1 =	vld [tilespmem:s12+$0x1DD00]  }
0x15b: {  	v2 =	vld [tilespmem:s20+$0x0];
	_ =	sdelay $0x4  }
0x15c: {  	v1 =	vadd.f32 v1, v2;
	_ =	sdelay $0x1  }
0x15d: {  	v2 =	vmul.f32 $2.000000030e-01, v1  }
0x15e: {  	vm0 =	vgt.f32 v1, $0.0e+00  }
0x15f: {  	v1 =	vsel vm0, v1, v2  }
0x160: {  	v1 =	vmul.f32 $1.442695020e+00, v1;
	_ =	sdelay $0x1  }
0x161: {  	(erf) = vpow2.f32 v1;
	_ =	sdelay $0x8  }
0x162: {  	v1 =	vpop (erf)  }
0x163: {  	[tilespmem:s20+$0x0] =	vst v1  }
0x164: {  	v1 =	vld [tilespmem:s19+$0x1B980]  }
0x165: {  	v7 =	vld [tilespmem:s19+$0x1B900]  }
0x166: {  	v4 =	vld [tilespmem:s19+$0x1B920]  }
0x167: {  	v2 =	vld [tilespmem:s19+$0x1B910]  }
0x168: {  	v3 =	vld [tilespmem:s19+$0x1B930]  }
0x169: {  	v5 =	vld [tilespmem:s19+$0x1B940];
	v10 =	vbroadcast v1, $0x0;
	v8 =	vbroadcast v1, $0x1  }
0x16a: {  	v6 =	vld [tilespmem:s19+$0x1B950];
	v11 =	vbroadcast v1, $0x2;
	v9 =	vbroadcast v1, $0x4  }
0x16b: {  	s20 =	simm.s32 $0x240;
	v12 =	vmul.f32 v10, v7;
	v10 =	vbroadcast v1, $0x3;
	v7 =	vld [tilespmem:s19+$0x1B960]  }
.LBB2_20:
0x16c: {  	s12 =	sshra.s32 s20, $0x2;
	p0 =	sne.s32 s20, $0x8DC0;
	s20 =	sadd.s32 $0x240, s20;
	v4 =	vmul.f32 v4, v11;
	v11 =	vbroadcast v1, $0x5;
	v13 =	vld [tilespmem:s19+$0x1B970]  }
0x16d: {  	v2 =	vmul.f32 v2, v8;
	v14 =	vld [tilespmem:s12+$0x1B980];
	[tilespmem:s19+$0x1B900] =	vst v12;
	v3 =	vmul.f32 v3, v10  }
0x16e: {  	v8 =	vbroadcast v1, $0x6;
	v10 =	vld [tilespmem:s12+$0x1B900];
	[tilespmem:s19+$0x1B920] =	vst v4;
	v5 =	vmul.f32 v5, v9  }
0x16f: {  	v9 =	vbroadcast v1, $0x7;
	v4 =	vld [tilespmem:s12+$0x1B920];
	[tilespmem:s19+$0x1B910] =	vst v2;
	v6 =	vmul.f32 v6, v11  }
.Ltmp13:
0x170: {  	v2 =	vld [tilespmem:s12+$0x1B910];
	[tilespmem:s19+$0x1B930] =	vst v3;
	v7 =	vmul.f32 v7, v8;
	(pc) =	sbr.rel @p0 .LBB2_20-.Ltmp13, $4  }
0x171: {  	v3 =	vld [tilespmem:s12+$0x1B930];
	[tilespmem:s19+$0x1B940] =	vst v5;
	v13 =	vmul.f32 v13, v9  }
0x172: {  	v12 =	vbroadcast v14, $0x0;
	v8 =	vbroadcast v14, $0x1;
	v5 =	vld [tilespmem:s12+$0x1B940];
	[tilespmem:s19+$0x1B950] =	vst v6;
	v1 =	vmov v14  }
0x173: {  	v11 =	vbroadcast v1, $0x2;
	v9 =	vbroadcast v1, $0x4;
	v6 =	vld [tilespmem:s12+$0x1B950];
	[tilespmem:s19+$0x1B960] =	vst v7  }
0x174: {  	v12 =	vmul.f32 v12, v10;
	v10 =	vbroadcast v1, $0x3;
	v7 =	vld [tilespmem:s12+$0x1B960];
	[tilespmem:s19+$0x1B970] =	vst v13;
	s19 =	smov.u32 s12  }
0x175: {  	v4 =	vmul.f32 v4, v11  }
0x176: {  	v60 =	vld [tilespmem:s19+$0x1B970];
	v2 =	vmul.f32 v2, v8;
	[tilespmem:s19+$0x1B900] =	vst v12  }
0x177: {  	v61 =	vbroadcast v1, $0x5;
	v3 =	vmul.f32 v3, v10;
	[tilespmem:s19+$0x1B920] =	vst v4  }
0x178: {  	v63 =	vbroadcast v1, $0x6;
	s12 =	sadd.s32 $0x4, s16;
	v62 =	vmul.f32 v5, v9;
	[tilespmem:s19+$0x1B910] =	vst v2  }
0x179: {  	v1 =	vbroadcast v1, $0x7;
	p0 =	sge.u32 s12, s18;
	v2 =	vmul.f32 v6, v61;
	[tilespmem:s19+$0x1B930] =	vst v3  }
0x17a: {  	s16 =	sand.u32 @!p0 $0x7, s12;
	v3 =	vmul.f32 v7, v63;
	[tilespmem:s19+$0x1B940] =	vst v62  }
0x17b: {  	p1 =	sne.s32 @!p0 s16, $0x0;
	v1 =	vmul.f32 v60, v1;
	[tilespmem:s19+$0x1B950] =	vst v2  }
0x17c: {  	p1 =	por p1, p0;
	[tilespmem:s19+$0x1B960] =	vst v3  }
0x17d: {  	s12 =	sadd.s32 @!p1 s17, s12;
	[tilespmem:s19+$0x1B970] =	vst v1;
	s19 =	simm.s32 @!p0 $0x6  }
0x17e: {  	s12 =	sshll.u32 @!p1 s12, $0x4;
	_ =	swait.ge @!p0 [sflag:s19], $0x2400  }
0x17f: {  	s12 =	sand.u32 @!p1 $0x1FFFFF80, s12;
	[sflag:s19] =	ssyncset.done @!p0 $0x0  }
0x180: {  	s12 =	sadd.s32 @!p1 s4, s12;
	[sflag:s19] =	ssyncadd.s32 @!p0 $0xFFFFDC00;
	s19 =	simm.s32 @!p1 $0x0  }
0x181: {  	[tilespmem:s19], [sflag:$0xA] =	stream.linear.gather @!p1 [hbm4b:s12+s19], $0x400, $0x38;
	[tilespmem:$0x1E100] =	vst v63  }
0x182: {  	s12 =	simm.s32 @!p1 $0xA  }
0x183: {  	_ =	swait.ge @!p1 [sflag:s12], $0x400  }
0x184: {  	[sflag:s12] =	ssyncset.done @!p1 $0x0  }
0x185: {  	[sflag:s12] =	ssyncadd.s32 @!p1 $0xFFFFFC00;
	s12 =	sshll.u32 @!p0 s16, $0x7  }
0x186: {  	v1 =	vld @!p0 [tilespmem:s12+$0x0];
	_ =	sdelay $0x4  }
0x187: {  	[tilespmem:$0x19000] =	vst @!p0 v1  }
0x188: {  	v1 =	vld @!p0 [tilespmem:s12+$0x40];
	_ =	sdelay $0x4  }
0x189: {  	[tilespmem:$0x19040] =	vst @!p0 v1  }
0x18a: {  	v1 =	vld @!p0 [tilespmem:s12+$0x10];
	_ =	sdelay $0x4  }
0x18b: {  	[tilespmem:$0x19010] =	vst @!p0 v1  }
0x18c: {  	v1 =	vld @!p0 [tilespmem:s12+$0x50];
	_ =	sdelay $0x4  }
0x18d: {  	[tilespmem:$0x19050] =	vst @!p0 v1  }
0x18e: {  	v1 =	vld @!p0 [tilespmem:s12+$0x20];
	_ =	sdelay $0x4  }
0x18f: {  	[tilespmem:$0x19020] =	vst @!p0 v1  }
0x190: {  	v1 =	vld @!p0 [tilespmem:s12+$0x60];
	_ =	sdelay $0x4  }
0x191: {  	[tilespmem:$0x19060] =	vst @!p0 v1  }
0x192: {  	v1 =	vld @!p0 [tilespmem:s12+$0x30];
	_ =	sdelay $0x4  }
0x193: {  	[tilespmem:$0x19030] =	vst @!p0 v1  }
0x194: {  	v1 =	vld @!p0 [tilespmem:s12+$0x70];
	_ =	sdelay $0x4  }
0x195: {  	s19 =	simm.s32 @!p0 $0x1B480;
	s16 =	simm.s32 @!p0 $0x19040;
	s12 =	simm.s32 @!p0 $0x40;
	[tilespmem:$0x19070] =	vst @!p0 v1  }
0x196: {  	[tilespmem:s19], [sflag:$0x4] =	stream.indirect.gather @!p0 [hbm4b:s6+s12], $0x10, s16, s12, $0xb8;
	[tilespmem:$0x1E100] =	vst v63  }
.Ltmp14:
0x197: {  	_ = 	snop;
	(pc) =	sbr.rel .LBB2_22-.Ltmp14, $4  }
0x198: {  	s16 =	simm.s32 @!p0 $0x19000;
	s19 =	simm.s32 @!p0 $0x19080  }
0x199: {  	[tilespmem:s19], [sflag:$0x5] =	stream.indirect.gather @!p0 [hbm4b:s5+s12], $0x90, s16, s12, $0xb8;
	[tilespmem:$0x1E100] =	vst v63  }
0x19a: {  	_ = 	snop  }
0x19b: {  	[spmem:s2] =	stream.indirect.scatter.add.f32 [tilespmem:s11], [sflag:$0x9], $0x90, s10, s25, $0xb8;
	[tilespmem:$0x1E100] =	vst v63  }
.LBB2_24:
0x19c: {  	_ =	sfence.sel $0x180000  }
0x19d: {  	[bflag:$0x0] =	sbarrier.arrive $0xFFFF  }
0x19e: {  	_ =	strace $0x90000047  }
0x19f: {  	s0 =	stileid.u32;
	[bflag:$0x2] =	sbarrier.arrive $0xFFFF  }
0x1a0: {  	p0 =	sne.s32 s0, $0x0;
	s0 =	rddreg [dreg:$0x2]  }
0x1a1: {  	s0 =	sadd.s32 @!p0 $0x100000, s0  }
0x1a2: {  	[sflag:s0] =	ssyncadd.tile.s32 @!p0 $0x1;
	_ =	shalt  }
.Lfunc_end2:
_tile_overlayer_lowered:
.L_overlay_start_2:
0x1a3: {  	(tag) =	ssettag $0x2  }
0x1a4: {  	s0 =	rddreg [dreg:$0x0];
	s2 =	stileid.u32  }
0x1a5: {  	s1 =	rddreg [dreg:$0x1];
	p0 =	sne.s32 s2, $0x0  }
0x1a6: {  	s3 =	rddreg [dreg:$0x2];
	[bflag:$0x3] =	sbarrier.arrive $0xFFFF;
	s2 =	simm.s32 @!p0 $0x1C0A  }
0x1a7: {  	[timem:s3], [sflag:s2] =	dma.local @!p0 [hbm:s0], s1  }
0x1a8: {  	s0 =	simm.s32 @!p0 $0xA  }
0x1a9: {  	_ =	swait.ge @!p0 [sflag:s0], s1  }
0x1aa: {  	s1 =	ssub.s32 @!p0 $0x0, s1;
	[sflag:s0] =	ssyncset.done @!p0 $0x0  }
0x1ab: {  	[sflag:s0] =	ssyncadd.s32 @!p0 s1  }
0x1ac: {  	[bflag:$0x3] =	sbarrier.arrive $0xFFFF  }
0x1ad: {  	_ =	shalt  }

</sc_bundles>
